<compile_context>
chip_gen: v7x
topology: tpu7x:2x2x1
jax: 0.10.2.dev20260603
libtpu: 0.0.44.dev20260713+nightly
codegen_flags: <defaults>
</compile_context>

<pallas_src>
import functools

import jax
import jax.numpy as jnp
from jax import lax
from jax.experimental import pallas as pl
from jax.experimental.pallas import tpu as pltpu
from jax.experimental.pallas import tpu_sc as plsc

_NC = 2
_NS = 16
_NW = _NC * _NS
_C = 8


def _sc_body1(S, C, b0, x_hbm, pe_hbm, out_hbm,
              xb0, xb1, pb0, pb1, sx0, sx1, spe0, spe1, so0, so1):
    D = x_hbm.shape[1]
    SEG = D // 16
    SW = S // _NW
    NCH = SW // C

    xb = (xb0, xb1)
    pb = (pb0, pb1)
    sx = (sx0, sx1)
    spe = (spe0, spe1)
    so = (so0, so1)

    wid = lax.axis_index("s") * _NC + lax.axis_index("c")
    seq_base = wid * SW

    def start_chunk(c, g):
        row = seq_base + c * C
        pltpu.async_copy(pe_hbm.at[pl.ds(row, C)], pb[g], spe[g])
        pltpu.async_copy(x_hbm.at[pl.ds(b0 * S + row, C)], xb[g], sx[g])

    def wait_in(g):
        pltpu.make_async_copy(pe_hbm.at[pl.ds(0, C)], pb[g], spe[g]).wait()
        pltpu.make_async_copy(x_hbm.at[pl.ds(0, C)], xb[g], sx[g]).wait()

    def wait_out(g):
        pltpu.make_async_copy(xb[g], out_hbm.at[pl.ds(0, C)], so[g]).wait()

    def compute(g):
        def row_body(i, _):
            for j in range(SEG):
                sl = pl.ds(j * 16, 16)
                xb[g][i, sl] = xb[g][i, sl] + pb[g][i, sl]
            return 0

        lax.fori_loop(0, C, row_body, 0)

    def store_chunk(c, g):
        row = seq_base + c * C
        pltpu.async_copy(xb[g], out_hbm.at[pl.ds(row, C)], so[g])

    start_chunk(0, 0)

    def kblock(k, _):
        for pc in (0, 1):
            c = 2 * k + pc
            g, og = pc, 1 - pc

            @pl.when(c + 1 < NCH)
            def _prefetch():
                @pl.when(c >= 1)
                def _drain():
                    wait_out(og)

                start_chunk(c + 1, og)

            wait_in(g)
            compute(g)
            store_chunk(c, g)
        return 0

    lax.fori_loop(0, NCH // 2, kblock, 0)
    wait_out(0)
    wait_out(1)


def _sc_last_batch(x2, pe, S, D, b0):
    mesh = plsc.VectorSubcoreMesh(core_axis_name="c", subcore_axis_name="s")
    return pl.kernel(
        functools.partial(_sc_body1, S, _C, b0),
        out_type=jax.ShapeDtypeStruct((S, D), x2.dtype),
        mesh=mesh,
        scratch_types=(
            [pltpu.VMEM((_C, D), jnp.float32) for _ in range(4)]
            + [pltpu.SemaphoreType.DMA for _ in range(6)]
        ),
    )(x2, pe[:S])


def _tc_add_kernel(x_ref, pe_ref, o_ref):
    o_ref[...] = x_ref[...] + pe_ref[...]


def _tc_batches(x, pe, nb):
    B, S, D = x.shape
    BS = 512
    grid = (S // BS, nb)
    return pl.pallas_call(
        _tc_add_kernel,
        grid=grid,
        in_specs=[
            pl.BlockSpec((1, BS, D), lambda i, j: (j, i, 0)),
            pl.BlockSpec((BS, D), lambda i, j: (i, 0)),
        ],
        out_specs=pl.BlockSpec((1, BS, D), lambda i, j: (j, i, 0)),
        out_shape=jax.ShapeDtypeStruct((nb, S, D), x.dtype),
    )(x, pe[:S])


def kernel(x, pe):
    B, S, D = x.shape
    out_tc = _tc_batches(x, pe, B - 1)
    out_sc = _sc_last_batch(x.reshape(B * S, D), pe, S, D, B - 1)
    return jnp.concatenate([out_tc, out_sc[None]], axis=0)

# --- scband reference (transcript-rebuilt; emitter-appended) ---
"""Pipeline reference for scband-learned-positional-encoding-46978352284033 (READ-ONLY COPY).

The authoritative reference and input builder live on the scoring server;
editing this copy changes nothing except your own understanding.
"""

import jax, jax.numpy as jnp
import numpy as np

D_MODEL = 1024
MAX_SEQ_LEN = 4096
BATCH = 4
SEQ_LEN = 4096

def setup_inputs(seed: int = 0) -> dict:
    key = jax.random.key(seed)
    kx, kpe = jax.random.split(key)
    x = jax.random.normal(kx, (BATCH, SEQ_LEN, D_MODEL), dtype=jnp.float32)
    pe = jax.random.normal(kpe, (MAX_SEQ_LEN, D_MODEL), dtype=jnp.float32) * 0.02
    return {"x": x, "pe": pe}

def reference(x, pe):
    # LearnedPositionalEncoding.forward (dropout p=0.0 -> identity, eval behavior)
    bs, seq_len, d_model = x.shape
    positions = jnp.arange(0, seq_len)  # [seq_len]
    pos_emb = jnp.take(pe, positions, axis=0)  # embedding lookup -> [seq_len, d_model]
    out = x + pos_emb[None, :, :]
    return out

if __name__ == "__main__":
    import jax
    _d = setup_inputs()
    print(jax.jit(kernel)(*tuple(_d.values())))

</pallas_src>

<mosaic_0001>
#map = affine_map<(d0, d1) -> (0, 0)>
module attributes {stable_mosaic.version = 14 : i64} {
  func.func @_sc_body1(%arg0: i32, %arg1: i32, %arg2: memref<16384x1024xf32, #tpu.memory_space<hbm>>, %arg3: memref<4096x1024xf32, #tpu.memory_space<hbm>>, %arg4: memref<4096x1024xf32, #tpu.memory_space<hbm>>, %arg5: memref<8x1024xf32, #tpu.memory_space<vmem>>, %arg6: memref<8x1024xf32, #tpu.memory_space<vmem>>, %arg7: memref<8x1024xf32, #tpu.memory_space<vmem>>, %arg8: memref<8x1024xf32, #tpu.memory_space<vmem>>, %arg9: memref<!tpu.dma_semaphore, #tpu.memory_space<semaphore_mem>>, %arg10: memref<!tpu.dma_semaphore, #tpu.memory_space<semaphore_mem>>, %arg11: memref<!tpu.dma_semaphore, #tpu.memory_space<semaphore_mem>>, %arg12: memref<!tpu.dma_semaphore, #tpu.memory_space<semaphore_mem>>, %arg13: memref<!tpu.dma_semaphore, #tpu.memory_space<semaphore_mem>>, %arg14: memref<!tpu.dma_semaphore, #tpu.memory_space<semaphore_mem>>) attributes {dimension_semantics = [#tpu.dimension_semantics<core_parallel>, #tpu.dimension_semantics<subcore_parallel>], iteration_bounds = array<i64: 2, 16>, scalar_prefetch = 0 : i64, scratch_operands = 10 : i64, tpu.core_type = #tpu.core_type<sc_vector_subcore>, window_params = [{transform_indices = #map}, {transform_indices = #map}, {transform_indices = #map}]} {
    %mul3A = arith.constant 2 : i32
    %mul3A_0 = arith.muli %arg1, %mul3A : i32
    %add3A = arith.addi %mul3A_0, %arg0 : i32
    %mul3A_1 = arith.constant 128 : i32
    %mul3A_2 = arith.muli %add3A, %mul3A_1 : i32
    %add3A_3 = arith.constant 0 : i32
    %add3A_4 = arith.addi %mul3A_2, %add3A_3 : i32
    %dma_start3A = arith.constant 0 : i32
    %dma_start3A_5 = tpu.memref_slice %arg3[%add3A_4, %dma_start3A] : memref<4096x1024xf32, #tpu.memory_space<hbm>> -> memref<8x1024xf32, #tpu.memory_space<hbm>>
    %dma_start3A_6 = arith.constant 0 : i32
    %dma_start3A_7 = tpu.memref_slice %arg3[%add3A_4, %dma_start3A_6] : memref<4096x1024xf32, #tpu.memory_space<hbm>> -> memref<8x1024xf32, #tpu.memory_space<hbm>>
    tpu.enqueue_dma source(%dma_start3A_7 : memref<8x1024xf32, #tpu.memory_space<hbm>>) target(%arg7 : memref<8x1024xf32, #tpu.memory_space<vmem>>) target_semaphore(%arg11 : memref<!tpu.dma_semaphore, #tpu.memory_space<semaphore_mem>>)
    %add3A_8 = arith.constant 12288 : i32
    %add3A_9 = arith.addi %add3A_8, %add3A_4 : i32
    %dma_start3A_10 = arith.constant 0 : i32
    %dma_start3A_11 = tpu.memref_slice %arg2[%add3A_9, %dma_start3A_10] : memref<16384x1024xf32, #tpu.memory_space<hbm>> -> memref<8x1024xf32, #tpu.memory_space<hbm>>
    %dma_start3A_12 = arith.constant 0 : i32
    %dma_start3A_13 = tpu.memref_slice %arg2[%add3A_9, %dma_start3A_12] : memref<16384x1024xf32, #tpu.memory_space<hbm>> -> memref<8x1024xf32, #tpu.memory_space<hbm>>
    tpu.enqueue_dma source(%dma_start3A_13 : memref<8x1024xf32, #tpu.memory_space<hbm>>) target(%arg5 : memref<8x1024xf32, #tpu.memory_space<vmem>>) target_semaphore(%arg9 : memref<!tpu.dma_semaphore, #tpu.memory_space<semaphore_mem>>)
    %scan3A = arith.constant 0 : i32
    %scan3A_14 = arith.constant 0 : i32
    %scan3A_15 = arith.constant 8 : i32
    %scan3A_16 = arith.addi %scan3A_14, %scan3A_15 : i32
    %scan3A_17 = arith.constant 1 : i32
    %scan3A_18 = scf.for %scan3A_31 = %scan3A_14 to %scan3A_16 step %scan3A_17 iter_args(%scan3A_32 = %scan3A) -> (i32)  : i32 {
      %mul3A_33 = arith.constant 2 : i32
      %mul3A_34 = arith.muli %mul3A_33, %scan3A_31 : i32
      %add3A_35 = arith.constant 0 : i32
      %add3A_36 = arith.addi %mul3A_34, %add3A_35 : i32
      %add3A_37 = arith.constant 1 : i32
      %add3A_38 = arith.addi %add3A_36, %add3A_37 : i32
      %lt3A = arith.constant 16 : i32
      %lt3A_39 = arith.cmpi slt, %add3A_38, %lt3A : i32
      %convert_element_type3A = arith.extui %lt3A_39 : i1 to i32
      %cond3A = arith.constant 0 : i32
      %cond3A_40 = arith.cmpi ne, %convert_element_type3A, %cond3A : i32
      scf.if %cond3A_40 {
        %ge3A = arith.constant 1 : i32
        %ge3A_105 = arith.cmpi sge, %add3A_36, %ge3A : i32
        %convert_element_type3A_106 = arith.extui %ge3A_105 : i1 to i32
        %cond3A_107 = arith.constant 0 : i32
        %cond3A_108 = arith.cmpi ne, %convert_element_type3A_106, %cond3A_107 : i32
        scf.if %cond3A_108 {
          %dma_wait3A_124 = arith.constant 0 : i32
          %dma_wait3A_125 = arith.constant 0 : i32
          %dma_wait3A_126 = tpu.memref_slice %arg4[%dma_wait3A_124, %dma_wait3A_125] : memref<4096x1024xf32, #tpu.memory_space<hbm>> -> memref<8x1024xf32, #tpu.memory_space<hbm>>
          %dma_wait3A_127 = arith.constant 0 : i32
          %dma_wait3A_128 = arith.constant 0 : i32
          %dma_wait3A_129 = tpu.memref_slice %arg4[%dma_wait3A_127, %dma_wait3A_128] : memref<4096x1024xf32, #tpu.memory_space<hbm>> -> memref<8x1024xf32, #tpu.memory_space<hbm>>
          tpu.wait_dma2 semaphore(%arg14 : memref<!tpu.dma_semaphore, #tpu.memory_space<semaphore_mem>>) src(%arg6 : memref<8x1024xf32, #tpu.memory_space<vmem>>) dst(%dma_wait3A_129 : memref<8x1024xf32, #tpu.memory_space<hbm>>)
        } else {
        }
        %add3A_109 = arith.constant 1 : i32
        %add3A_110 = arith.addi %add3A_36, %add3A_109 : i32
        %mul3A_111 = arith.constant 8 : i32
        %mul3A_112 = arith.muli %add3A_110, %mul3A_111 : i32
        %add3A_113 = arith.addi %mul3A_2, %mul3A_112 : i32
        %dma_start3A_114 = arith.constant 0 : i32
        %dma_start3A_115 = tpu.memref_slice %arg3[%add3A_113, %dma_start3A_114] : memref<4096x1024xf32, #tpu.memory_space<hbm>> -> memref<8x1024xf32, #tpu.memory_space<hbm>>
        %dma_start3A_116 = arith.constant 0 : i32
        %dma_start3A_117 = tpu.memref_slice %arg3[%add3A_113, %dma_start3A_116] : memref<4096x1024xf32, #tpu.memory_space<hbm>> -> memref<8x1024xf32, #tpu.memory_space<hbm>>
        tpu.enqueue_dma source(%dma_start3A_117 : memref<8x1024xf32, #tpu.memory_space<hbm>>) target(%arg8 : memref<8x1024xf32, #tpu.memory_space<vmem>>) target_semaphore(%arg12 : memref<!tpu.dma_semaphore, #tpu.memory_space<semaphore_mem>>)
        %add3A_118 = arith.constant 12288 : i32
        %add3A_119 = arith.addi %add3A_118, %add3A_113 : i32
        %dma_start3A_120 = arith.constant 0 : i32
        %dma_start3A_121 = tpu.memref_slice %arg2[%add3A_119, %dma_start3A_120] : memref<16384x1024xf32, #tpu.memory_space<hbm>> -> memref<8x1024xf32, #tpu.memory_space<hbm>>
        %dma_start3A_122 = arith.constant 0 : i32
        %dma_start3A_123 = tpu.memref_slice %arg2[%add3A_119, %dma_start3A_122] : memref<16384x1024xf32, #tpu.memory_space<hbm>> -> memref<8x1024xf32, #tpu.memory_space<hbm>>
        tpu.enqueue_dma source(%dma_start3A_123 : memref<8x1024xf32, #tpu.memory_space<hbm>>) target(%arg6 : memref<8x1024xf32, #tpu.memory_space<vmem>>) target_semaphore(%arg10 : memref<!tpu.dma_semaphore, #tpu.memory_space<semaphore_mem>>)
      } else {
      }
      %dma_wait3A_41 = arith.constant 0 : i32
      %dma_wait3A_42 = arith.constant 0 : i32
      %dma_wait3A_43 = tpu.memref_slice %arg3[%dma_wait3A_41, %dma_wait3A_42] : memref<4096x1024xf32, #tpu.memory_space<hbm>> -> memref<8x1024xf32, #tpu.memory_space<hbm>>
      %dma_wait3A_44 = arith.constant 0 : i32
      %dma_wait3A_45 = arith.constant 0 : i32
      %dma_wait3A_46 = tpu.memref_slice %arg3[%dma_wait3A_44, %dma_wait3A_45] : memref<4096x1024xf32, #tpu.memory_space<hbm>> -> memref<8x1024xf32, #tpu.memory_space<hbm>>
      tpu.wait_dma2 semaphore(%arg11 : memref<!tpu.dma_semaphore, #tpu.memory_space<semaphore_mem>>) src(%dma_wait3A_46 : memref<8x1024xf32, #tpu.memory_space<hbm>>) dst(%arg7 : memref<8x1024xf32, #tpu.memory_space<vmem>>)
      %dma_wait3A_47 = arith.constant 0 : i32
      %dma_wait3A_48 = arith.constant 0 : i32
      %dma_wait3A_49 = tpu.memref_slice %arg2[%dma_wait3A_47, %dma_wait3A_48] : memref<16384x1024xf32, #tpu.memory_space<hbm>> -> memref<8x1024xf32, #tpu.memory_space<hbm>>
      %dma_wait3A_50 = arith.constant 0 : i32
      %dma_wait3A_51 = arith.constant 0 : i32
      %dma_wait3A_52 = tpu.memref_slice %arg2[%dma_wait3A_50, %dma_wait3A_51] : memref<16384x1024xf32, #tpu.memory_space<hbm>> -> memref<8x1024xf32, #tpu.memory_space<hbm>>
      tpu.wait_dma2 semaphore(%arg9 : memref<!tpu.dma_semaphore, #tpu.memory_space<semaphore_mem>>) src(%dma_wait3A_52 : memref<8x1024xf32, #tpu.memory_space<hbm>>) dst(%arg5 : memref<8x1024xf32, #tpu.memory_space<vmem>>)
      %scan3A_53 = arith.constant 0 : i32
      %scan3A_54 = arith.constant 0 : i32
      %scan3A_55 = arith.constant 8 : i32
      %scan3A_56 = arith.addi %scan3A_54, %scan3A_55 : i32
      %scan3A_57 = arith.constant 1 : i32
      %scan3A_58 = scf.for %scan3A_105 = %scan3A_54 to %scan3A_56 step %scan3A_57 iter_args(%scan3A_106 = %scan3A_53) -> (i32)  : i32 {
        %get3A = arith.index_cast %scan3A_105 : i32 to index
        %get3A_107 = arith.constant 0 : index
        %get3A_108 = tpu.vector_load %arg5[%get3A, %get3A_107] {strides = array<i32>} : memref<8x1024xf32, #tpu.memory_space<vmem>>, vector<1x16xf32>,
        %get3A_109 = vector.shape_cast %get3A_108 : vector<1x16xf32> to vector<16xf32>
        %get3A_110 = arith.index_cast %scan3A_105 : i32 to index
        %get3A_111 = arith.constant 0 : index
        %get3A_112 = tpu.vector_load %arg7[%get3A_110, %get3A_111] {strides = array<i32>} : memref<8x1024xf32, #tpu.memory_space<vmem>>, vector<1x16xf32>,
        %get3A_113 = vector.shape_cast %get3A_112 : vector<1x16xf32> to vector<16xf32>
        %add3A_114 = arith.addf %get3A_109, %get3A_113 : vector<16xf32>
        %swap3A = arith.index_cast %scan3A_105 : i32 to index
        %swap3A_115 = arith.constant 0 : index
        %swap3A_116 = tpu.vector_load %arg5[%swap3A, %swap3A_115] {strides = array<i32>} : memref<8x1024xf32, #tpu.memory_space<vmem>>, vector<1x16xf32>,
        %swap3A_117 = vector.shape_cast %swap3A_116 : vector<1x16xf32> to vector<16xf32>
        %swap3A_118 = vector.shape_cast %add3A_114 : vector<16xf32> to vector<1x16xf32>
        tpu.vector_store %arg5[%swap3A, %swap3A_115], %swap3A_118 {strides = array<i32>} : memref<8x1024xf32, #tpu.memory_space<vmem>>, vector<1x16xf32>,
        %get3A_119 = arith.index_cast %scan3A_105 : i32 to index
        %get3A_120 = arith.constant 16 : index
        %get3A_121 = tpu.vector_load %arg5[%get3A_119, %get3A_120] {strides = array<i32>} : memref<8x1024xf32, #tpu.memory_space<vmem>>, vector<1x16xf32>,
        %get3A_122 = vector.shape_cast %get3A_121 : vector<1x16xf32> to vector<16xf32>
        %get3A_123 = arith.index_cast %scan3A_105 : i32 to index
        %get3A_124 = arith.constant 16 : index
        %get3A_125 = tpu.vector_load %arg7[%get3A_123, %get3A_124] {strides = array<i32>} : memref<8x1024xf32, #tpu.memory_space<vmem>>, vector<1x16xf32>,
        %get3A_126 = vector.shape_cast %get3A_125 : vector<1x16xf32> to vector<16xf32>
        %add3A_127 = arith.addf %get3A_122, %get3A_126 : vector<16xf32>
        %swap3A_128 = arith.index_cast %scan3A_105 : i32 to index
        %swap3A_129 = arith.constant 16 : index
        %swap3A_130 = tpu.vector_load %arg5[%swap3A_128, %swap3A_129] {strides = array<i32>} : memref<8x1024xf32, #tpu.memory_space<vmem>>, vector<1x16xf32>,
        %swap3A_131 = vector.shape_cast %swap3A_130 : vector<1x16xf32> to vector<16xf32>
        %swap3A_132 = vector.shape_cast %add3A_127 : vector<16xf32> to vector<1x16xf32>
        tpu.vector_store %arg5[%swap3A_128, %swap3A_129], %swap3A_132 {strides = array<i32>} : memref<8x1024xf32, #tpu.memory_space<vmem>>, vector<1x16xf32>,
        %get3A_133 = arith.index_cast %scan3A_105 : i32 to index
        %get3A_134 = arith.constant 32 : index
        %get3A_135 = tpu.vector_load %arg5[%get3A_133, %get3A_134] {strides = array<i32>} : memref<8x1024xf32, #tpu.memory_space<vmem>>, vector<1x16xf32>,
        %get3A_136 = vector.shape_cast %get3A_135 : vector<1x16xf32> to vector<16xf32>
        %get3A_137 = arith.index_cast %scan3A_105 : i32 to index
        %get3A_138 = arith.constant 32 : index
        %get3A_139 = tpu.vector_load %arg7[%get3A_137, %get3A_138] {strides = array<i32>} : memref<8x1024xf32, #tpu.memory_space<vmem>>, vector<1x16xf32>,
        %get3A_140 = vector.shape_cast %get3A_139 : vector<1x16xf32> to vector<16xf32>
        %add3A_141 = arith.addf %get3A_136, %get3A_140 : vector<16xf32>
        %swap3A_142 = arith.index_cast %scan3A_105 : i32 to index
        %swap3A_143 = arith.constant 32 : index
        %swap3A_144 = tpu.vector_load %arg5[%swap3A_142, %swap3A_143] {strides = array<i32>} : memref<8x1024xf32, #tpu.memory_space<vmem>>, vector<1x16xf32>,
        %swap3A_145 = vector.shape_cast %swap3A_144 : vector<1x16xf32> to vector<16xf32>
        %swap3A_146 = vector.shape_cast %add3A_141 : vector<16xf32> to vector<1x16xf32>
        tpu.vector_store %arg5[%swap3A_142, %swap3A_143], %swap3A_146 {strides = array<i32>} : memref<8x1024xf32, #tpu.memory_space<vmem>>, vector<1x16xf32>,
        %get3A_147 = arith.index_cast %scan3A_105 : i32 to index
        %get3A_148 = arith.constant 48 : index
        %get3A_149 = tpu.vector_load %arg5[%get3A_147, %get3A_148] {strides = array<i32>} : memref<8x1024xf32, #tpu.memory_space<vmem>>, vector<1x16xf32>,
        %get3A_150 = vector.shape_cast %get3A_149 : vector<1x16xf32> to vector<16xf32>
        %get3A_151 = arith.index_cast %scan3A_105 : i32 to index
        %get3A_152 = arith.constant 48 : index
        %get3A_153 = tpu.vector_load %arg7[%get3A_151, %get3A_152] {strides = array<i32>} : memref<8x1024xf32, #tpu.memory_space<vmem>>, vector<1x16xf32>,
        %get3A_154 = vector.shape_cast %get3A_153 : vector<1x16xf32> to vector<16xf32>
        %add3A_155 = arith.addf %get3A_150, %get3A_154 : vector<16xf32>
        %swap3A_156 = arith.index_cast %scan3A_105 : i32 to index
        %swap3A_157 = arith.constant 48 : index
        %swap3A_158 = tpu.vector_load %arg5[%swap3A_156, %swap3A_157] {strides = array<i32>} : memref<8x1024xf32, #tpu.memory_space<vmem>>, vector<1x16xf32>,
        %swap3A_159 = vector.shape_cast %swap3A_158 : vector<1x16xf32> to vector<16xf32>
        %swap3A_160 = vector.shape_cast %add3A_155 : vector<16xf32> to vector<1x16xf32>
        tpu.vector_store %arg5[%swap3A_156, %swap3A_157], %swap3A_160 {strides = array<i32>} : memref<8x1024xf32, #tpu.memory_space<vmem>>, vector<1x16xf32>,
        %get3A_161 = arith.index_cast %scan3A_105 : i32 to index
        %get3A_162 = arith.constant 64 : index
        %get3A_163 = tpu.vector_load %arg5[%get3A_161, %get3A_162] {strides = array<i32>} : memref<8x1024xf32, #tpu.memory_space<vmem>>, vector<1x16xf32>,
        %get3A_164 = vector.shape_cast %get3A_163 : vector<1x16xf32> to vector<16xf32>
        %get3A_165 = arith.index_cast %scan3A_105 : i32 to index
        %get3A_166 = arith.constant 64 : index
        %get3A_167 = tpu.vector_load %arg7[%get3A_165, %get3A_166] {strides = array<i32>} : memref<8x1024xf32, #tpu.memory_space<vmem>>, vector<1x16xf32>,
        %get3A_168 = vector.shape_cast %get3A_167 : vector<1x16xf32> to vector<16xf32>
        %add3A_169 = arith.addf %get3A_164, %get3A_168 : vector<16xf32>
        %swap3A_170 = arith.index_cast %scan3A_105 : i32 to index
        %swap3A_171 = arith.constant 64 : index
        %swap3A_172 = tpu.vector_load %arg5[%swap3A_170, %swap3A_171] {strides = array<i32>} : memref<8x1024xf32, #tpu.memory_space<vmem>>, vector<1x16xf32>,
        %swap3A_173 = vector.shape_cast %swap3A_172 : vector<1x16xf32> to vector<16xf32>
        %swap3A_174 = vector.shape_cast %add3A_169 : vector<16xf32> to vector<1x16xf32>
        tpu.vector_store %arg5[%swap3A_170, %swap3A_171], %swap3A_174 {strides = array<i32>} : memref<8x1024xf32, #tpu.memory_space<vmem>>, vector<1x16xf32>,
        %get3A_175 = arith.index_cast %scan3A_105 : i32 to index
        %get3A_176 = arith.constant 80 : index
        %get3A_177 = tpu.vector_load %arg5[%get3A_175, %get3A_176] {strides = array<i32>} : memref<8x1024xf32, #tpu.memory_space<vmem>>, vector<1x16xf32>,
        %get3A_178 = vector.shape_cast %get3A_177 : vector<1x16xf32> to vector<16xf32>
        %get3A_179 = arith.index_cast %scan3A_105 : i32 to index
        %get3A_180 = arith.constant 80 : index
        %get3A_181 = tpu.vector_load %arg7[%get3A_179, %get3A_180] {strides = array<i32>} : memref<8x1024xf32, #tpu.memory_space<vmem>>, vector<1x16xf32>,
        %get3A_182 = vector.shape_cast %get3A_181 : vector<1x16xf32> to vector<16xf32>
        %add3A_183 = arith.addf %get3A_178, %get3A_182 : vector<16xf32>
        %swap3A_184 = arith.index_cast %scan3A_105 : i32 to index
        %swap3A_185 = arith.constant 80 : index
        %swap3A_186 = tpu.vector_load %arg5[%swap3A_184, %swap3A_185] {strides = array<i32>} : memref<8x1024xf32, #tpu.memory_space<vmem>>, vector<1x16xf32>,
        %swap3A_187 = vector.shape_cast %swap3A_186 : vector<1x16xf32> to vector<16xf32>
        %swap3A_188 = vector.shape_cast %add3A_183 : vector<16xf32> to vector<1x16xf32>
        tpu.vector_store %arg5[%swap3A_184, %swap3A_185], %swap3A_188 {strides = array<i32>} : memref<8x1024xf32, #tpu.memory_space<vmem>>, vector<1x16xf32>,
        %get3A_189 = arith.index_cast %scan3A_105 : i32 to index
        %get3A_190 = arith.constant 96 : index
        %get3A_191 = tpu.vector_load %arg5[%get3A_189, %get3A_190] {strides = array<i32>} : memref<8x1024xf32, #tpu.memory_space<vmem>>, vector<1x16xf32>,
        %get3A_192 = vector.shape_cast %get3A_191 : vector<1x16xf32> to vector<16xf32>
        %get3A_193 = arith.index_cast %scan3A_105 : i32 to index
        %get3A_194 = arith.constant 96 : index
        %get3A_195 = tpu.vector_load %arg7[%get3A_193, %get3A_194] {strides = array<i32>} : memref<8x1024xf32, #tpu.memory_space<vmem>>, vector<1x16xf32>,
        %get3A_196 = vector.shape_cast %get3A_195 : vector<1x16xf32> to vector<16xf32>
        %add3A_197 = arith.addf %get3A_192, %get3A_196 : vector<16xf32>
        %swap3A_198 = arith.index_cast %scan3A_105 : i32 to index
        %swap3A_199 = arith.constant 96 : index
        %swap3A_200 = tpu.vector_load %arg5[%swap3A_198, %swap3A_199] {strides = array<i32>} : memref<8x1024xf32, #tpu.memory_space<vmem>>, vector<1x16xf32>,
        %swap3A_201 = vector.shape_cast %swap3A_200 : vector<1x16xf32> to vector<16xf32>
        %swap3A_202 = vector.shape_cast %add3A_197 : vector<16xf32> to vector<1x16xf32>
        tpu.vector_store %arg5[%swap3A_198, %swap3A_199], %swap3A_202 {strides = array<i32>} : memref<8x1024xf32, #tpu.memory_space<vmem>>, vector<1x16xf32>,
        %get3A_203 = arith.index_cast %scan3A_105 : i32 to index
        %get3A_204 = arith.constant 112 : index
        %get3A_205 = tpu.vector_load %arg5[%get3A_203, %get3A_204] {strides = array<i32>} : memref<8x1024xf32, #tpu.memory_space<vmem>>, vector<1x16xf32>,
        %get3A_206 = vector.shape_cast %get3A_205 : vector<1x16xf32> to vector<16xf32>
        %get3A_207 = arith.index_cast %scan3A_105 : i32 to index
        %get3A_208 = arith.constant 112 : index
        %get3A_209 = tpu.vector_load %arg7[%get3A_207, %get3A_208] {strides = array<i32>} : memref<8x1024xf32, #tpu.memory_space<vmem>>, vector<1x16xf32>,
        %get3A_210 = vector.shape_cast %get3A_209 : vector<1x16xf32> to vector<16xf32>
        %add3A_211 = arith.addf %get3A_206, %get3A_210 : vector<16xf32>
        %swap3A_212 = arith.index_cast %scan3A_105 : i32 to index
        %swap3A_213 = arith.constant 112 : index
        %swap3A_214 = tpu.vector_load %arg5[%swap3A_212, %swap3A_213] {strides = array<i32>} : memref<8x1024xf32, #tpu.memory_space<vmem>>, vector<1x16xf32>,
        %swap3A_215 = vector.shape_cast %swap3A_214 : vector<1x16xf32> to vector<16xf32>
        %swap3A_216 = vector.shape_cast %add3A_211 : vector<16xf32> to vector<1x16xf32>
        tpu.vector_store %arg5[%swap3A_212, %swap3A_213], %swap3A_216 {strides = array<i32>} : memref<8x1024xf32, #tpu.memory_space<vmem>>, vector<1x16xf32>,
        %get3A_217 = arith.index_cast %scan3A_105 : i32 to index
        %get3A_218 = arith.constant 128 : index
        %get3A_219 = tpu.vector_load %arg5[%get3A_217, %get3A_218] {strides = array<i32>} : memref<8x1024xf32, #tpu.memory_space<vmem>>, vector<1x16xf32>,
        %get3A_220 = vector.shape_cast %get3A_219 : vector<1x16xf32> to vector<16xf32>
        %get3A_221 = arith.index_cast %scan3A_105 : i32 to index
        %get3A_222 = arith.constant 128 : index
        %get3A_223 = tpu.vector_load %arg7[%get3A_221, %get3A_222] {strides = array<i32>} : memref<8x1024xf32, #tpu.memory_space<vmem>>, vector<1x16xf32>,
        %get3A_224 = vector.shape_cast %get3A_223 : vector<1x16xf32> to vector<16xf32>
        %add3A_225 = arith.addf %get3A_220, %get3A_224 : vector<16xf32>
        %swap3A_226 = arith.index_cast %scan3A_105 : i32 to index
        %swap3A_227 = arith.constant 128 : index
        %swap3A_228 = tpu.vector_load %arg5[%swap3A_226, %swap3A_227] {strides = array<i32>} : memref<8x1024xf32, #tpu.memory_space<vmem>>, vector<1x16xf32>,
        %swap3A_229 = vector.shape_cast %swap3A_228 : vector<1x16xf32> to vector<16xf32>
        %swap3A_230 = vector.shape_cast %add3A_225 : vector<16xf32> to vector<1x16xf32>
        tpu.vector_store %arg5[%swap3A_226, %swap3A_227], %swap3A_230 {strides = array<i32>} : memref<8x1024xf32, #tpu.memory_space<vmem>>, vector<1x16xf32>,
        %get3A_231 = arith.index_cast %scan3A_105 : i32 to index
        %get3A_232 = arith.constant 144 : index
        %get3A_233 = tpu.vector_load %arg5[%get3A_231, %get3A_232] {strides = array<i32>} : memref<8x1024xf32, #tpu.memory_space<vmem>>, vector<1x16xf32>,
        %get3A_234 = vector.shape_cast %get3A_233 : vector<1x16xf32> to vector<16xf32>
        %get3A_235 = arith.index_cast %scan3A_105 : i32 to index
        %get3A_236 = arith.constant 144 : index
        %get3A_237 = tpu.vector_load %arg7[%get3A_235, %get3A_236] {strides = array<i32>} : memref<8x1024xf32, #tpu.memory_space<vmem>>, vector<1x16xf32>,
        %get3A_238 = vector.shape_cast %get3A_237 : vector<1x16xf32> to vector<16xf32>
        %add3A_239 = arith.addf %get3A_234, %get3A_238 : vector<16xf32>
        %swap3A_240 = arith.index_cast %scan3A_105 : i32 to index
        %swap3A_241 = arith.constant 144 : index
        %swap3A_242 = tpu.vector_load %arg5[%swap3A_240, %swap3A_241] {strides = array<i32>} : memref<8x1024xf32, #tpu.memory_space<vmem>>, vector<1x16xf32>,
        %swap3A_243 = vector.shape_cast %swap3A_242 : vector<1x16xf32> to vector<16xf32>
        %swap3A_244 = vector.shape_cast %add3A_239 : vector<16xf32> to vector<1x16xf32>
        tpu.vector_store %arg5[%swap3A_240, %swap3A_241], %swap3A_244 {strides = array<i32>} : memref<8x1024xf32, #tpu.memory_space<vmem>>, vector<1x16xf32>,
        %get3A_245 = arith.index_cast %scan3A_105 : i32 to index
        %get3A_246 = arith.constant 160 : index
        %get3A_247 = tpu.vector_load %arg5[%get3A_245, %get3A_246] {strides = array<i32>} : memref<8x1024xf32, #tpu.memory_space<vmem>>, vector<1x16xf32>,
        %get3A_248 = vector.shape_cast %get3A_247 : vector<1x16xf32> to vector<16xf32>
        %get3A_249 = arith.index_cast %scan3A_105 : i32 to index
        %get3A_250 = arith.constant 160 : index
        %get3A_251 = tpu.vector_load %arg7[%get3A_249, %get3A_250] {strides = array<i32>} : memref<8x1024xf32, #tpu.memory_space<vmem>>, vector<1x16xf32>,
        %get3A_252 = vector.shape_cast %get3A_251 : vector<1x16xf32> to vector<16xf32>
        %add3A_253 = arith.addf %get3A_248, %get3A_252 : vector<16xf32>
        %swap3A_254 = arith.index_cast %scan3A_105 : i32 to index
        %swap3A_255 = arith.constant 160 : index
        %swap3A_256 = tpu.vector_load %arg5[%swap3A_254, %swap3A_255] {strides = array<i32>} : memref<8x1024xf32, #tpu.memory_space<vmem>>, vector<1x16xf32>,
        %swap3A_257 = vector.shape_cast %swap3A_256 : vector<1x16xf32> to vector<16xf32>
        %swap3A_258 = vector.shape_cast %add3A_253 : vector<16xf32> to vector<1x16xf32>
        tpu.vector_store %arg5[%swap3A_254, %swap3A_255], %swap3A_258 {strides = array<i32>} : memref<8x1024xf32, #tpu.memory_space<vmem>>, vector<1x16xf32>,
        %get3A_259 = arith.index_cast %scan3A_105 : i32 to index
        %get3A_260 = arith.constant 176 : index
        %get3A_261 = tpu.vector_load %arg5[%get3A_259, %get3A_260] {strides = array<i32>} : memref<8x1024xf32, #tpu.memory_space<vmem>>, vector<1x16xf32>,
        %get3A_262 = vector.shape_cast %get3A_261 : vector<1x16xf32> to vector<16xf32>
        %get3A_263 = arith.index_cast %scan3A_105 : i32 to index
        %get3A_264 = arith.constant 176 : index
        %get3A_265 = tpu.vector_load %arg7[%get3A_263, %get3A_264] {strides = array<i32>} : memref<8x1024xf32, #tpu.memory_space<vmem>>, vector<1x16xf32>,
        %get3A_266 = vector.shape_cast %get3A_265 : vector<1x16xf32> to vector<16xf32>
        %add3A_267 = arith.addf %get3A_262, %get3A_266 : vector<16xf32>
        %swap3A_268 = arith.index_cast %scan3A_105 : i32 to index
        %swap3A_269 = arith.constant 176 : index
        %swap3A_270 = tpu.vector_load %arg5[%swap3A_268, %swap3A_269] {strides = array<i32>} : memref<8x1024xf32, #tpu.memory_space<vmem>>, vector<1x16xf32>,
        %swap3A_271 = vector.shape_cast %swap3A_270 : vector<1x16xf32> to vector<16xf32>
        %swap3A_272 = vector.shape_cast %add3A_267 : vector<16xf32> to vector<1x16xf32>
        tpu.vector_store %arg5[%swap3A_268, %swap3A_269], %swap3A_272 {strides = array<i32>} : memref<8x1024xf32, #tpu.memory_space<vmem>>, vector<1x16xf32>,
        %get3A_273 = arith.index_cast %scan3A_105 : i32 to index
        %get3A_274 = arith.constant 192 : index
        %get3A_275 = tpu.vector_load %arg5[%get3A_273, %get3A_274] {strides = array<i32>} : memref<8x1024xf32, #tpu.memory_space<vmem>>, vector<1x16xf32>,
        %get3A_276 = vector.shape_cast %get3A_275 : vector<1x16xf32> to vector<16xf32>
        %get3A_277 = arith.index_cast %scan3A_105 : i32 to index
        %get3A_278 = arith.constant 192 : index
        %get3A_279 = tpu.vector_load %arg7[%get3A_277, %get3A_278] {strides = array<i32>} : memref<8x1024xf32, #tpu.memory_space<vmem>>, vector<1x16xf32>,
        %get3A_280 = vector.shape_cast %get3A_279 : vector<1x16xf32> to vector<16xf32>
        %add3A_281 = arith.addf %get3A_276, %get3A_280 : vector<16xf32>
        %swap3A_282 = arith.index_cast %scan3A_105 : i32 to index
        %swap3A_283 = arith.constant 192 : index
        %swap3A_284 = tpu.vector_load %arg5[%swap3A_282, %swap3A_283] {strides = array<i32>} : memref<8x1024xf32, #tpu.memory_space<vmem>>, vector<1x16xf32>,
        %swap3A_285 = vector.shape_cast %swap3A_284 : vector<1x16xf32> to vector<16xf32>
        %swap3A_286 = vector.shape_cast %add3A_281 : vector<16xf32> to vector<1x16xf32>
        tpu.vector_store %arg5[%swap3A_282, %swap3A_283], %swap3A_286 {strides = array<i32>} : memref<8x1024xf32, #tpu.memory_space<vmem>>, vector<1x16xf32>,
        %get3A_287 = arith.index_cast %scan3A_105 : i32 to index
        %get3A_288 = arith.constant 208 : index
        %get3A_289 = tpu.vector_load %arg5[%get3A_287, %get3A_288] {strides = array<i32>} : memref<8x1024xf32, #tpu.memory_space<vmem>>, vector<1x16xf32>,
        %get3A_290 = vector.shape_cast %get3A_289 : vector<1x16xf32> to vector<16xf32>
        %get3A_291 = arith.index_cast %scan3A_105 : i32 to index
        %get3A_292 = arith.constant 208 : index
        %get3A_293 = tpu.vector_load %arg7[%get3A_291, %get3A_292] {strides = array<i32>} : memref<8x1024xf32, #tpu.memory_space<vmem>>, vector<1x16xf32>,
        %get3A_294 = vector.shape_cast %get3A_293 : vector<1x16xf32> to vector<16xf32>
        %add3A_295 = arith.addf %get3A_290, %get3A_294 : vector<16xf32>
        %swap3A_296 = arith.index_cast %scan3A_105 : i32 to index
        %swap3A_297 = arith.constant 208 : index
        %swap3A_298 = tpu.vector_load %arg5[%swap3A_296, %swap3A_297] {strides = array<i32>} : memref<8x1024xf32, #tpu.memory_space<vmem>>, vector<1x16xf32>,
        %swap3A_299 = vector.shape_cast %swap3A_298 : vector<1x16xf32> to vector<16xf32>
        %swap3A_300 = vector.shape_cast %add3A_295 : vector<16xf32> to vector<1x16xf32>
        tpu.vector_store %arg5[%swap3A_296, %swap3A_297], %swap3A_300 {strides = array<i32>} : memref<8x1024xf32, #tpu.memory_space<vmem>>, vector<1x16xf32>,
        %get3A_301 = arith.index_cast %scan3A_105 : i32 to index
        %get3A_302 = arith.constant 224 : index
        %get3A_303 = tpu.vector_load %arg5[%get3A_301, %get3A_302] {strides = array<i32>} : memref<8x1024xf32, #tpu.memory_space<vmem>>, vector<1x16xf32>,
        %get3A_304 = vector.shape_cast %get3A_303 : vector<1x16xf32> to vector<16xf32>
        %get3A_305 = arith.index_cast %scan3A_105 : i32 to index
        %get3A_306 = arith.constant 224 : index
        %get3A_307 = tpu.vector_load %arg7[%get3A_305, %get3A_306] {strides = array<i32>} : memref<8x1024xf32, #tpu.memory_space<vmem>>, vector<1x16xf32>,
        %get3A_308 = vector.shape_cast %get3A_307 : vector<1x16xf32> to vector<16xf32>
        %add3A_309 = arith.addf %get3A_304, %get3A_308 : vector<16xf32>
        %swap3A_310 = arith.index_cast %scan3A_105 : i32 to index
        %swap3A_311 = arith.constant 224 : index
        %swap3A_312 = tpu.vector_load %arg5[%swap3A_310, %swap3A_311] {strides = array<i32>} : memref<8x1024xf32, #tpu.memory_space<vmem>>, vector<1x16xf32>,
        %swap3A_313 = vector.shape_cast %swap3A_312 : vector<1x16xf32> to vector<16xf32>
        %swap3A_314 = vector.shape_cast %add3A_309 : vector<16xf32> to vector<1x16xf32>
        tpu.vector_store %arg5[%swap3A_310, %swap3A_311], %swap3A_314 {strides = array<i32>} : memref<8x1024xf32, #tpu.memory_space<vmem>>, vector<1x16xf32>,
        %get3A_315 = arith.index_cast %scan3A_105 : i32 to index
        %get3A_316 = arith.constant 240 : index
        %get3A_317 = tpu.vector_load %arg5[%get3A_315, %get3A_316] {strides = array<i32>} : memref<8x1024xf32, #tpu.memory_space<vmem>>, vector<1x16xf32>,
        %get3A_318 = vector.shape_cast %get3A_317 : vector<1x16xf32> to vector<16xf32>
        %get3A_319 = arith.index_cast %scan3A_105 : i32 to index
        %get3A_320 = arith.constant 240 : index
        %get3A_321 = tpu.vector_load %arg7[%get3A_319, %get3A_320] {strides = array<i32>} : memref<8x1024xf32, #tpu.memory_space<vmem>>, vector<1x16xf32>,
        %get3A_322 = vector.shape_cast %get3A_321 : vector<1x16xf32> to vector<16xf32>
        %add3A_323 = arith.addf %get3A_318, %get3A_322 : vector<16xf32>
        %swap3A_324 = arith.index_cast %scan3A_105 : i32 to index
        %swap3A_325 = arith.constant 240 : index
        %swap3A_326 = tpu.vector_load %arg5[%swap3A_324, %swap3A_325] {strides = array<i32>} : memref<8x1024xf32, #tpu.memory_space<vmem>>, vector<1x16xf32>,
        %swap3A_327 = vector.shape_cast %swap3A_326 : vector<1x16xf32> to vector<16xf32>
        %swap3A_328 = vector.shape_cast %add3A_323 : vector<16xf32> to vector<1x16xf32>
        tpu.vector_store %arg5[%swap3A_324, %swap3A_325], %swap3A_328 {strides = array<i32>} : memref<8x1024xf32, #tpu.memory_space<vmem>>, vector<1x16xf32>,
        %get3A_329 = arith.index_cast %scan3A_105 : i32 to index
        %get3A_330 = arith.constant 256 : index
        %get3A_331 = tpu.vector_load %arg5[%get3A_329, %get3A_330] {strides = array<i32>} : memref<8x1024xf32, #tpu.memory_space<vmem>>, vector<1x16xf32>,
        %get3A_332 = vector.shape_cast %get3A_331 : vector<1x16xf32> to vector<16xf32>
        %get3A_333 = arith.index_cast %scan3A_105 : i32 to index
        %get3A_334 = arith.constant 256 : index
        %get3A_335 = tpu.vector_load %arg7[%get3A_333, %get3A_334] {strides = array<i32>} : memref<8x1024xf32, #tpu.memory_space<vmem>>, vector<1x16xf32>,
        %get3A_336 = vector.shape_cast %get3A_335 : vector<1x16xf32> to vector<16xf32>
        %add3A_337 = arith.addf %get3A_332, %get3A_336 : vector<16xf32>
        %swap3A_338 = arith.index_cast %scan3A_105 : i32 to index
        %swap3A_339 = arith.constant 256 : index
        %swap3A_340 = tpu.vector_load %arg5[%swap3A_338, %swap3A_339] {strides = array<i32>} : memref<8x1024xf32, #tpu.memory_space<vmem>>, vector<1x16xf32>,
        %swap3A_341 = vector.shape_cast %swap3A_340 : vector<1x16xf32> to vector<16xf32>
        %swap3A_342 = vector.shape_cast %add3A_337 : vector<16xf32> to vector<1x16xf32>
        tpu.vector_store %arg5[%swap3A_338, %swap3A_339], %swap3A_342 {strides = array<i32>} : memref<8x1024xf32, #tpu.memory_space<vmem>>, vector<1x16xf32>,
        %get3A_343 = arith.index_cast %scan3A_105 : i32 to index
        %get3A_344 = arith.constant 272 : index
        %get3A_345 = tpu.vector_load %arg5[%get3A_343, %get3A_344] {strides = array<i32>} : memref<8x1024xf32, #tpu.memory_space<vmem>>, vector<1x16xf32>,
        %get3A_346 = vector.shape_cast %get3A_345 : vector<1x16xf32> to vector<16xf32>
        %get3A_347 = arith.index_cast %scan3A_105 : i32 to index
        %get3A_348 = arith.constant 272 : index
        %get3A_349 = tpu.vector_load %arg7[%get3A_347, %get3A_348] {strides = array<i32>} : memref<8x1024xf32, #tpu.memory_space<vmem>>, vector<1x16xf32>,
        %get3A_350 = vector.shape_cast %get3A_349 : vector<1x16xf32> to vector<16xf32>
        %add3A_351 = arith.addf %get3A_346, %get3A_350 : vector<16xf32>
        %swap3A_352 = arith.index_cast %scan3A_105 : i32 to index
        %swap3A_353 = arith.constant 272 : index
        %swap3A_354 = tpu.vector_load %arg5[%swap3A_352, %swap3A_353] {strides = array<i32>} : memref<8x1024xf32, #tpu.memory_space<vmem>>, vector<1x16xf32>,
        %swap3A_355 = vector.shape_cast %swap3A_354 : vector<1x16xf32> to vector<16xf32>
        %swap3A_356 = vector.shape_cast %add3A_351 : vector<16xf32> to vector<1x16xf32>
        tpu.vector_store %arg5[%swap3A_352, %swap3A_353], %swap3A_356 {strides = array<i32>} : memref<8x1024xf32, #tpu.memory_space<vmem>>, vector<1x16xf32>,
        %get3A_357 = arith.index_cast %scan3A_105 : i32 to index
        %get3A_358 = arith.constant 288 : index
        %get3A_359 = tpu.vector_load %arg5[%get3A_357, %get3A_358] {strides = array<i32>} : memref<8x1024xf32, #tpu.memory_space<vmem>>, vector<1x16xf32>,
        %get3A_360 = vector.shape_cast %get3A_359 : vector<1x16xf32> to vector<16xf32>
        %get3A_361 = arith.index_cast %scan3A_105 : i32 to index
        %get3A_362 = arith.constant 288 : index
        %get3A_363 = tpu.vector_load %arg7[%get3A_361, %get3A_362] {strides = array<i32>} : memref<8x1024xf32, #tpu.memory_space<vmem>>, vector<1x16xf32>,
        %get3A_364 = vector.shape_cast %get3A_363 : vector<1x16xf32> to vector<16xf32>
        %add3A_365 = arith.addf %get3A_360, %get3A_364 : vector<16xf32>
        %swap3A_366 = arith.index_cast %scan3A_105 : i32 to index
        %swap3A_367 = arith.constant 288 : index
        %swap3A_368 = tpu.vector_load %arg5[%swap3A_366, %swap3A_367] {strides = array<i32>} : memref<8x1024xf32, #tpu.memory_space<vmem>>, vector<1x16xf32>,
        %swap3A_369 = vector.shape_cast %swap3A_368 : vector<1x16xf32> to vector<16xf32>
        %swap3A_370 = vector.shape_cast %add3A_365 : vector<16xf32> to vector<1x16xf32>
        tpu.vector_store %arg5[%swap3A_366, %swap3A_367], %swap3A_370 {strides = array<i32>} : memref<8x1024xf32, #tpu.memory_space<vmem>>, vector<1x16xf32>,
        %get3A_371 = arith.index_cast %scan3A_105 : i32 to index
        %get3A_372 = arith.constant 304 : index
        %get3A_373 = tpu.vector_load %arg5[%get3A_371, %get3A_372] {strides = array<i32>} : memref<8x1024xf32, #tpu.memory_space<vmem>>, vector<1x16xf32>,
        %get3A_374 = vector.shape_cast %get3A_373 : vector<1x16xf32> to vector<16xf32>
        %get3A_375 = arith.index_cast %scan3A_105 : i32 to index
        %get3A_376 = arith.constant 304 : index
        %get3A_377 = tpu.vector_load %arg7[%get3A_375, %get3A_376] {strides = array<i32>} : memref<8x1024xf32, #tpu.memory_space<vmem>>, vector<1x16xf32>,
        %get3A_378 = vector.shape_cast %get3A_377 : vector<1x16xf32> to vector<16xf32>
        %add3A_379 = arith.addf %get3A_374, %get3A_378 : vector<16xf32>
        %swap3A_380 = arith.index_cast %scan3A_105 : i32 to index
        %swap3A_381 = arith.constant 304 : index
        %swap3A_382 = tpu.vector_load %arg5[%swap3A_380, %swap3A_381] {strides = array<i32>} : memref<8x1024xf32, #tpu.memory_space<vmem>>, vector<1x16xf32>,
        %swap3A_383 = vector.shape_cast %swap3A_382 : vector<1x16xf32> to vector<16xf32>
        %swap3A_384 = vector.shape_cast %add3A_379 : vector<16xf32> to vector<1x16xf32>
        tpu.vector_store %arg5[%swap3A_380, %swap3A_381], %swap3A_384 {strides = array<i32>} : memref<8x1024xf32, #tpu.memory_space<vmem>>, vector<1x16xf32>,
        %get3A_385 = arith.index_cast %scan3A_105 : i32 to index
        %get3A_386 = arith.constant 320 : index
        %get3A_387 = tpu.vector_load %arg5[%get3A_385, %get3A_386] {strides = array<i32>} : memref<8x1024xf32, #tpu.memory_space<vmem>>, vector<1x16xf32>,
        %get3A_388 = vector.shape_cast %get3A_387 : vector<1x16xf32> to vector<16xf32>
        %get3A_389 = arith.index_cast %scan3A_105 : i32 to index
        %get3A_390 = arith.constant 320 : index
        %get3A_391 = tpu.vector_load %arg7[%get3A_389, %get3A_390] {strides = array<i32>} : memref<8x1024xf32, #tpu.memory_space<vmem>>, vector<1x16xf32>,
        %get3A_392 = vector.shape_cast %get3A_391 : vector<1x16xf32> to vector<16xf32>
        %add3A_393 = arith.addf %get3A_388, %get3A_392 : vector<16xf32>
        %swap3A_394 = arith.index_cast %scan3A_105 : i32 to index
        %swap3A_395 = arith.constant 320 : index
        %swap3A_396 = tpu.vector_load %arg5[%swap3A_394, %swap3A_395] {strides = array<i32>} : memref<8x1024xf32, #tpu.memory_space<vmem>>, vector<1x16xf32>,
        %swap3A_397 = vector.shape_cast %swap3A_396 : vector<1x16xf32> to vector<16xf32>
        %swap3A_398 = vector.shape_cast %add3A_393 : vector<16xf32> to vector<1x16xf32>
        tpu.vector_store %arg5[%swap3A_394, %swap3A_395], %swap3A_398 {strides = array<i32>} : memref<8x1024xf32, #tpu.memory_space<vmem>>, vector<1x16xf32>,
        %get3A_399 = arith.index_cast %scan3A_105 : i32 to index
        %get3A_400 = arith.constant 336 : index
        %get3A_401 = tpu.vector_load %arg5[%get3A_399, %get3A_400] {strides = array<i32>} : memref<8x1024xf32, #tpu.memory_space<vmem>>, vector<1x16xf32>,
        %get3A_402 = vector.shape_cast %get3A_401 : vector<1x16xf32> to vector<16xf32>
        %get3A_403 = arith.index_cast %scan3A_105 : i32 to index
        %get3A_404 = arith.constant 336 : index
        %get3A_405 = tpu.vector_load %arg7[%get3A_403, %get3A_404] {strides = array<i32>} : memref<8x1024xf32, #tpu.memory_space<vmem>>, vector<1x16xf32>,
        %get3A_406 = vector.shape_cast %get3A_405 : vector<1x16xf32> to vector<16xf32>
        %add3A_407 = arith.addf %get3A_402, %get3A_406 : vector<16xf32>
        %swap3A_408 = arith.index_cast %scan3A_105 : i32 to index
        %swap3A_409 = arith.constant 336 : index
        %swap3A_410 = tpu.vector_load %arg5[%swap3A_408, %swap3A_409] {strides = array<i32>} : memref<8x1024xf32, #tpu.memory_space<vmem>>, vector<1x16xf32>,
        %swap3A_411 = vector.shape_cast %swap3A_410 : vector<1x16xf32> to vector<16xf32>
        %swap3A_412 = vector.shape_cast %add3A_407 : vector<16xf32> to vector<1x16xf32>
        tpu.vector_store %arg5[%swap3A_408, %swap3A_409], %swap3A_412 {strides = array<i32>} : memref<8x1024xf32, #tpu.memory_space<vmem>>, vector<1x16xf32>,
        %get3A_413 = arith.index_cast %scan3A_105 : i32 to index
        %get3A_414 = arith.constant 352 : index
        %get3A_415 = tpu.vector_load %arg5[%get3A_413, %get3A_414] {strides = array<i32>} : memref<8x1024xf32, #tpu.memory_space<vmem>>, vector<1x16xf32>,
        %get3A_416 = vector.shape_cast %get3A_415 : vector<1x16xf32> to vector<16xf32>
        %get3A_417 = arith.index_cast %scan3A_105 : i32 to index
        %get3A_418 = arith.constant 352 : index
        %get3A_419 = tpu.vector_load %arg7[%get3A_417, %get3A_418] {strides = array<i32>} : memref<8x1024xf32, #tpu.memory_space<vmem>>, vector<1x16xf32>,
        %get3A_420 = vector.shape_cast %get3A_419 : vector<1x16xf32> to vector<16xf32>
        %add3A_421 = arith.addf %get3A_416, %get3A_420 : vector<16xf32>
        %swap3A_422 = arith.index_cast %scan3A_105 : i32 to index
        %swap3A_423 = arith.constant 352 : index
        %swap3A_424 = tpu.vector_load %arg5[%swap3A_422, %swap3A_423] {strides = array<i32>} : memref<8x1024xf32, #tpu.memory_space<vmem>>, vector<1x16xf32>,
        %swap3A_425 = vector.shape_cast %swap3A_424 : vector<1x16xf32> to vector<16xf32>
        %swap3A_426 = vector.shape_cast %add3A_421 : vector<16xf32> to vector<1x16xf32>
        tpu.vector_store %arg5[%swap3A_422, %swap3A_423], %swap3A_426 {strides = array<i32>} : memref<8x1024xf32, #tpu.memory_space<vmem>>, vector<1x16xf32>,
        %get3A_427 = arith.index_cast %scan3A_105 : i32 to index
        %get3A_428 = arith.constant 368 : index
        %get3A_429 = tpu.vector_load %arg5[%get3A_427, %get3A_428] {strides = array<i32>} : memref<8x1024xf32, #tpu.memory_space<vmem>>, vector<1x16xf32>,
        %get3A_430 = vector.shape_cast %get3A_429 : vector<1x16xf32> to vector<16xf32>
        %get3A_431 = arith.index_cast %scan3A_105 : i32 to index
        %get3A_432 = arith.constant 368 : index
        %get3A_433 = tpu.vector_load %arg7[%get3A_431, %get3A_432] {strides = array<i32>} : memref<8x1024xf32, #tpu.memory_space<vmem>>, vector<1x16xf32>,
        %get3A_434 = vector.shape_cast %get3A_433 : vector<1x16xf32> to vector<16xf32>
        %add3A_435 = arith.addf %get3A_430, %get3A_434 : vector<16xf32>
        %swap3A_436 = arith.index_cast %scan3A_105 : i32 to index
        %swap3A_437 = arith.constant 368 : index
        %swap3A_438 = tpu.vector_load %arg5[%swap3A_436, %swap3A_437] {strides = array<i32>} : memref<8x1024xf32, #tpu.memory_space<vmem>>, vector<1x16xf32>,
        %swap3A_439 = vector.shape_cast %swap3A_438 : vector<1x16xf32> to vector<16xf32>
        %swap3A_440 = vector.shape_cast %add3A_435 : vector<16xf32> to vector<1x16xf32>
        tpu.vector_store %arg5[%swap3A_436, %swap3A_437], %swap3A_440 {strides = array<i32>} : memref<8x1024xf32, #tpu.memory_space<vmem>>, vector<1x16xf32>,
        %get3A_441 = arith.index_cast %scan3A_105 : i32 to index
        %get3A_442 = arith.constant 384 : index
        %get3A_443 = tpu.vector_load %arg5[%get3A_441, %get3A_442] {strides = array<i32>} : memref<8x1024xf32, #tpu.memory_space<vmem>>, vector<1x16xf32>,
        %get3A_444 = vector.shape_cast %get3A_443 : vector<1x16xf32> to vector<16xf32>
        %get3A_445 = arith.index_cast %scan3A_105 : i32 to index
        %get3A_446 = arith.constant 384 : index
        %get3A_447 = tpu.vector_load %arg7[%get3A_445, %get3A_446] {strides = array<i32>} : memref<8x1024xf32, #tpu.memory_space<vmem>>, vector<1x16xf32>,
        %get3A_448 = vector.shape_cast %get3A_447 : vector<1x16xf32> to vector<16xf32>
        %add3A_449 = arith.addf %get3A_444, %get3A_448 : vector<16xf32>
        %swap3A_450 = arith.index_cast %scan3A_105 : i32 to index
        %swap3A_451 = arith.constant 384 : index
        %swap3A_452 = tpu.vector_load %arg5[%swap3A_450, %swap3A_451] {strides = array<i32>} : memref<8x1024xf32, #tpu.memory_space<vmem>>, vector<1x16xf32>,
        %swap3A_453 = vector.shape_cast %swap3A_452 : vector<1x16xf32> to vector<16xf32>
        %swap3A_454 = vector.shape_cast %add3A_449 : vector<16xf32> to vector<1x16xf32>
        tpu.vector_store %arg5[%swap3A_450, %swap3A_451], %swap3A_454 {strides = array<i32>} : memref<8x1024xf32, #tpu.memory_space<vmem>>, vector<1x16xf32>,
        %get3A_455 = arith.index_cast %scan3A_105 : i32 to index
        %get3A_456 = arith.constant 400 : index
        %get3A_457 = tpu.vector_load %arg5[%get3A_455, %get3A_456] {strides = array<i32>} : memref<8x1024xf32, #tpu.memory_space<vmem>>, vector<1x16xf32>,
        %get3A_458 = vector.shape_cast %get3A_457 : vector<1x16xf32> to vector<16xf32>
        %get3A_459 = arith.index_cast %scan3A_105 : i32 to index
        %get3A_460 = arith.constant 400 : index
        %get3A_461 = tpu.vector_load %arg7[%get3A_459, %get3A_460] {strides = array<i32>} : memref<8x1024xf32, #tpu.memory_space<vmem>>, vector<1x16xf32>,
        %get3A_462 = vector.shape_cast %get3A_461 : vector<1x16xf32> to vector<16xf32>
        %add3A_463 = arith.addf %get3A_458, %get3A_462 : vector<16xf32>
        %swap3A_464 = arith.index_cast %scan3A_105 : i32 to index
        %swap3A_465 = arith.constant 400 : index
        %swap3A_466 = tpu.vector_load %arg5[%swap3A_464, %swap3A_465] {strides = array<i32>} : memref<8x1024xf32, #tpu.memory_space<vmem>>, vector<1x16xf32>,
        %swap3A_467 = vector.shape_cast %swap3A_466 : vector<1x16xf32> to vector<16xf32>
        %swap3A_468 = vector.shape_cast %add3A_463 : vector<16xf32> to vector<1x16xf32>
        tpu.vector_store %arg5[%swap3A_464, %swap3A_465], %swap3A_468 {strides = array<i32>} : memref<8x1024xf32, #tpu.memory_space<vmem>>, vector<1x16xf32>,
        %get3A_469 = arith.index_cast %scan3A_105 : i32 to index
        %get3A_470 = arith.constant 416 : index
        %get3A_471 = tpu.vector_load %arg5[%get3A_469, %get3A_470] {strides = array<i32>} : memref<8x1024xf32, #tpu.memory_space<vmem>>, vector<1x16xf32>,
        %get3A_472 = vector.shape_cast %get3A_471 : vector<1x16xf32> to vector<16xf32>
        %get3A_473 = arith.index_cast %scan3A_105 : i32 to index
        %get3A_474 = arith.constant 416 : index
        %get3A_475 = tpu.vector_load %arg7[%get3A_473, %get3A_474] {strides = array<i32>} : memref<8x1024xf32, #tpu.memory_space<vmem>>, vector<1x16xf32>,
        %get3A_476 = vector.shape_cast %get3A_475 : vector<1x16xf32> to vector<16xf32>
        %add3A_477 = arith.addf %get3A_472, %get3A_476 : vector<16xf32>
        %swap3A_478 = arith.index_cast %scan3A_105 : i32 to index
        %swap3A_479 = arith.constant 416 : index
        %swap3A_480 = tpu.vector_load %arg5[%swap3A_478, %swap3A_479] {strides = array<i32>} : memref<8x1024xf32, #tpu.memory_space<vmem>>, vector<1x16xf32>,
        %swap3A_481 = vector.shape_cast %swap3A_480 : vector<1x16xf32> to vector<16xf32>
        %swap3A_482 = vector.shape_cast %add3A_477 : vector<16xf32> to vector<1x16xf32>
        tpu.vector_store %arg5[%swap3A_478, %swap3A_479], %swap3A_482 {strides = array<i32>} : memref<8x1024xf32, #tpu.memory_space<vmem>>, vector<1x16xf32>,
        %get3A_483 = arith.index_cast %scan3A_105 : i32 to index
        %get3A_484 = arith.constant 432 : index
        %get3A_485 = tpu.vector_load %arg5[%get3A_483, %get3A_484] {strides = array<i32>} : memref<8x1024xf32, #tpu.memory_space<vmem>>, vector<1x16xf32>,
        %get3A_486 = vector.shape_cast %get3A_485 : vector<1x16xf32> to vector<16xf32>
        %get3A_487 = arith.index_cast %scan3A_105 : i32 to index
        %get3A_488 = arith.constant 432 : index
        %get3A_489 = tpu.vector_load %arg7[%get3A_487, %get3A_488] {strides = array<i32>} : memref<8x1024xf32, #tpu.memory_space<vmem>>, vector<1x16xf32>,
        %get3A_490 = vector.shape_cast %get3A_489 : vector<1x16xf32> to vector<16xf32>
        %add3A_491 = arith.addf %get3A_486, %get3A_490 : vector<16xf32>
        %swap3A_492 = arith.index_cast %scan3A_105 : i32 to index
        %swap3A_493 = arith.constant 432 : index
        %swap3A_494 = tpu.vector_load %arg5[%swap3A_492, %swap3A_493] {strides = array<i32>} : memref<8x1024xf32, #tpu.memory_space<vmem>>, vector<1x16xf32>,
        %swap3A_495 = vector.shape_cast %swap3A_494 : vector<1x16xf32> to vector<16xf32>
        %swap3A_496 = vector.shape_cast %add3A_491 : vector<16xf32> to vector<1x16xf32>
        tpu.vector_store %arg5[%swap3A_492, %swap3A_493], %swap3A_496 {strides = array<i32>} : memref<8x1024xf32, #tpu.memory_space<vmem>>, vector<1x16xf32>,
        %get3A_497 = arith.index_cast %scan3A_105 : i32 to index
        %get3A_498 = arith.constant 448 : index
        %get3A_499 = tpu.vector_load %arg5[%get3A_497, %get3A_498] {strides = array<i32>} : memref<8x1024xf32, #tpu.memory_space<vmem>>, vector<1x16xf32>,
        %get3A_500 = vector.shape_cast %get3A_499 : vector<1x16xf32> to vector<16xf32>
        %get3A_501 = arith.index_cast %scan3A_105 : i32 to index
        %get3A_502 = arith.constant 448 : index
        %get3A_503 = tpu.vector_load %arg7[%get3A_501, %get3A_502] {strides = array<i32>} : memref<8x1024xf32, #tpu.memory_space<vmem>>, vector<1x16xf32>,
        %get3A_504 = vector.shape_cast %get3A_503 : vector<1x16xf32> to vector<16xf32>
        %add3A_505 = arith.addf %get3A_500, %get3A_504 : vector<16xf32>
        %swap3A_506 = arith.index_cast %scan3A_105 : i32 to index
        %swap3A_507 = arith.constant 448 : index
        %swap3A_508 = tpu.vector_load %arg5[%swap3A_506, %swap3A_507] {strides = array<i32>} : memref<8x1024xf32, #tpu.memory_space<vmem>>, vector<1x16xf32>,
        %swap3A_509 = vector.shape_cast %swap3A_508 : vector<1x16xf32> to vector<16xf32>
        %swap3A_510 = vector.shape_cast %add3A_505 : vector<16xf32> to vector<1x16xf32>
        tpu.vector_store %arg5[%swap3A_506, %swap3A_507], %swap3A_510 {strides = array<i32>} : memref<8x1024xf32, #tpu.memory_space<vmem>>, vector<1x16xf32>,
        %get3A_511 = arith.index_cast %scan3A_105 : i32 to index
        %get3A_512 = arith.constant 464 : index
        %get3A_513 = tpu.vector_load %arg5[%get3A_511, %get3A_512] {strides = array<i32>} : memref<8x1024xf32, #tpu.memory_space<vmem>>, vector<1x16xf32>,
        %get3A_514 = vector.shape_cast %get3A_513 : vector<1x16xf32> to vector<16xf32>
        %get3A_515 = arith.index_cast %scan3A_105 : i32 to index
        %get3A_516 = arith.constant 464 : index
        %get3A_517 = tpu.vector_load %arg7[%get3A_515, %get3A_516] {strides = array<i32>} : memref<8x1024xf32, #tpu.memory_space<vmem>>, vector<1x16xf32>,
        %get3A_518 = vector.shape_cast %get3A_517 : vector<1x16xf32> to vector<16xf32>
        %add3A_519 = arith.addf %get3A_514, %get3A_518 : vector<16xf32>
        %swap3A_520 = arith.index_cast %scan3A_105 : i32 to index
        %swap3A_521 = arith.constant 464 : index
        %swap3A_522 = tpu.vector_load %arg5[%swap3A_520, %swap3A_521] {strides = array<i32>} : memref<8x1024xf32, #tpu.memory_space<vmem>>, vector<1x16xf32>,
        %swap3A_523 = vector.shape_cast %swap3A_522 : vector<1x16xf32> to vector<16xf32>
        %swap3A_524 = vector.shape_cast %add3A_519 : vector<16xf32> to vector<1x16xf32>
        tpu.vector_store %arg5[%swap3A_520, %swap3A_521], %swap3A_524 {strides = array<i32>} : memref<8x1024xf32, #tpu.memory_space<vmem>>, vector<1x16xf32>,
        %get3A_525 = arith.index_cast %scan3A_105 : i32 to index
        %get3A_526 = arith.constant 480 : index
        %get3A_527 = tpu.vector_load %arg5[%get3A_525, %get3A_526] {strides = array<i32>} : memref<8x1024xf32, #tpu.memory_space<vmem>>, vector<1x16xf32>,
        %get3A_528 = vector.shape_cast %get3A_527 : vector<1x16xf32> to vector<16xf32>
        %get3A_529 = arith.index_cast %scan3A_105 : i32 to index
        %get3A_530 = arith.constant 480 : index
        %get3A_531 = tpu.vector_load %arg7[%get3A_529, %get3A_530] {strides = array<i32>} : memref<8x1024xf32, #tpu.memory_space<vmem>>, vector<1x16xf32>,
        %get3A_532 = vector.shape_cast %get3A_531 : vector<1x16xf32> to vector<16xf32>
        %add3A_533 = arith.addf %get3A_528, %get3A_532 : vector<16xf32>
        %swap3A_534 = arith.index_cast %scan3A_105 : i32 to index
        %swap3A_535 = arith.constant 480 : index
        %swap3A_536 = tpu.vector_load %arg5[%swap3A_534, %swap3A_535] {strides = array<i32>} : memref<8x1024xf32, #tpu.memory_space<vmem>>, vector<1x16xf32>,
        %swap3A_537 = vector.shape_cast %swap3A_536 : vector<1x16xf32> to vector<16xf32>
        %swap3A_538 = vector.shape_cast %add3A_533 : vector<16xf32> to vector<1x16xf32>
        tpu.vector_store %arg5[%swap3A_534, %swap3A_535], %swap3A_538 {strides = array<i32>} : memref<8x1024xf32, #tpu.memory_space<vmem>>, vector<1x16xf32>,
        %get3A_539 = arith.index_cast %scan3A_105 : i32 to index
        %get3A_540 = arith.constant 496 : index
        %get3A_541 = tpu.vector_load %arg5[%get3A_539, %get3A_540] {strides = array<i32>} : memref<8x1024xf32, #tpu.memory_space<vmem>>, vector<1x16xf32>,
        %get3A_542 = vector.shape_cast %get3A_541 : vector<1x16xf32> to vector<16xf32>
        %get3A_543 = arith.index_cast %scan3A_105 : i32 to index
        %get3A_544 = arith.constant 496 : index
        %get3A_545 = tpu.vector_load %arg7[%get3A_543, %get3A_544] {strides = array<i32>} : memref<8x1024xf32, #tpu.memory_space<vmem>>, vector<1x16xf32>,
        %get3A_546 = vector.shape_cast %get3A_545 : vector<1x16xf32> to vector<16xf32>
        %add3A_547 = arith.addf %get3A_542, %get3A_546 : vector<16xf32>
        %swap3A_548 = arith.index_cast %scan3A_105 : i32 to index
        %swap3A_549 = arith.constant 496 : index
        %swap3A_550 = tpu.vector_load %arg5[%swap3A_548, %swap3A_549] {strides = array<i32>} : memref<8x1024xf32, #tpu.memory_space<vmem>>, vector<1x16xf32>,
        %swap3A_551 = vector.shape_cast %swap3A_550 : vector<1x16xf32> to vector<16xf32>
        %swap3A_552 = vector.shape_cast %add3A_547 : vector<16xf32> to vector<1x16xf32>
        tpu.vector_store %arg5[%swap3A_548, %swap3A_549], %swap3A_552 {strides = array<i32>} : memref<8x1024xf32, #tpu.memory_space<vmem>>, vector<1x16xf32>,
        %get3A_553 = arith.index_cast %scan3A_105 : i32 to index
        %get3A_554 = arith.constant 512 : index
        %get3A_555 = tpu.vector_load %arg5[%get3A_553, %get3A_554] {strides = array<i32>} : memref<8x1024xf32, #tpu.memory_space<vmem>>, vector<1x16xf32>,
        %get3A_556 = vector.shape_cast %get3A_555 : vector<1x16xf32> to vector<16xf32>
        %get3A_557 = arith.index_cast %scan3A_105 : i32 to index
        %get3A_558 = arith.constant 512 : index
        %get3A_559 = tpu.vector_load %arg7[%get3A_557, %get3A_558] {strides = array<i32>} : memref<8x1024xf32, #tpu.memory_space<vmem>>, vector<1x16xf32>,
        %get3A_560 = vector.shape_cast %get3A_559 : vector<1x16xf32> to vector<16xf32>
        %add3A_561 = arith.addf %get3A_556, %get3A_560 : vector<16xf32>
        %swap3A_562 = arith.index_cast %scan3A_105 : i32 to index
        %swap3A_563 = arith.constant 512 : index
        %swap3A_564 = tpu.vector_load %arg5[%swap3A_562, %swap3A_563] {strides = array<i32>} : memref<8x1024xf32, #tpu.memory_space<vmem>>, vector<1x16xf32>,
        %swap3A_565 = vector.shape_cast %swap3A_564 : vector<1x16xf32> to vector<16xf32>
        %swap3A_566 = vector.shape_cast %add3A_561 : vector<16xf32> to vector<1x16xf32>
        tpu.vector_store %arg5[%swap3A_562, %swap3A_563], %swap3A_566 {strides = array<i32>} : memref<8x1024xf32, #tpu.memory_space<vmem>>, vector<1x16xf32>,
        %get3A_567 = arith.index_cast %scan3A_105 : i32 to index
        %get3A_568 = arith.constant 528 : index
        %get3A_569 = tpu.vector_load %arg5[%get3A_567, %get3A_568] {strides = array<i32>} : memref<8x1024xf32, #tpu.memory_space<vmem>>, vector<1x16xf32>,
        %get3A_570 = vector.shape_cast %get3A_569 : vector<1x16xf32> to vector<16xf32>
        %get3A_571 = arith.index_cast %scan3A_105 : i32 to index
        %get3A_572 = arith.constant 528 : index
        %get3A_573 = tpu.vector_load %arg7[%get3A_571, %get3A_572] {strides = array<i32>} : memref<8x1024xf32, #tpu.memory_space<vmem>>, vector<1x16xf32>,
        %get3A_574 = vector.shape_cast %get3A_573 : vector<1x16xf32> to vector<16xf32>
        %add3A_575 = arith.addf %get3A_570, %get3A_574 : vector<16xf32>
        %swap3A_576 = arith.index_cast %scan3A_105 : i32 to index
        %swap3A_577 = arith.constant 528 : index
        %swap3A_578 = tpu.vector_load %arg5[%swap3A_576, %swap3A_577] {strides = array<i32>} : memref<8x1024xf32, #tpu.memory_space<vmem>>, vector<1x16xf32>,
        %swap3A_579 = vector.shape_cast %swap3A_578 : vector<1x16xf32> to vector<16xf32>
        %swap3A_580 = vector.shape_cast %add3A_575 : vector<16xf32> to vector<1x16xf32>
        tpu.vector_store %arg5[%swap3A_576, %swap3A_577], %swap3A_580 {strides = array<i32>} : memref<8x1024xf32, #tpu.memory_space<vmem>>, vector<1x16xf32>,
        %get3A_581 = arith.index_cast %scan3A_105 : i32 to index
        %get3A_582 = arith.constant 544 : index
        %get3A_583 = tpu.vector_load %arg5[%get3A_581, %get3A_582] {strides = array<i32>} : memref<8x1024xf32, #tpu.memory_space<vmem>>, vector<1x16xf32>,
        %get3A_584 = vector.shape_cast %get3A_583 : vector<1x16xf32> to vector<16xf32>
        %get3A_585 = arith.index_cast %scan3A_105 : i32 to index
        %get3A_586 = arith.constant 544 : index
        %get3A_587 = tpu.vector_load %arg7[%get3A_585, %get3A_586] {strides = array<i32>} : memref<8x1024xf32, #tpu.memory_space<vmem>>, vector<1x16xf32>,
        %get3A_588 = vector.shape_cast %get3A_587 : vector<1x16xf32> to vector<16xf32>
        %add3A_589 = arith.addf %get3A_584, %get3A_588 : vector<16xf32>
        %swap3A_590 = arith.index_cast %scan3A_105 : i32 to index
        %swap3A_591 = arith.constant 544 : index
        %swap3A_592 = tpu.vector_load %arg5[%swap3A_590, %swap3A_591] {strides = array<i32>} : memref<8x1024xf32, #tpu.memory_space<vmem>>, vector<1x16xf32>,
        %swap3A_593 = vector.shape_cast %swap3A_592 : vector<1x16xf32> to vector<16xf32>
        %swap3A_594 = vector.shape_cast %add3A_589 : vector<16xf32> to vector<1x16xf32>
        tpu.vector_store %arg5[%swap3A_590, %swap3A_591], %swap3A_594 {strides = array<i32>} : memref<8x1024xf32, #tpu.memory_space<vmem>>, vector<1x16xf32>,
        %get3A_595 = arith.index_cast %scan3A_105 : i32 to index
        %get3A_596 = arith.constant 560 : index
        %get3A_597 = tpu.vector_load %arg5[%get3A_595, %get3A_596] {strides = array<i32>} : memref<8x1024xf32, #tpu.memory_space<vmem>>, vector<1x16xf32>,
        %get3A_598 = vector.shape_cast %get3A_597 : vector<1x16xf32> to vector<16xf32>
        %get3A_599 = arith.index_cast %scan3A_105 : i32 to index
        %get3A_600 = arith.constant 560 : index
        %get3A_601 = tpu.vector_load %arg7[%get3A_599, %get3A_600] {strides = array<i32>} : memref<8x1024xf32, #tpu.memory_space<vmem>>, vector<1x16xf32>,
        %get3A_602 = vector.shape_cast %get3A_601 : vector<1x16xf32> to vector<16xf32>
        %add3A_603 = arith.addf %get3A_598, %get3A_602 : vector<16xf32>
        %swap3A_604 = arith.index_cast %scan3A_105 : i32 to index
        %swap3A_605 = arith.constant 560 : index
        %swap3A_606 = tpu.vector_load %arg5[%swap3A_604, %swap3A_605] {strides = array<i32>} : memref<8x1024xf32, #tpu.memory_space<vmem>>, vector<1x16xf32>,
        %swap3A_607 = vector.shape_cast %swap3A_606 : vector<1x16xf32> to vector<16xf32>
        %swap3A_608 = vector.shape_cast %add3A_603 : vector<16xf32> to vector<1x16xf32>
        tpu.vector_store %arg5[%swap3A_604, %swap3A_605], %swap3A_608 {strides = array<i32>} : memref<8x1024xf32, #tpu.memory_space<vmem>>, vector<1x16xf32>,
        %get3A_609 = arith.index_cast %scan3A_105 : i32 to index
        %get3A_610 = arith.constant 576 : index
        %get3A_611 = tpu.vector_load %arg5[%get3A_609, %get3A_610] {strides = array<i32>} : memref<8x1024xf32, #tpu.memory_space<vmem>>, vector<1x16xf32>,
        %get3A_612 = vector.shape_cast %get3A_611 : vector<1x16xf32> to vector<16xf32>
        %get3A_613 = arith.index_cast %scan3A_105 : i32 to index
        %get3A_614 = arith.constant 576 : index
        %get3A_615 = tpu.vector_load %arg7[%get3A_613, %get3A_614] {strides = array<i32>} : memref<8x1024xf32, #tpu.memory_space<vmem>>, vector<1x16xf32>,
        %get3A_616 = vector.shape_cast %get3A_615 : vector<1x16xf32> to vector<16xf32>
        %add3A_617 = arith.addf %get3A_612, %get3A_616 : vector<16xf32>
        %swap3A_618 = arith.index_cast %scan3A_105 : i32 to index
        %swap3A_619 = arith.constant 576 : index
        %swap3A_620 = tpu.vector_load %arg5[%swap3A_618, %swap3A_619] {strides = array<i32>} : memref<8x1024xf32, #tpu.memory_space<vmem>>, vector<1x16xf32>,
        %swap3A_621 = vector.shape_cast %swap3A_620 : vector<1x16xf32> to vector<16xf32>
        %swap3A_622 = vector.shape_cast %add3A_617 : vector<16xf32> to vector<1x16xf32>
        tpu.vector_store %arg5[%swap3A_618, %swap3A_619], %swap3A_622 {strides = array<i32>} : memref<8x1024xf32, #tpu.memory_space<vmem>>, vector<1x16xf32>,
        %get3A_623 = arith.index_cast %scan3A_105 : i32 to index
        %get3A_624 = arith.constant 592 : index
        %get3A_625 = tpu.vector_load %arg5[%get3A_623, %get3A_624] {strides = array<i32>} : memref<8x1024xf32, #tpu.memory_space<vmem>>, vector<1x16xf32>,
        %get3A_626 = vector.shape_cast %get3A_625 : vector<1x16xf32> to vector<16xf32>
        %get3A_627 = arith.index_cast %scan3A_105 : i32 to index
        %get3A_628 = arith.constant 592 : index
        %get3A_629 = tpu.vector_load %arg7[%get3A_627, %get3A_628] {strides = array<i32>} : memref<8x1024xf32, #tpu.memory_space<vmem>>, vector<1x16xf32>,
        %get3A_630 = vector.shape_cast %get3A_629 : vector<1x16xf32> to vector<16xf32>
        %add3A_631 = arith.addf %get3A_626, %get3A_630 : vector<16xf32>
        %swap3A_632 = arith.index_cast %scan3A_105 : i32 to index
        %swap3A_633 = arith.constant 592 : index
        %swap3A_634 = tpu.vector_load %arg5[%swap3A_632, %swap3A_633] {strides = array<i32>} : memref<8x1024xf32, #tpu.memory_space<vmem>>, vector<1x16xf32>,
        %swap3A_635 = vector.shape_cast %swap3A_634 : vector<1x16xf32> to vector<16xf32>
        %swap3A_636 = vector.shape_cast %add3A_631 : vector<16xf32> to vector<1x16xf32>
        tpu.vector_store %arg5[%swap3A_632, %swap3A_633], %swap3A_636 {strides = array<i32>} : memref<8x1024xf32, #tpu.memory_space<vmem>>, vector<1x16xf32>,
        %get3A_637 = arith.index_cast %scan3A_105 : i32 to index
        %get3A_638 = arith.constant 608 : index
        %get3A_639 = tpu.vector_load %arg5[%get3A_637, %get3A_638] {strides = array<i32>} : memref<8x1024xf32, #tpu.memory_space<vmem>>, vector<1x16xf32>,
        %get3A_640 = vector.shape_cast %get3A_639 : vector<1x16xf32> to vector<16xf32>
        %get3A_641 = arith.index_cast %scan3A_105 : i32 to index
        %get3A_642 = arith.constant 608 : index
        %get3A_643 = tpu.vector_load %arg7[%get3A_641, %get3A_642] {strides = array<i32>} : memref<8x1024xf32, #tpu.memory_space<vmem>>, vector<1x16xf32>,
        %get3A_644 = vector.shape_cast %get3A_643 : vector<1x16xf32> to vector<16xf32>
        %add3A_645 = arith.addf %get3A_640, %get3A_644 : vector<16xf32>
        %swap3A_646 = arith.index_cast %scan3A_105 : i32 to index
        %swap3A_647 = arith.constant 608 : index
        %swap3A_648 = tpu.vector_load %arg5[%swap3A_646, %swap3A_647] {strides = array<i32>} : memref<8x1024xf32, #tpu.memory_space<vmem>>, vector<1x16xf32>,
        %swap3A_649 = vector.shape_cast %swap3A_648 : vector<1x16xf32> to vector<16xf32>
        %swap3A_650 = vector.shape_cast %add3A_645 : vector<16xf32> to vector<1x16xf32>
        tpu.vector_store %arg5[%swap3A_646, %swap3A_647], %swap3A_650 {strides = array<i32>} : memref<8x1024xf32, #tpu.memory_space<vmem>>, vector<1x16xf32>,
        %get3A_651 = arith.index_cast %scan3A_105 : i32 to index
        %get3A_652 = arith.constant 624 : index
        %get3A_653 = tpu.vector_load %arg5[%get3A_651, %get3A_652] {strides = array<i32>} : memref<8x1024xf32, #tpu.memory_space<vmem>>, vector<1x16xf32>,
        %get3A_654 = vector.shape_cast %get3A_653 : vector<1x16xf32> to vector<16xf32>
        %get3A_655 = arith.index_cast %scan3A_105 : i32 to index
        %get3A_656 = arith.constant 624 : index
        %get3A_657 = tpu.vector_load %arg7[%get3A_655, %get3A_656] {strides = array<i32>} : memref<8x1024xf32, #tpu.memory_space<vmem>>, vector<1x16xf32>,
        %get3A_658 = vector.shape_cast %get3A_657 : vector<1x16xf32> to vector<16xf32>
        %add3A_659 = arith.addf %get3A_654, %get3A_658 : vector<16xf32>
        %swap3A_660 = arith.index_cast %scan3A_105 : i32 to index
        %swap3A_661 = arith.constant 624 : index
        %swap3A_662 = tpu.vector_load %arg5[%swap3A_660, %swap3A_661] {strides = array<i32>} : memref<8x1024xf32, #tpu.memory_space<vmem>>, vector<1x16xf32>,
        %swap3A_663 = vector.shape_cast %swap3A_662 : vector<1x16xf32> to vector<16xf32>
        %swap3A_664 = vector.shape_cast %add3A_659 : vector<16xf32> to vector<1x16xf32>
        tpu.vector_store %arg5[%swap3A_660, %swap3A_661], %swap3A_664 {strides = array<i32>} : memref<8x1024xf32, #tpu.memory_space<vmem>>, vector<1x16xf32>,
        %get3A_665 = arith.index_cast %scan3A_105 : i32 to index
        %get3A_666 = arith.constant 640 : index
        %get3A_667 = tpu.vector_load %arg5[%get3A_665, %get3A_666] {strides = array<i32>} : memref<8x1024xf32, #tpu.memory_space<vmem>>, vector<1x16xf32>,
        %get3A_668 = vector.shape_cast %get3A_667 : vector<1x16xf32> to vector<16xf32>
        %get3A_669 = arith.index_cast %scan3A_105 : i32 to index
        %get3A_670 = arith.constant 640 : index
        %get3A_671 = tpu.vector_load %arg7[%get3A_669, %get3A_670] {strides = array<i32>} : memref<8x1024xf32, #tpu.memory_space<vmem>>, vector<1x16xf32>,
        %get3A_672 = vector.shape_cast %get3A_671 : vector<1x16xf32> to vector<16xf32>
        %add3A_673 = arith.addf %get3A_668, %get3A_672 : vector<16xf32>
        %swap3A_674 = arith.index_cast %scan3A_105 : i32 to index
        %swap3A_675 = arith.constant 640 : index
        %swap3A_676 = tpu.vector_load %arg5[%swap3A_674, %swap3A_675] {strides = array<i32>} : memref<8x1024xf32, #tpu.memory_space<vmem>>, vector<1x16xf32>,
        %swap3A_677 = vector.shape_cast %swap3A_676 : vector<1x16xf32> to vector<16xf32>
        %swap3A_678 = vector.shape_cast %add3A_673 : vector<16xf32> to vector<1x16xf32>
        tpu.vector_store %arg5[%swap3A_674, %swap3A_675], %swap3A_678 {strides = array<i32>} : memref<8x1024xf32, #tpu.memory_space<vmem>>, vector<1x16xf32>,
        %get3A_679 = arith.index_cast %scan3A_105 : i32 to index
        %get3A_680 = arith.constant 656 : index
        %get3A_681 = tpu.vector_load %arg5[%get3A_679, %get3A_680] {strides = array<i32>} : memref<8x1024xf32, #tpu.memory_space<vmem>>, vector<1x16xf32>,
        %get3A_682 = vector.shape_cast %get3A_681 : vector<1x16xf32> to vector<16xf32>
        %get3A_683 = arith.index_cast %scan3A_105 : i32 to index
        %get3A_684 = arith.constant 656 : index
        %get3A_685 = tpu.vector_load %arg7[%get3A_683, %get3A_684] {strides = array<i32>} : memref<8x1024xf32, #tpu.memory_space<vmem>>, vector<1x16xf32>,
        %get3A_686 = vector.shape_cast %get3A_685 : vector<1x16xf32> to vector<16xf32>
        %add3A_687 = arith.addf %get3A_682, %get3A_686 : vector<16xf32>
        %swap3A_688 = arith.index_cast %scan3A_105 : i32 to index
        %swap3A_689 = arith.constant 656 : index
        %swap3A_690 = tpu.vector_load %arg5[%swap3A_688, %swap3A_689] {strides = array<i32>} : memref<8x1024xf32, #tpu.memory_space<vmem>>, vector<1x16xf32>,
        %swap3A_691 = vector.shape_cast %swap3A_690 : vector<1x16xf32> to vector<16xf32>
        %swap3A_692 = vector.shape_cast %add3A_687 : vector<16xf32> to vector<1x16xf32>
        tpu.vector_store %arg5[%swap3A_688, %swap3A_689], %swap3A_692 {strides = array<i32>} : memref<8x1024xf32, #tpu.memory_space<vmem>>, vector<1x16xf32>,
        %get3A_693 = arith.index_cast %scan3A_105 : i32 to index
        %get3A_694 = arith.constant 672 : index
        %get3A_695 = tpu.vector_load %arg5[%get3A_693, %get3A_694] {strides = array<i32>} : memref<8x1024xf32, #tpu.memory_space<vmem>>, vector<1x16xf32>,
        %get3A_696 = vector.shape_cast %get3A_695 : vector<1x16xf32> to vector<16xf32>
        %get3A_697 = arith.index_cast %scan3A_105 : i32 to index
        %get3A_698 = arith.constant 672 : index
        %get3A_699 = tpu.vector_load %arg7[%get3A_697, %get3A_698] {strides = array<i32>} : memref<8x1024xf32, #tpu.memory_space<vmem>>, vector<1x16xf32>,
        %get3A_700 = vector.shape_cast %get3A_699 : vector<1x16xf32> to vector<16xf32>
        %add3A_701 = arith.addf %get3A_696, %get3A_700 : vector<16xf32>
        %swap3A_702 = arith.index_cast %scan3A_105 : i32 to index
        %swap3A_703 = arith.constant 672 : index
        %swap3A_704 = tpu.vector_load %arg5[%swap3A_702, %swap3A_703] {strides = array<i32>} : memref<8x1024xf32, #tpu.memory_space<vmem>>, vector<1x16xf32>,
        %swap3A_705 = vector.shape_cast %swap3A_704 : vector<1x16xf32> to vector<16xf32>
        %swap3A_706 = vector.shape_cast %add3A_701 : vector<16xf32> to vector<1x16xf32>
        tpu.vector_store %arg5[%swap3A_702, %swap3A_703], %swap3A_706 {strides = array<i32>} : memref<8x1024xf32, #tpu.memory_space<vmem>>, vector<1x16xf32>,
        %get3A_707 = arith.index_cast %scan3A_105 : i32 to index
        %get3A_708 = arith.constant 688 : index
        %get3A_709 = tpu.vector_load %arg5[%get3A_707, %get3A_708] {strides = array<i32>} : memref<8x1024xf32, #tpu.memory_space<vmem>>, vector<1x16xf32>,
        %get3A_710 = vector.shape_cast %get3A_709 : vector<1x16xf32> to vector<16xf32>
        %get3A_711 = arith.index_cast %scan3A_105 : i32 to index
        %get3A_712 = arith.constant 688 : index
        %get3A_713 = tpu.vector_load %arg7[%get3A_711, %get3A_712] {strides = array<i32>} : memref<8x1024xf32, #tpu.memory_space<vmem>>, vector<1x16xf32>,
        %get3A_714 = vector.shape_cast %get3A_713 : vector<1x16xf32> to vector<16xf32>
        %add3A_715 = arith.addf %get3A_710, %get3A_714 : vector<16xf32>
        %swap3A_716 = arith.index_cast %scan3A_105 : i32 to index
        %swap3A_717 = arith.constant 688 : index
        %swap3A_718 = tpu.vector_load %arg5[%swap3A_716, %swap3A_717] {strides = array<i32>} : memref<8x1024xf32, #tpu.memory_space<vmem>>, vector<1x16xf32>,
        %swap3A_719 = vector.shape_cast %swap3A_718 : vector<1x16xf32> to vector<16xf32>
        %swap3A_720 = vector.shape_cast %add3A_715 : vector<16xf32> to vector<1x16xf32>
        tpu.vector_store %arg5[%swap3A_716, %swap3A_717], %swap3A_720 {strides = array<i32>} : memref<8x1024xf32, #tpu.memory_space<vmem>>, vector<1x16xf32>,
        %get3A_721 = arith.index_cast %scan3A_105 : i32 to index
        %get3A_722 = arith.constant 704 : index
        %get3A_723 = tpu.vector_load %arg5[%get3A_721, %get3A_722] {strides = array<i32>} : memref<8x1024xf32, #tpu.memory_space<vmem>>, vector<1x16xf32>,
        %get3A_724 = vector.shape_cast %get3A_723 : vector<1x16xf32> to vector<16xf32>
        %get3A_725 = arith.index_cast %scan3A_105 : i32 to index
        %get3A_726 = arith.constant 704 : index
        %get3A_727 = tpu.vector_load %arg7[%get3A_725, %get3A_726] {strides = array<i32>} : memref<8x1024xf32, #tpu.memory_space<vmem>>, vector<1x16xf32>,
        %get3A_728 = vector.shape_cast %get3A_727 : vector<1x16xf32> to vector<16xf32>
        %add3A_729 = arith.addf %get3A_724, %get3A_728 : vector<16xf32>
        %swap3A_730 = arith.index_cast %scan3A_105 : i32 to index
        %swap3A_731 = arith.constant 704 : index
        %swap3A_732 = tpu.vector_load %arg5[%swap3A_730, %swap3A_731] {strides = array<i32>} : memref<8x1024xf32, #tpu.memory_space<vmem>>, vector<1x16xf32>,
        %swap3A_733 = vector.shape_cast %swap3A_732 : vector<1x16xf32> to vector<16xf32>
        %swap3A_734 = vector.shape_cast %add3A_729 : vector<16xf32> to vector<1x16xf32>
        tpu.vector_store %arg5[%swap3A_730, %swap3A_731], %swap3A_734 {strides = array<i32>} : memref<8x1024xf32, #tpu.memory_space<vmem>>, vector<1x16xf32>,
        %get3A_735 = arith.index_cast %scan3A_105 : i32 to index
        %get3A_736 = arith.constant 720 : index
        %get3A_737 = tpu.vector_load %arg5[%get3A_735, %get3A_736] {strides = array<i32>} : memref<8x1024xf32, #tpu.memory_space<vmem>>, vector<1x16xf32>,
        %get3A_738 = vector.shape_cast %get3A_737 : vector<1x16xf32> to vector<16xf32>
        %get3A_739 = arith.index_cast %scan3A_105 : i32 to index
        %get3A_740 = arith.constant 720 : index
        %get3A_741 = tpu.vector_load %arg7[%get3A_739, %get3A_740] {strides = array<i32>} : memref<8x1024xf32, #tpu.memory_space<vmem>>, vector<1x16xf32>,
        %get3A_742 = vector.shape_cast %get3A_741 : vector<1x16xf32> to vector<16xf32>
        %add3A_743 = arith.addf %get3A_738, %get3A_742 : vector<16xf32>
        %swap3A_744 = arith.index_cast %scan3A_105 : i32 to index
        %swap3A_745 = arith.constant 720 : index
        %swap3A_746 = tpu.vector_load %arg5[%swap3A_744, %swap3A_745] {strides = array<i32>} : memref<8x1024xf32, #tpu.memory_space<vmem>>, vector<1x16xf32>,
        %swap3A_747 = vector.shape_cast %swap3A_746 : vector<1x16xf32> to vector<16xf32>
        %swap3A_748 = vector.shape_cast %add3A_743 : vector<16xf32> to vector<1x16xf32>
        tpu.vector_store %arg5[%swap3A_744, %swap3A_745], %swap3A_748 {strides = array<i32>} : memref<8x1024xf32, #tpu.memory_space<vmem>>, vector<1x16xf32>,
        %get3A_749 = arith.index_cast %scan3A_105 : i32 to index
        %get3A_750 = arith.constant 736 : index
        %get3A_751 = tpu.vector_load %arg5[%get3A_749, %get3A_750] {strides = array<i32>} : memref<8x1024xf32, #tpu.memory_space<vmem>>, vector<1x16xf32>,
        %get3A_752 = vector.shape_cast %get3A_751 : vector<1x16xf32> to vector<16xf32>
        %get3A_753 = arith.index_cast %scan3A_105 : i32 to index
        %get3A_754 = arith.constant 736 : index
        %get3A_755 = tpu.vector_load %arg7[%get3A_753, %get3A_754] {strides = array<i32>} : memref<8x1024xf32, #tpu.memory_space<vmem>>, vector<1x16xf32>,
        %get3A_756 = vector.shape_cast %get3A_755 : vector<1x16xf32> to vector<16xf32>
        %add3A_757 = arith.addf %get3A_752, %get3A_756 : vector<16xf32>
        %swap3A_758 = arith.index_cast %scan3A_105 : i32 to index
        %swap3A_759 = arith.constant 736 : index
        %swap3A_760 = tpu.vector_load %arg5[%swap3A_758, %swap3A_759] {strides = array<i32>} : memref<8x1024xf32, #tpu.memory_space<vmem>>, vector<1x16xf32>,
        %swap3A_761 = vector.shape_cast %swap3A_760 : vector<1x16xf32> to vector<16xf32>
        %swap3A_762 = vector.shape_cast %add3A_757 : vector<16xf32> to vector<1x16xf32>
        tpu.vector_store %arg5[%swap3A_758, %swap3A_759], %swap3A_762 {strides = array<i32>} : memref<8x1024xf32, #tpu.memory_space<vmem>>, vector<1x16xf32>,
        %get3A_763 = arith.index_cast %scan3A_105 : i32 to index
        %get3A_764 = arith.constant 752 : index
        %get3A_765 = tpu.vector_load %arg5[%get3A_763, %get3A_764] {strides = array<i32>} : memref<8x1024xf32, #tpu.memory_space<vmem>>, vector<1x16xf32>,
        %get3A_766 = vector.shape_cast %get3A_765 : vector<1x16xf32> to vector<16xf32>
        %get3A_767 = arith.index_cast %scan3A_105 : i32 to index
        %get3A_768 = arith.constant 752 : index
        %get3A_769 = tpu.vector_load %arg7[%get3A_767, %get3A_768] {strides = array<i32>} : memref<8x1024xf32, #tpu.memory_space<vmem>>, vector<1x16xf32>,
        %get3A_770 = vector.shape_cast %get3A_769 : vector<1x16xf32> to vector<16xf32>
        %add3A_771 = arith.addf %get3A_766, %get3A_770 : vector<16xf32>
        %swap3A_772 = arith.index_cast %scan3A_105 : i32 to index
        %swap3A_773 = arith.constant 752 : index
        %swap3A_774 = tpu.vector_load %arg5[%swap3A_772, %swap3A_773] {strides = array<i32>} : memref<8x1024xf32, #tpu.memory_space<vmem>>, vector<1x16xf32>,
        %swap3A_775 = vector.shape_cast %swap3A_774 : vector<1x16xf32> to vector<16xf32>
        %swap3A_776 = vector.shape_cast %add3A_771 : vector<16xf32> to vector<1x16xf32>
        tpu.vector_store %arg5[%swap3A_772, %swap3A_773], %swap3A_776 {strides = array<i32>} : memref<8x1024xf32, #tpu.memory_space<vmem>>, vector<1x16xf32>,
        %get3A_777 = arith.index_cast %scan3A_105 : i32 to index
        %get3A_778 = arith.constant 768 : index
        %get3A_779 = tpu.vector_load %arg5[%get3A_777, %get3A_778] {strides = array<i32>} : memref<8x1024xf32, #tpu.memory_space<vmem>>, vector<1x16xf32>,
        %get3A_780 = vector.shape_cast %get3A_779 : vector<1x16xf32> to vector<16xf32>
        %get3A_781 = arith.index_cast %scan3A_105 : i32 to index
        %get3A_782 = arith.constant 768 : index
        %get3A_783 = tpu.vector_load %arg7[%get3A_781, %get3A_782] {strides = array<i32>} : memref<8x1024xf32, #tpu.memory_space<vmem>>, vector<1x16xf32>,
        %get3A_784 = vector.shape_cast %get3A_783 : vector<1x16xf32> to vector<16xf32>
        %add3A_785 = arith.addf %get3A_780, %get3A_784 : vector<16xf32>
        %swap3A_786 = arith.index_cast %scan3A_105 : i32 to index
        %swap3A_787 = arith.constant 768 : index
        %swap3A_788 = tpu.vector_load %arg5[%swap3A_786, %swap3A_787] {strides = array<i32>} : memref<8x1024xf32, #tpu.memory_space<vmem>>, vector<1x16xf32>,
        %swap3A_789 = vector.shape_cast %swap3A_788 : vector<1x16xf32> to vector<16xf32>
        %swap3A_790 = vector.shape_cast %add3A_785 : vector<16xf32> to vector<1x16xf32>
        tpu.vector_store %arg5[%swap3A_786, %swap3A_787], %swap3A_790 {strides = array<i32>} : memref<8x1024xf32, #tpu.memory_space<vmem>>, vector<1x16xf32>,
        %get3A_791 = arith.index_cast %scan3A_105 : i32 to index
        %get3A_792 = arith.constant 784 : index
        %get3A_793 = tpu.vector_load %arg5[%get3A_791, %get3A_792] {strides = array<i32>} : memref<8x1024xf32, #tpu.memory_space<vmem>>, vector<1x16xf32>,
        %get3A_794 = vector.shape_cast %get3A_793 : vector<1x16xf32> to vector<16xf32>
        %get3A_795 = arith.index_cast %scan3A_105 : i32 to index
        %get3A_796 = arith.constant 784 : index
        %get3A_797 = tpu.vector_load %arg7[%get3A_795, %get3A_796] {strides = array<i32>} : memref<8x1024xf32, #tpu.memory_space<vmem>>, vector<1x16xf32>,
        %get3A_798 = vector.shape_cast %get3A_797 : vector<1x16xf32> to vector<16xf32>
        %add3A_799 = arith.addf %get3A_794, %get3A_798 : vector<16xf32>
        %swap3A_800 = arith.index_cast %scan3A_105 : i32 to index
        %swap3A_801 = arith.constant 784 : index
        %swap3A_802 = tpu.vector_load %arg5[%swap3A_800, %swap3A_801] {strides = array<i32>} : memref<8x1024xf32, #tpu.memory_space<vmem>>, vector<1x16xf32>,
        %swap3A_803 = vector.shape_cast %swap3A_802 : vector<1x16xf32> to vector<16xf32>
        %swap3A_804 = vector.shape_cast %add3A_799 : vector<16xf32> to vector<1x16xf32>
        tpu.vector_store %arg5[%swap3A_800, %swap3A_801], %swap3A_804 {strides = array<i32>} : memref<8x1024xf32, #tpu.memory_space<vmem>>, vector<1x16xf32>,
        %get3A_805 = arith.index_cast %scan3A_105 : i32 to index
        %get3A_806 = arith.constant 800 : index
        %get3A_807 = tpu.vector_load %arg5[%get3A_805, %get3A_806] {strides = array<i32>} : memref<8x1024xf32, #tpu.memory_space<vmem>>, vector<1x16xf32>,
        %get3A_808 = vector.shape_cast %get3A_807 : vector<1x16xf32> to vector<16xf32>
        %get3A_809 = arith.index_cast %scan3A_105 : i32 to index
        %get3A_810 = arith.constant 800 : index
        %get3A_811 = tpu.vector_load %arg7[%get3A_809, %get3A_810] {strides = array<i32>} : memref<8x1024xf32, #tpu.memory_space<vmem>>, vector<1x16xf32>,
        %get3A_812 = vector.shape_cast %get3A_811 : vector<1x16xf32> to vector<16xf32>
        %add3A_813 = arith.addf %get3A_808, %get3A_812 : vector<16xf32>
        %swap3A_814 = arith.index_cast %scan3A_105 : i32 to index
        %swap3A_815 = arith.constant 800 : index
        %swap3A_816 = tpu.vector_load %arg5[%swap3A_814, %swap3A_815] {strides = array<i32>} : memref<8x1024xf32, #tpu.memory_space<vmem>>, vector<1x16xf32>,
        %swap3A_817 = vector.shape_cast %swap3A_816 : vector<1x16xf32> to vector<16xf32>
        %swap3A_818 = vector.shape_cast %add3A_813 : vector<16xf32> to vector<1x16xf32>
        tpu.vector_store %arg5[%swap3A_814, %swap3A_815], %swap3A_818 {strides = array<i32>} : memref<8x1024xf32, #tpu.memory_space<vmem>>, vector<1x16xf32>,
        %get3A_819 = arith.index_cast %scan3A_105 : i32 to index
        %get3A_820 = arith.constant 816 : index
        %get3A_821 = tpu.vector_load %arg5[%get3A_819, %get3A_820] {strides = array<i32>} : memref<8x1024xf32, #tpu.memory_space<vmem>>, vector<1x16xf32>,
        %get3A_822 = vector.shape_cast %get3A_821 : vector<1x16xf32> to vector<16xf32>
        %get3A_823 = arith.index_cast %scan3A_105 : i32 to index
        %get3A_824 = arith.constant 816 : index
        %get3A_825 = tpu.vector_load %arg7[%get3A_823, %get3A_824] {strides = array<i32>} : memref<8x1024xf32, #tpu.memory_space<vmem>>, vector<1x16xf32>,
        %get3A_826 = vector.shape_cast %get3A_825 : vector<1x16xf32> to vector<16xf32>
        %add3A_827 = arith.addf %get3A_822, %get3A_826 : vector<16xf32>
        %swap3A_828 = arith.index_cast %scan3A_105 : i32 to index
        %swap3A_829 = arith.constant 816 : index
        %swap3A_830 = tpu.vector_load %arg5[%swap3A_828, %swap3A_829] {strides = array<i32>} : memref<8x1024xf32, #tpu.memory_space<vmem>>, vector<1x16xf32>,
        %swap3A_831 = vector.shape_cast %swap3A_830 : vector<1x16xf32> to vector<16xf32>
        %swap3A_832 = vector.shape_cast %add3A_827 : vector<16xf32> to vector<1x16xf32>
        tpu.vector_store %arg5[%swap3A_828, %swap3A_829], %swap3A_832 {strides = array<i32>} : memref<8x1024xf32, #tpu.memory_space<vmem>>, vector<1x16xf32>,
        %get3A_833 = arith.index_cast %scan3A_105 : i32 to index
        %get3A_834 = arith.constant 832 : index
        %get3A_835 = tpu.vector_load %arg5[%get3A_833, %get3A_834] {strides = array<i32>} : memref<8x1024xf32, #tpu.memory_space<vmem>>, vector<1x16xf32>,
        %get3A_836 = vector.shape_cast %get3A_835 : vector<1x16xf32> to vector<16xf32>
        %get3A_837 = arith.index_cast %scan3A_105 : i32 to index
        %get3A_838 = arith.constant 832 : index
        %get3A_839 = tpu.vector_load %arg7[%get3A_837, %get3A_838] {strides = array<i32>} : memref<8x1024xf32, #tpu.memory_space<vmem>>, vector<1x16xf32>,
        %get3A_840 = vector.shape_cast %get3A_839 : vector<1x16xf32> to vector<16xf32>
        %add3A_841 = arith.addf %get3A_836, %get3A_840 : vector<16xf32>
        %swap3A_842 = arith.index_cast %scan3A_105 : i32 to index
        %swap3A_843 = arith.constant 832 : index
        %swap3A_844 = tpu.vector_load %arg5[%swap3A_842, %swap3A_843] {strides = array<i32>} : memref<8x1024xf32, #tpu.memory_space<vmem>>, vector<1x16xf32>,
        %swap3A_845 = vector.shape_cast %swap3A_844 : vector<1x16xf32> to vector<16xf32>
        %swap3A_846 = vector.shape_cast %add3A_841 : vector<16xf32> to vector<1x16xf32>
        tpu.vector_store %arg5[%swap3A_842, %swap3A_843], %swap3A_846 {strides = array<i32>} : memref<8x1024xf32, #tpu.memory_space<vmem>>, vector<1x16xf32>,
        %get3A_847 = arith.index_cast %scan3A_105 : i32 to index
        %get3A_848 = arith.constant 848 : index
        %get3A_849 = tpu.vector_load %arg5[%get3A_847, %get3A_848] {strides = array<i32>} : memref<8x1024xf32, #tpu.memory_space<vmem>>, vector<1x16xf32>,
        %get3A_850 = vector.shape_cast %get3A_849 : vector<1x16xf32> to vector<16xf32>
        %get3A_851 = arith.index_cast %scan3A_105 : i32 to index
        %get3A_852 = arith.constant 848 : index
        %get3A_853 = tpu.vector_load %arg7[%get3A_851, %get3A_852] {strides = array<i32>} : memref<8x1024xf32, #tpu.memory_space<vmem>>, vector<1x16xf32>,
        %get3A_854 = vector.shape_cast %get3A_853 : vector<1x16xf32> to vector<16xf32>
        %add3A_855 = arith.addf %get3A_850, %get3A_854 : vector<16xf32>
        %swap3A_856 = arith.index_cast %scan3A_105 : i32 to index
        %swap3A_857 = arith.constant 848 : index
        %swap3A_858 = tpu.vector_load %arg5[%swap3A_856, %swap3A_857] {strides = array<i32>} : memref<8x1024xf32, #tpu.memory_space<vmem>>, vector<1x16xf32>,
        %swap3A_859 = vector.shape_cast %swap3A_858 : vector<1x16xf32> to vector<16xf32>
        %swap3A_860 = vector.shape_cast %add3A_855 : vector<16xf32> to vector<1x16xf32>
        tpu.vector_store %arg5[%swap3A_856, %swap3A_857], %swap3A_860 {strides = array<i32>} : memref<8x1024xf32, #tpu.memory_space<vmem>>, vector<1x16xf32>,
        %get3A_861 = arith.index_cast %scan3A_105 : i32 to index
        %get3A_862 = arith.constant 864 : index
        %get3A_863 = tpu.vector_load %arg5[%get3A_861, %get3A_862] {strides = array<i32>} : memref<8x1024xf32, #tpu.memory_space<vmem>>, vector<1x16xf32>,
        %get3A_864 = vector.shape_cast %get3A_863 : vector<1x16xf32> to vector<16xf32>
        %get3A_865 = arith.index_cast %scan3A_105 : i32 to index
        %get3A_866 = arith.constant 864 : index
        %get3A_867 = tpu.vector_load %arg7[%get3A_865, %get3A_866] {strides = array<i32>} : memref<8x1024xf32, #tpu.memory_space<vmem>>, vector<1x16xf32>,
        %get3A_868 = vector.shape_cast %get3A_867 : vector<1x16xf32> to vector<16xf32>
        %add3A_869 = arith.addf %get3A_864, %get3A_868 : vector<16xf32>
        %swap3A_870 = arith.index_cast %scan3A_105 : i32 to index
        %swap3A_871 = arith.constant 864 : index
        %swap3A_872 = tpu.vector_load %arg5[%swap3A_870, %swap3A_871] {strides = array<i32>} : memref<8x1024xf32, #tpu.memory_space<vmem>>, vector<1x16xf32>,
        %swap3A_873 = vector.shape_cast %swap3A_872 : vector<1x16xf32> to vector<16xf32>
        %swap3A_874 = vector.shape_cast %add3A_869 : vector<16xf32> to vector<1x16xf32>
        tpu.vector_store %arg5[%swap3A_870, %swap3A_871], %swap3A_874 {strides = array<i32>} : memref<8x1024xf32, #tpu.memory_space<vmem>>, vector<1x16xf32>,
        %get3A_875 = arith.index_cast %scan3A_105 : i32 to index
        %get3A_876 = arith.constant 880 : index
        %get3A_877 = tpu.vector_load %arg5[%get3A_875, %get3A_876] {strides = array<i32>} : memref<8x1024xf32, #tpu.memory_space<vmem>>, vector<1x16xf32>,
        %get3A_878 = vector.shape_cast %get3A_877 : vector<1x16xf32> to vector<16xf32>
        %get3A_879 = arith.index_cast %scan3A_105 : i32 to index
        %get3A_880 = arith.constant 880 : index
        %get3A_881 = tpu.vector_load %arg7[%get3A_879, %get3A_880] {strides = array<i32>} : memref<8x1024xf32, #tpu.memory_space<vmem>>, vector<1x16xf32>,
        %get3A_882 = vector.shape_cast %get3A_881 : vector<1x16xf32> to vector<16xf32>
        %add3A_883 = arith.addf %get3A_878, %get3A_882 : vector<16xf32>
        %swap3A_884 = arith.index_cast %scan3A_105 : i32 to index
        %swap3A_885 = arith.constant 880 : index
        %swap3A_886 = tpu.vector_load %arg5[%swap3A_884, %swap3A_885] {strides = array<i32>} : memref<8x1024xf32, #tpu.memory_space<vmem>>, vector<1x16xf32>,
        %swap3A_887 = vector.shape_cast %swap3A_886 : vector<1x16xf32> to vector<16xf32>
        %swap3A_888 = vector.shape_cast %add3A_883 : vector<16xf32> to vector<1x16xf32>
        tpu.vector_store %arg5[%swap3A_884, %swap3A_885], %swap3A_888 {strides = array<i32>} : memref<8x1024xf32, #tpu.memory_space<vmem>>, vector<1x16xf32>,
        %get3A_889 = arith.index_cast %scan3A_105 : i32 to index
        %get3A_890 = arith.constant 896 : index
        %get3A_891 = tpu.vector_load %arg5[%get3A_889, %get3A_890] {strides = array<i32>} : memref<8x1024xf32, #tpu.memory_space<vmem>>, vector<1x16xf32>,
        %get3A_892 = vector.shape_cast %get3A_891 : vector<1x16xf32> to vector<16xf32>
        %get3A_893 = arith.index_cast %scan3A_105 : i32 to index
        %get3A_894 = arith.constant 896 : index
        %get3A_895 = tpu.vector_load %arg7[%get3A_893, %get3A_894] {strides = array<i32>} : memref<8x1024xf32, #tpu.memory_space<vmem>>, vector<1x16xf32>,
        %get3A_896 = vector.shape_cast %get3A_895 : vector<1x16xf32> to vector<16xf32>
        %add3A_897 = arith.addf %get3A_892, %get3A_896 : vector<16xf32>
        %swap3A_898 = arith.index_cast %scan3A_105 : i32 to index
        %swap3A_899 = arith.constant 896 : index
        %swap3A_900 = tpu.vector_load %arg5[%swap3A_898, %swap3A_899] {strides = array<i32>} : memref<8x1024xf32, #tpu.memory_space<vmem>>, vector<1x16xf32>,
        %swap3A_901 = vector.shape_cast %swap3A_900 : vector<1x16xf32> to vector<16xf32>
        %swap3A_902 = vector.shape_cast %add3A_897 : vector<16xf32> to vector<1x16xf32>
        tpu.vector_store %arg5[%swap3A_898, %swap3A_899], %swap3A_902 {strides = array<i32>} : memref<8x1024xf32, #tpu.memory_space<vmem>>, vector<1x16xf32>,
        %get3A_903 = arith.index_cast %scan3A_105 : i32 to index
        %get3A_904 = arith.constant 912 : index
        %get3A_905 = tpu.vector_load %arg5[%get3A_903, %get3A_904] {strides = array<i32>} : memref<8x1024xf32, #tpu.memory_space<vmem>>, vector<1x16xf32>,
        %get3A_906 = vector.shape_cast %get3A_905 : vector<1x16xf32> to vector<16xf32>
        %get3A_907 = arith.index_cast %scan3A_105 : i32 to index
        %get3A_908 = arith.constant 912 : index
        %get3A_909 = tpu.vector_load %arg7[%get3A_907, %get3A_908] {strides = array<i32>} : memref<8x1024xf32, #tpu.memory_space<vmem>>, vector<1x16xf32>,
        %get3A_910 = vector.shape_cast %get3A_909 : vector<1x16xf32> to vector<16xf32>
        %add3A_911 = arith.addf %get3A_906, %get3A_910 : vector<16xf32>
        %swap3A_912 = arith.index_cast %scan3A_105 : i32 to index
        %swap3A_913 = arith.constant 912 : index
        %swap3A_914 = tpu.vector_load %arg5[%swap3A_912, %swap3A_913] {strides = array<i32>} : memref<8x1024xf32, #tpu.memory_space<vmem>>, vector<1x16xf32>,
        %swap3A_915 = vector.shape_cast %swap3A_914 : vector<1x16xf32> to vector<16xf32>
        %swap3A_916 = vector.shape_cast %add3A_911 : vector<16xf32> to vector<1x16xf32>
        tpu.vector_store %arg5[%swap3A_912, %swap3A_913], %swap3A_916 {strides = array<i32>} : memref<8x1024xf32, #tpu.memory_space<vmem>>, vector<1x16xf32>,
        %get3A_917 = arith.index_cast %scan3A_105 : i32 to index
        %get3A_918 = arith.constant 928 : index
        %get3A_919 = tpu.vector_load %arg5[%get3A_917, %get3A_918] {strides = array<i32>} : memref<8x1024xf32, #tpu.memory_space<vmem>>, vector<1x16xf32>,
        %get3A_920 = vector.shape_cast %get3A_919 : vector<1x16xf32> to vector<16xf32>
        %get3A_921 = arith.index_cast %scan3A_105 : i32 to index
        %get3A_922 = arith.constant 928 : index
        %get3A_923 = tpu.vector_load %arg7[%get3A_921, %get3A_922] {strides = array<i32>} : memref<8x1024xf32, #tpu.memory_space<vmem>>, vector<1x16xf32>,
        %get3A_924 = vector.shape_cast %get3A_923 : vector<1x16xf32> to vector<16xf32>
        %add3A_925 = arith.addf %get3A_920, %get3A_924 : vector<16xf32>
        %swap3A_926 = arith.index_cast %scan3A_105 : i32 to index
        %swap3A_927 = arith.constant 928 : index
        %swap3A_928 = tpu.vector_load %arg5[%swap3A_926, %swap3A_927] {strides = array<i32>} : memref<8x1024xf32, #tpu.memory_space<vmem>>, vector<1x16xf32>,
        %swap3A_929 = vector.shape_cast %swap3A_928 : vector<1x16xf32> to vector<16xf32>
        %swap3A_930 = vector.shape_cast %add3A_925 : vector<16xf32> to vector<1x16xf32>
        tpu.vector_store %arg5[%swap3A_926, %swap3A_927], %swap3A_930 {strides = array<i32>} : memref<8x1024xf32, #tpu.memory_space<vmem>>, vector<1x16xf32>,
        %get3A_931 = arith.index_cast %scan3A_105 : i32 to index
        %get3A_932 = arith.constant 944 : index
        %get3A_933 = tpu.vector_load %arg5[%get3A_931, %get3A_932] {strides = array<i32>} : memref<8x1024xf32, #tpu.memory_space<vmem>>, vector<1x16xf32>,
        %get3A_934 = vector.shape_cast %get3A_933 : vector<1x16xf32> to vector<16xf32>
        %get3A_935 = arith.index_cast %scan3A_105 : i32 to index
        %get3A_936 = arith.constant 944 : index
        %get3A_937 = tpu.vector_load %arg7[%get3A_935, %get3A_936] {strides = array<i32>} : memref<8x1024xf32, #tpu.memory_space<vmem>>, vector<1x16xf32>,
        %get3A_938 = vector.shape_cast %get3A_937 : vector<1x16xf32> to vector<16xf32>
        %add3A_939 = arith.addf %get3A_934, %get3A_938 : vector<16xf32>
        %swap3A_940 = arith.index_cast %scan3A_105 : i32 to index
        %swap3A_941 = arith.constant 944 : index
        %swap3A_942 = tpu.vector_load %arg5[%swap3A_940, %swap3A_941] {strides = array<i32>} : memref<8x1024xf32, #tpu.memory_space<vmem>>, vector<1x16xf32>,
        %swap3A_943 = vector.shape_cast %swap3A_942 : vector<1x16xf32> to vector<16xf32>
        %swap3A_944 = vector.shape_cast %add3A_939 : vector<16xf32> to vector<1x16xf32>
        tpu.vector_store %arg5[%swap3A_940, %swap3A_941], %swap3A_944 {strides = array<i32>} : memref<8x1024xf32, #tpu.memory_space<vmem>>, vector<1x16xf32>,
        %get3A_945 = arith.index_cast %scan3A_105 : i32 to index
        %get3A_946 = arith.constant 960 : index
        %get3A_947 = tpu.vector_load %arg5[%get3A_945, %get3A_946] {strides = array<i32>} : memref<8x1024xf32, #tpu.memory_space<vmem>>, vector<1x16xf32>,
        %get3A_948 = vector.shape_cast %get3A_947 : vector<1x16xf32> to vector<16xf32>
        %get3A_949 = arith.index_cast %scan3A_105 : i32 to index
        %get3A_950 = arith.constant 960 : index
        %get3A_951 = tpu.vector_load %arg7[%get3A_949, %get3A_950] {strides = array<i32>} : memref<8x1024xf32, #tpu.memory_space<vmem>>, vector<1x16xf32>,
        %get3A_952 = vector.shape_cast %get3A_951 : vector<1x16xf32> to vector<16xf32>
        %add3A_953 = arith.addf %get3A_948, %get3A_952 : vector<16xf32>
        %swap3A_954 = arith.index_cast %scan3A_105 : i32 to index
        %swap3A_955 = arith.constant 960 : index
        %swap3A_956 = tpu.vector_load %arg5[%swap3A_954, %swap3A_955] {strides = array<i32>} : memref<8x1024xf32, #tpu.memory_space<vmem>>, vector<1x16xf32>,
        %swap3A_957 = vector.shape_cast %swap3A_956 : vector<1x16xf32> to vector<16xf32>
        %swap3A_958 = vector.shape_cast %add3A_953 : vector<16xf32> to vector<1x16xf32>
        tpu.vector_store %arg5[%swap3A_954, %swap3A_955], %swap3A_958 {strides = array<i32>} : memref<8x1024xf32, #tpu.memory_space<vmem>>, vector<1x16xf32>,
        %get3A_959 = arith.index_cast %scan3A_105 : i32 to index
        %get3A_960 = arith.constant 976 : index
        %get3A_961 = tpu.vector_load %arg5[%get3A_959, %get3A_960] {strides = array<i32>} : memref<8x1024xf32, #tpu.memory_space<vmem>>, vector<1x16xf32>,
        %get3A_962 = vector.shape_cast %get3A_961 : vector<1x16xf32> to vector<16xf32>
        %get3A_963 = arith.index_cast %scan3A_105 : i32 to index
        %get3A_964 = arith.constant 976 : index
        %get3A_965 = tpu.vector_load %arg7[%get3A_963, %get3A_964] {strides = array<i32>} : memref<8x1024xf32, #tpu.memory_space<vmem>>, vector<1x16xf32>,
        %get3A_966 = vector.shape_cast %get3A_965 : vector<1x16xf32> to vector<16xf32>
        %add3A_967 = arith.addf %get3A_962, %get3A_966 : vector<16xf32>
        %swap3A_968 = arith.index_cast %scan3A_105 : i32 to index
        %swap3A_969 = arith.constant 976 : index
        %swap3A_970 = tpu.vector_load %arg5[%swap3A_968, %swap3A_969] {strides = array<i32>} : memref<8x1024xf32, #tpu.memory_space<vmem>>, vector<1x16xf32>,
        %swap3A_971 = vector.shape_cast %swap3A_970 : vector<1x16xf32> to vector<16xf32>
        %swap3A_972 = vector.shape_cast %add3A_967 : vector<16xf32> to vector<1x16xf32>
        tpu.vector_store %arg5[%swap3A_968, %swap3A_969], %swap3A_972 {strides = array<i32>} : memref<8x1024xf32, #tpu.memory_space<vmem>>, vector<1x16xf32>,
        %get3A_973 = arith.index_cast %scan3A_105 : i32 to index
        %get3A_974 = arith.constant 992 : index
        %get3A_975 = tpu.vector_load %arg5[%get3A_973, %get3A_974] {strides = array<i32>} : memref<8x1024xf32, #tpu.memory_space<vmem>>, vector<1x16xf32>,
        %get3A_976 = vector.shape_cast %get3A_975 : vector<1x16xf32> to vector<16xf32>
        %get3A_977 = arith.index_cast %scan3A_105 : i32 to index
        %get3A_978 = arith.constant 992 : index
        %get3A_979 = tpu.vector_load %arg7[%get3A_977, %get3A_978] {strides = array<i32>} : memref<8x1024xf32, #tpu.memory_space<vmem>>, vector<1x16xf32>,
        %get3A_980 = vector.shape_cast %get3A_979 : vector<1x16xf32> to vector<16xf32>
        %add3A_981 = arith.addf %get3A_976, %get3A_980 : vector<16xf32>
        %swap3A_982 = arith.index_cast %scan3A_105 : i32 to index
        %swap3A_983 = arith.constant 992 : index
        %swap3A_984 = tpu.vector_load %arg5[%swap3A_982, %swap3A_983] {strides = array<i32>} : memref<8x1024xf32, #tpu.memory_space<vmem>>, vector<1x16xf32>,
        %swap3A_985 = vector.shape_cast %swap3A_984 : vector<1x16xf32> to vector<16xf32>
        %swap3A_986 = vector.shape_cast %add3A_981 : vector<16xf32> to vector<1x16xf32>
        tpu.vector_store %arg5[%swap3A_982, %swap3A_983], %swap3A_986 {strides = array<i32>} : memref<8x1024xf32, #tpu.memory_space<vmem>>, vector<1x16xf32>,
        %get3A_987 = arith.index_cast %scan3A_105 : i32 to index
        %get3A_988 = arith.constant 1008 : index
        %get3A_989 = tpu.vector_load %arg5[%get3A_987, %get3A_988] {strides = array<i32>} : memref<8x1024xf32, #tpu.memory_space<vmem>>, vector<1x16xf32>,
        %get3A_990 = vector.shape_cast %get3A_989 : vector<1x16xf32> to vector<16xf32>
        %get3A_991 = arith.index_cast %scan3A_105 : i32 to index
        %get3A_992 = arith.constant 1008 : index
        %get3A_993 = tpu.vector_load %arg7[%get3A_991, %get3A_992] {strides = array<i32>} : memref<8x1024xf32, #tpu.memory_space<vmem>>, vector<1x16xf32>,
        %get3A_994 = vector.shape_cast %get3A_993 : vector<1x16xf32> to vector<16xf32>
        %add3A_995 = arith.addf %get3A_990, %get3A_994 : vector<16xf32>
        %swap3A_996 = arith.index_cast %scan3A_105 : i32 to index
        %swap3A_997 = arith.constant 1008 : index
        %swap3A_998 = tpu.vector_load %arg5[%swap3A_996, %swap3A_997] {strides = array<i32>} : memref<8x1024xf32, #tpu.memory_space<vmem>>, vector<1x16xf32>,
        %swap3A_999 = vector.shape_cast %swap3A_998 : vector<1x16xf32> to vector<16xf32>
        %swap3A_1000 = vector.shape_cast %add3A_995 : vector<16xf32> to vector<1x16xf32>
        tpu.vector_store %arg5[%swap3A_996, %swap3A_997], %swap3A_1000 {strides = array<i32>} : memref<8x1024xf32, #tpu.memory_space<vmem>>, vector<1x16xf32>,
        %scan3A_1001 = arith.constant 0 : i32
        scf.yield %scan3A_1001 : i32
      }
      %scan3A_59 = arith.constant 8 : i32
      %mul3A_60 = arith.constant 8 : i32
      %mul3A_61 = arith.muli %add3A_36, %mul3A_60 : i32
      %add3A_62 = arith.addi %mul3A_2, %mul3A_61 : i32
      %dma_start3A_63 = arith.constant 0 : i32
      %dma_start3A_64 = tpu.memref_slice %arg4[%add3A_62, %dma_start3A_63] : memref<4096x1024xf32, #tpu.memory_space<hbm>> -> memref<8x1024xf32, #tpu.memory_space<hbm>>
      %dma_start3A_65 = arith.constant 0 : i32
      %dma_start3A_66 = tpu.memref_slice %arg4[%add3A_62, %dma_start3A_65] : memref<4096x1024xf32, #tpu.memory_space<hbm>> -> memref<8x1024xf32, #tpu.memory_space<hbm>>
      tpu.enqueue_dma source(%arg5 : memref<8x1024xf32, #tpu.memory_space<vmem>>) target(%dma_start3A_66 : memref<8x1024xf32, #tpu.memory_space<hbm>>) target_semaphore(%arg13 : memref<!tpu.dma_semaphore, #tpu.memory_space<semaphore_mem>>)
      %mul3A_67 = arith.constant 2 : i32
      %mul3A_68 = arith.muli %mul3A_67, %scan3A_31 : i32
      %add3A_69 = arith.constant 1 : i32
      %add3A_70 = arith.addi %mul3A_68, %add3A_69 : i32
      %add3A_71 = arith.constant 1 : i32
      %add3A_72 = arith.addi %add3A_70, %add3A_71 : i32
      %lt3A_73 = arith.constant 16 : i32
      %lt3A_74 = arith.cmpi slt, %add3A_72, %lt3A_73 : i32
      %convert_element_type3A_75 = arith.extui %lt3A_74 : i1 to i32
      %cond3A_76 = arith.constant 0 : i32
      %cond3A_77 = arith.cmpi ne, %convert_element_type3A_75, %cond3A_76 : i32
      scf.if %cond3A_77 {
        %ge3A = arith.constant 1 : i32
        %ge3A_105 = arith.cmpi sge, %add3A_70, %ge3A : i32
        %convert_element_type3A_106 = arith.extui %ge3A_105 : i1 to i32
        %cond3A_107 = arith.constant 0 : i32
        %cond3A_108 = arith.cmpi ne, %convert_element_type3A_106, %cond3A_107 : i32
        scf.if %cond3A_108 {
          %dma_wait3A_124 = arith.constant 0 : i32
          %dma_wait3A_125 = arith.constant 0 : i32
          %dma_wait3A_126 = tpu.memref_slice %arg4[%dma_wait3A_124, %dma_wait3A_125] : memref<4096x1024xf32, #tpu.memory_space<hbm>> -> memref<8x1024xf32, #tpu.memory_space<hbm>>
          %dma_wait3A_127 = arith.constant 0 : i32
          %dma_wait3A_128 = arith.constant 0 : i32
          %dma_wait3A_129 = tpu.memref_slice %arg4[%dma_wait3A_127, %dma_wait3A_128] : memref<4096x1024xf32, #tpu.memory_space<hbm>> -> memref<8x1024xf32, #tpu.memory_space<hbm>>
          tpu.wait_dma2 semaphore(%arg13 : memref<!tpu.dma_semaphore, #tpu.memory_space<semaphore_mem>>) src(%arg5 : memref<8x1024xf32, #tpu.memory_space<vmem>>) dst(%dma_wait3A_129 : memref<8x1024xf32, #tpu.memory_space<hbm>>)
        } else {
        }
        %add3A_109 = arith.constant 1 : i32
        %add3A_110 = arith.addi %add3A_70, %add3A_109 : i32
        %mul3A_111 = arith.constant 8 : i32
        %mul3A_112 = arith.muli %add3A_110, %mul3A_111 : i32
        %add3A_113 = arith.addi %mul3A_2, %mul3A_112 : i32
        %dma_start3A_114 = arith.constant 0 : i32
        %dma_start3A_115 = tpu.memref_slice %arg3[%add3A_113, %dma_start3A_114] : memref<4096x1024xf32, #tpu.memory_space<hbm>> -> memref<8x1024xf32, #tpu.memory_space<hbm>>
        %dma_start3A_116 = arith.constant 0 : i32
        %dma_start3A_117 = tpu.memref_slice %arg3[%add3A_113, %dma_start3A_116] : memref<4096x1024xf32, #tpu.memory_space<hbm>> -> memref<8x1024xf32, #tpu.memory_space<hbm>>
        tpu.enqueue_dma source(%dma_start3A_117 : memref<8x1024xf32, #tpu.memory_space<hbm>>) target(%arg7 : memref<8x1024xf32, #tpu.memory_space<vmem>>) target_semaphore(%arg11 : memref<!tpu.dma_semaphore, #tpu.memory_space<semaphore_mem>>)
        %add3A_118 = arith.constant 12288 : i32
        %add3A_119 = arith.addi %add3A_118, %add3A_113 : i32
        %dma_start3A_120 = arith.constant 0 : i32
        %dma_start3A_121 = tpu.memref_slice %arg2[%add3A_119, %dma_start3A_120] : memref<16384x1024xf32, #tpu.memory_space<hbm>> -> memref<8x1024xf32, #tpu.memory_space<hbm>>
        %dma_start3A_122 = arith.constant 0 : i32
        %dma_start3A_123 = tpu.memref_slice %arg2[%add3A_119, %dma_start3A_122] : memref<16384x1024xf32, #tpu.memory_space<hbm>> -> memref<8x1024xf32, #tpu.memory_space<hbm>>
        tpu.enqueue_dma source(%dma_start3A_123 : memref<8x1024xf32, #tpu.memory_space<hbm>>) target(%arg5 : memref<8x1024xf32, #tpu.memory_space<vmem>>) target_semaphore(%arg9 : memref<!tpu.dma_semaphore, #tpu.memory_space<semaphore_mem>>)
      } else {
      }
      %dma_wait3A_78 = arith.constant 0 : i32
      %dma_wait3A_79 = arith.constant 0 : i32
      %dma_wait3A_80 = tpu.memref_slice %arg3[%dma_wait3A_78, %dma_wait3A_79] : memref<4096x1024xf32, #tpu.memory_space<hbm>> -> memref<8x1024xf32, #tpu.memory_space<hbm>>
      %dma_wait3A_81 = arith.constant 0 : i32
      %dma_wait3A_82 = arith.constant 0 : i32
      %dma_wait3A_83 = tpu.memref_slice %arg3[%dma_wait3A_81, %dma_wait3A_82] : memref<4096x1024xf32, #tpu.memory_space<hbm>> -> memref<8x1024xf32, #tpu.memory_space<hbm>>
      tpu.wait_dma2 semaphore(%arg12 : memref<!tpu.dma_semaphore, #tpu.memory_space<semaphore_mem>>) src(%dma_wait3A_83 : memref<8x1024xf32, #tpu.memory_space<hbm>>) dst(%arg8 : memref<8x1024xf32, #tpu.memory_space<vmem>>)
      %dma_wait3A_84 = arith.constant 0 : i32
      %dma_wait3A_85 = arith.constant 0 : i32
      %dma_wait3A_86 = tpu.memref_slice %arg2[%dma_wait3A_84, %dma_wait3A_85] : memref<16384x1024xf32, #tpu.memory_space<hbm>> -> memref<8x1024xf32, #tpu.memory_space<hbm>>
      %dma_wait3A_87 = arith.constant 0 : i32
      %dma_wait3A_88 = arith.constant 0 : i32
      %dma_wait3A_89 = tpu.memref_slice %arg2[%dma_wait3A_87, %dma_wait3A_88] : memref<16384x1024xf32, #tpu.memory_space<hbm>> -> memref<8x1024xf32, #tpu.memory_space<hbm>>
      tpu.wait_dma2 semaphore(%arg10 : memref<!tpu.dma_semaphore, #tpu.memory_space<semaphore_mem>>) src(%dma_wait3A_89 : memref<8x1024xf32, #tpu.memory_space<hbm>>) dst(%arg6 : memref<8x1024xf32, #tpu.memory_space<vmem>>)
      %scan3A_90 = arith.constant 0 : i32
      %scan3A_91 = arith.constant 0 : i32
      %scan3A_92 = arith.constant 8 : i32
      %scan3A_93 = arith.addi %scan3A_91, %scan3A_92 : i32
      %scan3A_94 = arith.constant 1 : i32
      %scan3A_95 = scf.for %scan3A_105 = %scan3A_91 to %scan3A_93 step %scan3A_94 iter_args(%scan3A_106 = %scan3A_90) -> (i32)  : i32 {
        %get3A = arith.index_cast %scan3A_105 : i32 to index
        %get3A_107 = arith.constant 0 : index
        %get3A_108 = tpu.vector_load %arg6[%get3A, %get3A_107] {strides = array<i32>} : memref<8x1024xf32, #tpu.memory_space<vmem>>, vector<1x16xf32>,
        %get3A_109 = vector.shape_cast %get3A_108 : vector<1x16xf32> to vector<16xf32>
        %get3A_110 = arith.index_cast %scan3A_105 : i32 to index
        %get3A_111 = arith.constant 0 : index
        %get3A_112 = tpu.vector_load %arg8[%get3A_110, %get3A_111] {strides = array<i32>} : memref<8x1024xf32, #tpu.memory_space<vmem>>, vector<1x16xf32>,
        %get3A_113 = vector.shape_cast %get3A_112 : vector<1x16xf32> to vector<16xf32>
        %add3A_114 = arith.addf %get3A_109, %get3A_113 : vector<16xf32>
        %swap3A = arith.index_cast %scan3A_105 : i32 to index
        %swap3A_115 = arith.constant 0 : index
        %swap3A_116 = tpu.vector_load %arg6[%swap3A, %swap3A_115] {strides = array<i32>} : memref<8x1024xf32, #tpu.memory_space<vmem>>, vector<1x16xf32>,
        %swap3A_117 = vector.shape_cast %swap3A_116 : vector<1x16xf32> to vector<16xf32>
        %swap3A_118 = vector.shape_cast %add3A_114 : vector<16xf32> to vector<1x16xf32>
        tpu.vector_store %arg6[%swap3A, %swap3A_115], %swap3A_118 {strides = array<i32>} : memref<8x1024xf32, #tpu.memory_space<vmem>>, vector<1x16xf32>,
        %get3A_119 = arith.index_cast %scan3A_105 : i32 to index
        %get3A_120 = arith.constant 16 : index
        %get3A_121 = tpu.vector_load %arg6[%get3A_119, %get3A_120] {strides = array<i32>} : memref<8x1024xf32, #tpu.memory_space<vmem>>, vector<1x16xf32>,
        %get3A_122 = vector.shape_cast %get3A_121 : vector<1x16xf32> to vector<16xf32>
        %get3A_123 = arith.index_cast %scan3A_105 : i32 to index
        %get3A_124 = arith.constant 16 : index
        %get3A_125 = tpu.vector_load %arg8[%get3A_123, %get3A_124] {strides = array<i32>} : memref<8x1024xf32, #tpu.memory_space<vmem>>, vector<1x16xf32>,
        %get3A_126 = vector.shape_cast %get3A_125 : vector<1x16xf32> to vector<16xf32>
        %add3A_127 = arith.addf %get3A_122, %get3A_126 : vector<16xf32>
        %swap3A_128 = arith.index_cast %scan3A_105 : i32 to index
        %swap3A_129 = arith.constant 16 : index
        %swap3A_130 = tpu.vector_load %arg6[%swap3A_128, %swap3A_129] {strides = array<i32>} : memref<8x1024xf32, #tpu.memory_space<vmem>>, vector<1x16xf32>,
        %swap3A_131 = vector.shape_cast %swap3A_130 : vector<1x16xf32> to vector<16xf32>
        %swap3A_132 = vector.shape_cast %add3A_127 : vector<16xf32> to vector<1x16xf32>
        tpu.vector_store %arg6[%swap3A_128, %swap3A_129], %swap3A_132 {strides = array<i32>} : memref<8x1024xf32, #tpu.memory_space<vmem>>, vector<1x16xf32>,
        %get3A_133 = arith.index_cast %scan3A_105 : i32 to index
        %get3A_134 = arith.constant 32 : index
        %get3A_135 = tpu.vector_load %arg6[%get3A_133, %get3A_134] {strides = array<i32>} : memref<8x1024xf32, #tpu.memory_space<vmem>>, vector<1x16xf32>,
        %get3A_136 = vector.shape_cast %get3A_135 : vector<1x16xf32> to vector<16xf32>
        %get3A_137 = arith.index_cast %scan3A_105 : i32 to index
        %get3A_138 = arith.constant 32 : index
        %get3A_139 = tpu.vector_load %arg8[%get3A_137, %get3A_138] {strides = array<i32>} : memref<8x1024xf32, #tpu.memory_space<vmem>>, vector<1x16xf32>,
        %get3A_140 = vector.shape_cast %get3A_139 : vector<1x16xf32> to vector<16xf32>
        %add3A_141 = arith.addf %get3A_136, %get3A_140 : vector<16xf32>
        %swap3A_142 = arith.index_cast %scan3A_105 : i32 to index
        %swap3A_143 = arith.constant 32 : index
        %swap3A_144 = tpu.vector_load %arg6[%swap3A_142, %swap3A_143] {strides = array<i32>} : memref<8x1024xf32, #tpu.memory_space<vmem>>, vector<1x16xf32>,
        %swap3A_145 = vector.shape_cast %swap3A_144 : vector<1x16xf32> to vector<16xf32>
        %swap3A_146 = vector.shape_cast %add3A_141 : vector<16xf32> to vector<1x16xf32>
        tpu.vector_store %arg6[%swap3A_142, %swap3A_143], %swap3A_146 {strides = array<i32>} : memref<8x1024xf32, #tpu.memory_space<vmem>>, vector<1x16xf32>,
        %get3A_147 = arith.index_cast %scan3A_105 : i32 to index
        %get3A_148 = arith.constant 48 : index
        %get3A_149 = tpu.vector_load %arg6[%get3A_147, %get3A_148] {strides = array<i32>} : memref<8x1024xf32, #tpu.memory_space<vmem>>, vector<1x16xf32>,
        %get3A_150 = vector.shape_cast %get3A_149 : vector<1x16xf32> to vector<16xf32>
        %get3A_151 = arith.index_cast %scan3A_105 : i32 to index
        %get3A_152 = arith.constant 48 : index
        %get3A_153 = tpu.vector_load %arg8[%get3A_151, %get3A_152] {strides = array<i32>} : memref<8x1024xf32, #tpu.memory_space<vmem>>, vector<1x16xf32>,
        %get3A_154 = vector.shape_cast %get3A_153 : vector<1x16xf32> to vector<16xf32>
        %add3A_155 = arith.addf %get3A_150, %get3A_154 : vector<16xf32>
        %swap3A_156 = arith.index_cast %scan3A_105 : i32 to index
        %swap3A_157 = arith.constant 48 : index
        %swap3A_158 = tpu.vector_load %arg6[%swap3A_156, %swap3A_157] {strides = array<i32>} : memref<8x1024xf32, #tpu.memory_space<vmem>>, vector<1x16xf32>,
        %swap3A_159 = vector.shape_cast %swap3A_158 : vector<1x16xf32> to vector<16xf32>
        %swap3A_160 = vector.shape_cast %add3A_155 : vector<16xf32> to vector<1x16xf32>
        tpu.vector_store %arg6[%swap3A_156, %swap3A_157], %swap3A_160 {strides = array<i32>} : memref<8x1024xf32, #tpu.memory_space<vmem>>, vector<1x16xf32>,
        %get3A_161 = arith.index_cast %scan3A_105 : i32 to index
        %get3A_162 = arith.constant 64 : index
        %get3A_163 = tpu.vector_load %arg6[%get3A_161, %get3A_162] {strides = array<i32>} : memref<8x1024xf32, #tpu.memory_space<vmem>>, vector<1x16xf32>,
        %get3A_164 = vector.shape_cast %get3A_163 : vector<1x16xf32> to vector<16xf32>
        %get3A_165 = arith.index_cast %scan3A_105 : i32 to index
        %get3A_166 = arith.constant 64 : index
        %get3A_167 = tpu.vector_load %arg8[%get3A_165, %get3A_166] {strides = array<i32>} : memref<8x1024xf32, #tpu.memory_space<vmem>>, vector<1x16xf32>,
        %get3A_168 = vector.shape_cast %get3A_167 : vector<1x16xf32> to vector<16xf32>
        %add3A_169 = arith.addf %get3A_164, %get3A_168 : vector<16xf32>
        %swap3A_170 = arith.index_cast %scan3A_105 : i32 to index
        %swap3A_171 = arith.constant 64 : index
        %swap3A_172 = tpu.vector_load %arg6[%swap3A_170, %swap3A_171] {strides = array<i32>} : memref<8x1024xf32, #tpu.memory_space<vmem>>, vector<1x16xf32>,
        %swap3A_173 = vector.shape_cast %swap3A_172 : vector<1x16xf32> to vector<16xf32>
        %swap3A_174 = vector.shape_cast %add3A_169 : vector<16xf32> to vector<1x16xf32>
        tpu.vector_store %arg6[%swap3A_170, %swap3A_171], %swap3A_174 {strides = array<i32>} : memref<8x1024xf32, #tpu.memory_space<vmem>>, vector<1x16xf32>,
        %get3A_175 = arith.index_cast %scan3A_105 : i32 to index
        %get3A_176 = arith.constant 80 : index
        %get3A_177 = tpu.vector_load %arg6[%get3A_175, %get3A_176] {strides = array<i32>} : memref<8x1024xf32, #tpu.memory_space<vmem>>, vector<1x16xf32>,
        %get3A_178 = vector.shape_cast %get3A_177 : vector<1x16xf32> to vector<16xf32>
        %get3A_179 = arith.index_cast %scan3A_105 : i32 to index
        %get3A_180 = arith.constant 80 : index
        %get3A_181 = tpu.vector_load %arg8[%get3A_179, %get3A_180] {strides = array<i32>} : memref<8x1024xf32, #tpu.memory_space<vmem>>, vector<1x16xf32>,
        %get3A_182 = vector.shape_cast %get3A_181 : vector<1x16xf32> to vector<16xf32>
        %add3A_183 = arith.addf %get3A_178, %get3A_182 : vector<16xf32>
        %swap3A_184 = arith.index_cast %scan3A_105 : i32 to index
        %swap3A_185 = arith.constant 80 : index
        %swap3A_186 = tpu.vector_load %arg6[%swap3A_184, %swap3A_185] {strides = array<i32>} : memref<8x1024xf32, #tpu.memory_space<vmem>>, vector<1x16xf32>,
        %swap3A_187 = vector.shape_cast %swap3A_186 : vector<1x16xf32> to vector<16xf32>
        %swap3A_188 = vector.shape_cast %add3A_183 : vector<16xf32> to vector<1x16xf32>
        tpu.vector_store %arg6[%swap3A_184, %swap3A_185], %swap3A_188 {strides = array<i32>} : memref<8x1024xf32, #tpu.memory_space<vmem>>, vector<1x16xf32>,
        %get3A_189 = arith.index_cast %scan3A_105 : i32 to index
        %get3A_190 = arith.constant 96 : index
        %get3A_191 = tpu.vector_load %arg6[%get3A_189, %get3A_190] {strides = array<i32>} : memref<8x1024xf32, #tpu.memory_space<vmem>>, vector<1x16xf32>,
        %get3A_192 = vector.shape_cast %get3A_191 : vector<1x16xf32> to vector<16xf32>
        %get3A_193 = arith.index_cast %scan3A_105 : i32 to index
        %get3A_194 = arith.constant 96 : index
        %get3A_195 = tpu.vector_load %arg8[%get3A_193, %get3A_194] {strides = array<i32>} : memref<8x1024xf32, #tpu.memory_space<vmem>>, vector<1x16xf32>,
        %get3A_196 = vector.shape_cast %get3A_195 : vector<1x16xf32> to vector<16xf32>
        %add3A_197 = arith.addf %get3A_192, %get3A_196 : vector<16xf32>
        %swap3A_198 = arith.index_cast %scan3A_105 : i32 to index
        %swap3A_199 = arith.constant 96 : index
        %swap3A_200 = tpu.vector_load %arg6[%swap3A_198, %swap3A_199] {strides = array<i32>} : memref<8x1024xf32, #tpu.memory_space<vmem>>, vector<1x16xf32>,
        %swap3A_201 = vector.shape_cast %swap3A_200 : vector<1x16xf32> to vector<16xf32>
        %swap3A_202 = vector.shape_cast %add3A_197 : vector<16xf32> to vector<1x16xf32>
        tpu.vector_store %arg6[%swap3A_198, %swap3A_199], %swap3A_202 {strides = array<i32>} : memref<8x1024xf32, #tpu.memory_space<vmem>>, vector<1x16xf32>,
        %get3A_203 = arith.index_cast %scan3A_105 : i32 to index
        %get3A_204 = arith.constant 112 : index
        %get3A_205 = tpu.vector_load %arg6[%get3A_203, %get3A_204] {strides = array<i32>} : memref<8x1024xf32, #tpu.memory_space<vmem>>, vector<1x16xf32>,
        %get3A_206 = vector.shape_cast %get3A_205 : vector<1x16xf32> to vector<16xf32>
        %get3A_207 = arith.index_cast %scan3A_105 : i32 to index
        %get3A_208 = arith.constant 112 : index
        %get3A_209 = tpu.vector_load %arg8[%get3A_207, %get3A_208] {strides = array<i32>} : memref<8x1024xf32, #tpu.memory_space<vmem>>, vector<1x16xf32>,
        %get3A_210 = vector.shape_cast %get3A_209 : vector<1x16xf32> to vector<16xf32>
        %add3A_211 = arith.addf %get3A_206, %get3A_210 : vector<16xf32>
        %swap3A_212 = arith.index_cast %scan3A_105 : i32 to index
        %swap3A_213 = arith.constant 112 : index
        %swap3A_214 = tpu.vector_load %arg6[%swap3A_212, %swap3A_213] {strides = array<i32>} : memref<8x1024xf32, #tpu.memory_space<vmem>>, vector<1x16xf32>,
        %swap3A_215 = vector.shape_cast %swap3A_214 : vector<1x16xf32> to vector<16xf32>
        %swap3A_216 = vector.shape_cast %add3A_211 : vector<16xf32> to vector<1x16xf32>
        tpu.vector_store %arg6[%swap3A_212, %swap3A_213], %swap3A_216 {strides = array<i32>} : memref<8x1024xf32, #tpu.memory_space<vmem>>, vector<1x16xf32>,
        %get3A_217 = arith.index_cast %scan3A_105 : i32 to index
        %get3A_218 = arith.constant 128 : index
        %get3A_219 = tpu.vector_load %arg6[%get3A_217, %get3A_218] {strides = array<i32>} : memref<8x1024xf32, #tpu.memory_space<vmem>>, vector<1x16xf32>,
        %get3A_220 = vector.shape_cast %get3A_219 : vector<1x16xf32> to vector<16xf32>
        %get3A_221 = arith.index_cast %scan3A_105 : i32 to index
        %get3A_222 = arith.constant 128 : index
        %get3A_223 = tpu.vector_load %arg8[%get3A_221, %get3A_222] {strides = array<i32>} : memref<8x1024xf32, #tpu.memory_space<vmem>>, vector<1x16xf32>,
        %get3A_224 = vector.shape_cast %get3A_223 : vector<1x16xf32> to vector<16xf32>
        %add3A_225 = arith.addf %get3A_220, %get3A_224 : vector<16xf32>
        %swap3A_226 = arith.index_cast %scan3A_105 : i32 to index
        %swap3A_227 = arith.constant 128 : index
        %swap3A_228 = tpu.vector_load %arg6[%swap3A_226, %swap3A_227] {strides = array<i32>} : memref<8x1024xf32, #tpu.memory_space<vmem>>, vector<1x16xf32>,
        %swap3A_229 = vector.shape_cast %swap3A_228 : vector<1x16xf32> to vector<16xf32>
        %swap3A_230 = vector.shape_cast %add3A_225 : vector<16xf32> to vector<1x16xf32>
        tpu.vector_store %arg6[%swap3A_226, %swap3A_227], %swap3A_230 {strides = array<i32>} : memref<8x1024xf32, #tpu.memory_space<vmem>>, vector<1x16xf32>,
        %get3A_231 = arith.index_cast %scan3A_105 : i32 to index
        %get3A_232 = arith.constant 144 : index
        %get3A_233 = tpu.vector_load %arg6[%get3A_231, %get3A_232] {strides = array<i32>} : memref<8x1024xf32, #tpu.memory_space<vmem>>, vector<1x16xf32>,
        %get3A_234 = vector.shape_cast %get3A_233 : vector<1x16xf32> to vector<16xf32>
        %get3A_235 = arith.index_cast %scan3A_105 : i32 to index
        %get3A_236 = arith.constant 144 : index
        %get3A_237 = tpu.vector_load %arg8[%get3A_235, %get3A_236] {strides = array<i32>} : memref<8x1024xf32, #tpu.memory_space<vmem>>, vector<1x16xf32>,
        %get3A_238 = vector.shape_cast %get3A_237 : vector<1x16xf32> to vector<16xf32>
        %add3A_239 = arith.addf %get3A_234, %get3A_238 : vector<16xf32>
        %swap3A_240 = arith.index_cast %scan3A_105 : i32 to index
        %swap3A_241 = arith.constant 144 : index
        %swap3A_242 = tpu.vector_load %arg6[%swap3A_240, %swap3A_241] {strides = array<i32>} : memref<8x1024xf32, #tpu.memory_space<vmem>>, vector<1x16xf32>,
        %swap3A_243 = vector.shape_cast %swap3A_242 : vector<1x16xf32> to vector<16xf32>
        %swap3A_244 = vector.shape_cast %add3A_239 : vector<16xf32> to vector<1x16xf32>
        tpu.vector_store %arg6[%swap3A_240, %swap3A_241], %swap3A_244 {strides = array<i32>} : memref<8x1024xf32, #tpu.memory_space<vmem>>, vector<1x16xf32>,
        %get3A_245 = arith.index_cast %scan3A_105 : i32 to index
        %get3A_246 = arith.constant 160 : index
        %get3A_247 = tpu.vector_load %arg6[%get3A_245, %get3A_246] {strides = array<i32>} : memref<8x1024xf32, #tpu.memory_space<vmem>>, vector<1x16xf32>,
        %get3A_248 = vector.shape_cast %get3A_247 : vector<1x16xf32> to vector<16xf32>
        %get3A_249 = arith.index_cast %scan3A_105 : i32 to index
        %get3A_250 = arith.constant 160 : index
        %get3A_251 = tpu.vector_load %arg8[%get3A_249, %get3A_250] {strides = array<i32>} : memref<8x1024xf32, #tpu.memory_space<vmem>>, vector<1x16xf32>,
        %get3A_252 = vector.shape_cast %get3A_251 : vector<1x16xf32> to vector<16xf32>
        %add3A_253 = arith.addf %get3A_248, %get3A_252 : vector<16xf32>
        %swap3A_254 = arith.index_cast %scan3A_105 : i32 to index
        %swap3A_255 = arith.constant 160 : index
        %swap3A_256 = tpu.vector_load %arg6[%swap3A_254, %swap3A_255] {strides = array<i32>} : memref<8x1024xf32, #tpu.memory_space<vmem>>, vector<1x16xf32>,
        %swap3A_257 = vector.shape_cast %swap3A_256 : vector<1x16xf32> to vector<16xf32>
        %swap3A_258 = vector.shape_cast %add3A_253 : vector<16xf32> to vector<1x16xf32>
        tpu.vector_store %arg6[%swap3A_254, %swap3A_255], %swap3A_258 {strides = array<i32>} : memref<8x1024xf32, #tpu.memory_space<vmem>>, vector<1x16xf32>,
        %get3A_259 = arith.index_cast %scan3A_105 : i32 to index
        %get3A_260 = arith.constant 176 : index
        %get3A_261 = tpu.vector_load %arg6[%get3A_259, %get3A_260] {strides = array<i32>} : memref<8x1024xf32, #tpu.memory_space<vmem>>, vector<1x16xf32>,
        %get3A_262 = vector.shape_cast %get3A_261 : vector<1x16xf32> to vector<16xf32>
        %get3A_263 = arith.index_cast %scan3A_105 : i32 to index
        %get3A_264 = arith.constant 176 : index
        %get3A_265 = tpu.vector_load %arg8[%get3A_263, %get3A_264] {strides = array<i32>} : memref<8x1024xf32, #tpu.memory_space<vmem>>, vector<1x16xf32>,
        %get3A_266 = vector.shape_cast %get3A_265 : vector<1x16xf32> to vector<16xf32>
        %add3A_267 = arith.addf %get3A_262, %get3A_266 : vector<16xf32>
        %swap3A_268 = arith.index_cast %scan3A_105 : i32 to index
        %swap3A_269 = arith.constant 176 : index
        %swap3A_270 = tpu.vector_load %arg6[%swap3A_268, %swap3A_269] {strides = array<i32>} : memref<8x1024xf32, #tpu.memory_space<vmem>>, vector<1x16xf32>,
        %swap3A_271 = vector.shape_cast %swap3A_270 : vector<1x16xf32> to vector<16xf32>
        %swap3A_272 = vector.shape_cast %add3A_267 : vector<16xf32> to vector<1x16xf32>
        tpu.vector_store %arg6[%swap3A_268, %swap3A_269], %swap3A_272 {strides = array<i32>} : memref<8x1024xf32, #tpu.memory_space<vmem>>, vector<1x16xf32>,
        %get3A_273 = arith.index_cast %scan3A_105 : i32 to index
        %get3A_274 = arith.constant 192 : index
        %get3A_275 = tpu.vector_load %arg6[%get3A_273, %get3A_274] {strides = array<i32>} : memref<8x1024xf32, #tpu.memory_space<vmem>>, vector<1x16xf32>,
        %get3A_276 = vector.shape_cast %get3A_275 : vector<1x16xf32> to vector<16xf32>
        %get3A_277 = arith.index_cast %scan3A_105 : i32 to index
        %get3A_278 = arith.constant 192 : index
        %get3A_279 = tpu.vector_load %arg8[%get3A_277, %get3A_278] {strides = array<i32>} : memref<8x1024xf32, #tpu.memory_space<vmem>>, vector<1x16xf32>,
        %get3A_280 = vector.shape_cast %get3A_279 : vector<1x16xf32> to vector<16xf32>
        %add3A_281 = arith.addf %get3A_276, %get3A_280 : vector<16xf32>
        %swap3A_282 = arith.index_cast %scan3A_105 : i32 to index
        %swap3A_283 = arith.constant 192 : index
        %swap3A_284 = tpu.vector_load %arg6[%swap3A_282, %swap3A_283] {strides = array<i32>} : memref<8x1024xf32, #tpu.memory_space<vmem>>, vector<1x16xf32>,
        %swap3A_285 = vector.shape_cast %swap3A_284 : vector<1x16xf32> to vector<16xf32>
        %swap3A_286 = vector.shape_cast %add3A_281 : vector<16xf32> to vector<1x16xf32>
        tpu.vector_store %arg6[%swap3A_282, %swap3A_283], %swap3A_286 {strides = array<i32>} : memref<8x1024xf32, #tpu.memory_space<vmem>>, vector<1x16xf32>,
        %get3A_287 = arith.index_cast %scan3A_105 : i32 to index
        %get3A_288 = arith.constant 208 : index
        %get3A_289 = tpu.vector_load %arg6[%get3A_287, %get3A_288] {strides = array<i32>} : memref<8x1024xf32, #tpu.memory_space<vmem>>, vector<1x16xf32>,
        %get3A_290 = vector.shape_cast %get3A_289 : vector<1x16xf32> to vector<16xf32>
        %get3A_291 = arith.index_cast %scan3A_105 : i32 to index
        %get3A_292 = arith.constant 208 : index
        %get3A_293 = tpu.vector_load %arg8[%get3A_291, %get3A_292] {strides = array<i32>} : memref<8x1024xf32, #tpu.memory_space<vmem>>, vector<1x16xf32>,
        %get3A_294 = vector.shape_cast %get3A_293 : vector<1x16xf32> to vector<16xf32>
        %add3A_295 = arith.addf %get3A_290, %get3A_294 : vector<16xf32>
        %swap3A_296 = arith.index_cast %scan3A_105 : i32 to index
        %swap3A_297 = arith.constant 208 : index
        %swap3A_298 = tpu.vector_load %arg6[%swap3A_296, %swap3A_297] {strides = array<i32>} : memref<8x1024xf32, #tpu.memory_space<vmem>>, vector<1x16xf32>,
        %swap3A_299 = vector.shape_cast %swap3A_298 : vector<1x16xf32> to vector<16xf32>
        %swap3A_300 = vector.shape_cast %add3A_295 : vector<16xf32> to vector<1x16xf32>
        tpu.vector_store %arg6[%swap3A_296, %swap3A_297], %swap3A_300 {strides = array<i32>} : memref<8x1024xf32, #tpu.memory_space<vmem>>, vector<1x16xf32>,
        %get3A_301 = arith.index_cast %scan3A_105 : i32 to index
        %get3A_302 = arith.constant 224 : index
        %get3A_303 = tpu.vector_load %arg6[%get3A_301, %get3A_302] {strides = array<i32>} : memref<8x1024xf32, #tpu.memory_space<vmem>>, vector<1x16xf32>,
        %get3A_304 = vector.shape_cast %get3A_303 : vector<1x16xf32> to vector<16xf32>
        %get3A_305 = arith.index_cast %scan3A_105 : i32 to index
        %get3A_306 = arith.constant 224 : index
        %get3A_307 = tpu.vector_load %arg8[%get3A_305, %get3A_306] {strides = array<i32>} : memref<8x1024xf32, #tpu.memory_space<vmem>>, vector<1x16xf32>,
        %get3A_308 = vector.shape_cast %get3A_307 : vector<1x16xf32> to vector<16xf32>
        %add3A_309 = arith.addf %get3A_304, %get3A_308 : vector<16xf32>
        %swap3A_310 = arith.index_cast %scan3A_105 : i32 to index
        %swap3A_311 = arith.constant 224 : index
        %swap3A_312 = tpu.vector_load %arg6[%swap3A_310, %swap3A_311] {strides = array<i32>} : memref<8x1024xf32, #tpu.memory_space<vmem>>, vector<1x16xf32>,
        %swap3A_313 = vector.shape_cast %swap3A_312 : vector<1x16xf32> to vector<16xf32>
        %swap3A_314 = vector.shape_cast %add3A_309 : vector<16xf32> to vector<1x16xf32>
        tpu.vector_store %arg6[%swap3A_310, %swap3A_311], %swap3A_314 {strides = array<i32>} : memref<8x1024xf32, #tpu.memory_space<vmem>>, vector<1x16xf32>,
        %get3A_315 = arith.index_cast %scan3A_105 : i32 to index
        %get3A_316 = arith.constant 240 : index
        %get3A_317 = tpu.vector_load %arg6[%get3A_315, %get3A_316] {strides = array<i32>} : memref<8x1024xf32, #tpu.memory_space<vmem>>, vector<1x16xf32>,
        %get3A_318 = vector.shape_cast %get3A_317 : vector<1x16xf32> to vector<16xf32>
        %get3A_319 = arith.index_cast %scan3A_105 : i32 to index
        %get3A_320 = arith.constant 240 : index
        %get3A_321 = tpu.vector_load %arg8[%get3A_319, %get3A_320] {strides = array<i32>} : memref<8x1024xf32, #tpu.memory_space<vmem>>, vector<1x16xf32>,
        %get3A_322 = vector.shape_cast %get3A_321 : vector<1x16xf32> to vector<16xf32>
        %add3A_323 = arith.addf %get3A_318, %get3A_322 : vector<16xf32>
        %swap3A_324 = arith.index_cast %scan3A_105 : i32 to index
        %swap3A_325 = arith.constant 240 : index
        %swap3A_326 = tpu.vector_load %arg6[%swap3A_324, %swap3A_325] {strides = array<i32>} : memref<8x1024xf32, #tpu.memory_space<vmem>>, vector<1x16xf32>,
        %swap3A_327 = vector.shape_cast %swap3A_326 : vector<1x16xf32> to vector<16xf32>
        %swap3A_328 = vector.shape_cast %add3A_323 : vector<16xf32> to vector<1x16xf32>
        tpu.vector_store %arg6[%swap3A_324, %swap3A_325], %swap3A_328 {strides = array<i32>} : memref<8x1024xf32, #tpu.memory_space<vmem>>, vector<1x16xf32>,
        %get3A_329 = arith.index_cast %scan3A_105 : i32 to index
        %get3A_330 = arith.constant 256 : index
        %get3A_331 = tpu.vector_load %arg6[%get3A_329, %get3A_330] {strides = array<i32>} : memref<8x1024xf32, #tpu.memory_space<vmem>>, vector<1x16xf32>,
        %get3A_332 = vector.shape_cast %get3A_331 : vector<1x16xf32> to vector<16xf32>
        %get3A_333 = arith.index_cast %scan3A_105 : i32 to index
        %get3A_334 = arith.constant 256 : index
        %get3A_335 = tpu.vector_load %arg8[%get3A_333, %get3A_334] {strides = array<i32>} : memref<8x1024xf32, #tpu.memory_space<vmem>>, vector<1x16xf32>,
        %get3A_336 = vector.shape_cast %get3A_335 : vector<1x16xf32> to vector<16xf32>
        %add3A_337 = arith.addf %get3A_332, %get3A_336 : vector<16xf32>
        %swap3A_338 = arith.index_cast %scan3A_105 : i32 to index
        %swap3A_339 = arith.constant 256 : index
        %swap3A_340 = tpu.vector_load %arg6[%swap3A_338, %swap3A_339] {strides = array<i32>} : memref<8x1024xf32, #tpu.memory_space<vmem>>, vector<1x16xf32>,
        %swap3A_341 = vector.shape_cast %swap3A_340 : vector<1x16xf32> to vector<16xf32>
        %swap3A_342 = vector.shape_cast %add3A_337 : vector<16xf32> to vector<1x16xf32>
        tpu.vector_store %arg6[%swap3A_338, %swap3A_339], %swap3A_342 {strides = array<i32>} : memref<8x1024xf32, #tpu.memory_space<vmem>>, vector<1x16xf32>,
        %get3A_343 = arith.index_cast %scan3A_105 : i32 to index
        %get3A_344 = arith.constant 272 : index
        %get3A_345 = tpu.vector_load %arg6[%get3A_343, %get3A_344] {strides = array<i32>} : memref<8x1024xf32, #tpu.memory_space<vmem>>, vector<1x16xf32>,
        %get3A_346 = vector.shape_cast %get3A_345 : vector<1x16xf32> to vector<16xf32>
        %get3A_347 = arith.index_cast %scan3A_105 : i32 to index
        %get3A_348 = arith.constant 272 : index
        %get3A_349 = tpu.vector_load %arg8[%get3A_347, %get3A_348] {strides = array<i32>} : memref<8x1024xf32, #tpu.memory_space<vmem>>, vector<1x16xf32>,
        %get3A_350 = vector.shape_cast %get3A_349 : vector<1x16xf32> to vector<16xf32>
        %add3A_351 = arith.addf %get3A_346, %get3A_350 : vector<16xf32>
        %swap3A_352 = arith.index_cast %scan3A_105 : i32 to index
        %swap3A_353 = arith.constant 272 : index
        %swap3A_354 = tpu.vector_load %arg6[%swap3A_352, %swap3A_353] {strides = array<i32>} : memref<8x1024xf32, #tpu.memory_space<vmem>>, vector<1x16xf32>,
        %swap3A_355 = vector.shape_cast %swap3A_354 : vector<1x16xf32> to vector<16xf32>
        %swap3A_356 = vector.shape_cast %add3A_351 : vector<16xf32> to vector<1x16xf32>
        tpu.vector_store %arg6[%swap3A_352, %swap3A_353], %swap3A_356 {strides = array<i32>} : memref<8x1024xf32, #tpu.memory_space<vmem>>, vector<1x16xf32>,
        %get3A_357 = arith.index_cast %scan3A_105 : i32 to index
        %get3A_358 = arith.constant 288 : index
        %get3A_359 = tpu.vector_load %arg6[%get3A_357, %get3A_358] {strides = array<i32>} : memref<8x1024xf32, #tpu.memory_space<vmem>>, vector<1x16xf32>,
        %get3A_360 = vector.shape_cast %get3A_359 : vector<1x16xf32> to vector<16xf32>
        %get3A_361 = arith.index_cast %scan3A_105 : i32 to index
        %get3A_362 = arith.constant 288 : index
        %get3A_363 = tpu.vector_load %arg8[%get3A_361, %get3A_362] {strides = array<i32>} : memref<8x1024xf32, #tpu.memory_space<vmem>>, vector<1x16xf32>,
        %get3A_364 = vector.shape_cast %get3A_363 : vector<1x16xf32> to vector<16xf32>
        %add3A_365 = arith.addf %get3A_360, %get3A_364 : vector<16xf32>
        %swap3A_366 = arith.index_cast %scan3A_105 : i32 to index
        %swap3A_367 = arith.constant 288 : index
        %swap3A_368 = tpu.vector_load %arg6[%swap3A_366, %swap3A_367] {strides = array<i32>} : memref<8x1024xf32, #tpu.memory_space<vmem>>, vector<1x16xf32>,
        %swap3A_369 = vector.shape_cast %swap3A_368 : vector<1x16xf32> to vector<16xf32>
        %swap3A_370 = vector.shape_cast %add3A_365 : vector<16xf32> to vector<1x16xf32>
        tpu.vector_store %arg6[%swap3A_366, %swap3A_367], %swap3A_370 {strides = array<i32>} : memref<8x1024xf32, #tpu.memory_space<vmem>>, vector<1x16xf32>,
        %get3A_371 = arith.index_cast %scan3A_105 : i32 to index
        %get3A_372 = arith.constant 304 : index
        %get3A_373 = tpu.vector_load %arg6[%get3A_371, %get3A_372] {strides = array<i32>} : memref<8x1024xf32, #tpu.memory_space<vmem>>, vector<1x16xf32>,
        %get3A_374 = vector.shape_cast %get3A_373 : vector<1x16xf32> to vector<16xf32>
        %get3A_375 = arith.index_cast %scan3A_105 : i32 to index
        %get3A_376 = arith.constant 304 : index
        %get3A_377 = tpu.vector_load %arg8[%get3A_375, %get3A_376] {strides = array<i32>} : memref<8x1024xf32, #tpu.memory_space<vmem>>, vector<1x16xf32>,
        %get3A_378 = vector.shape_cast %get3A_377 : vector<1x16xf32> to vector<16xf32>
        %add3A_379 = arith.addf %get3A_374, %get3A_378 : vector<16xf32>
        %swap3A_380 = arith.index_cast %scan3A_105 : i32 to index
        %swap3A_381 = arith.constant 304 : index
        %swap3A_382 = tpu.vector_load %arg6[%swap3A_380, %swap3A_381] {strides = array<i32>} : memref<8x1024xf32, #tpu.memory_space<vmem>>, vector<1x16xf32>,
        %swap3A_383 = vector.shape_cast %swap3A_382 : vector<1x16xf32> to vector<16xf32>
        %swap3A_384 = vector.shape_cast %add3A_379 : vector<16xf32> to vector<1x16xf32>
        tpu.vector_store %arg6[%swap3A_380, %swap3A_381], %swap3A_384 {strides = array<i32>} : memref<8x1024xf32, #tpu.memory_space<vmem>>, vector<1x16xf32>,
        %get3A_385 = arith.index_cast %scan3A_105 : i32 to index
        %get3A_386 = arith.constant 320 : index
        %get3A_387 = tpu.vector_load %arg6[%get3A_385, %get3A_386] {strides = array<i32>} : memref<8x1024xf32, #tpu.memory_space<vmem>>, vector<1x16xf32>,
        %get3A_388 = vector.shape_cast %get3A_387 : vector<1x16xf32> to vector<16xf32>
        %get3A_389 = arith.index_cast %scan3A_105 : i32 to index
        %get3A_390 = arith.constant 320 : index
        %get3A_391 = tpu.vector_load %arg8[%get3A_389, %get3A_390] {strides = array<i32>} : memref<8x1024xf32, #tpu.memory_space<vmem>>, vector<1x16xf32>,
        %get3A_392 = vector.shape_cast %get3A_391 : vector<1x16xf32> to vector<16xf32>
        %add3A_393 = arith.addf %get3A_388, %get3A_392 : vector<16xf32>
        %swap3A_394 = arith.index_cast %scan3A_105 : i32 to index
        %swap3A_395 = arith.constant 320 : index
        %swap3A_396 = tpu.vector_load %arg6[%swap3A_394, %swap3A_395] {strides = array<i32>} : memref<8x1024xf32, #tpu.memory_space<vmem>>, vector<1x16xf32>,
        %swap3A_397 = vector.shape_cast %swap3A_396 : vector<1x16xf32> to vector<16xf32>
        %swap3A_398 = vector.shape_cast %add3A_393 : vector<16xf32> to vector<1x16xf32>
        tpu.vector_store %arg6[%swap3A_394, %swap3A_395], %swap3A_398 {strides = array<i32>} : memref<8x1024xf32, #tpu.memory_space<vmem>>, vector<1x16xf32>,
        %get3A_399 = arith.index_cast %scan3A_105 : i32 to index
        %get3A_400 = arith.constant 336 : index
        %get3A_401 = tpu.vector_load %arg6[%get3A_399, %get3A_400] {strides = array<i32>} : memref<8x1024xf32, #tpu.memory_space<vmem>>, vector<1x16xf32>,
        %get3A_402 = vector.shape_cast %get3A_401 : vector<1x16xf32> to vector<16xf32>
        %get3A_403 = arith.index_cast %scan3A_105 : i32 to index
        %get3A_404 = arith.constant 336 : index
        %get3A_405 = tpu.vector_load %arg8[%get3A_403, %get3A_404] {strides = array<i32>} : memref<8x1024xf32, #tpu.memory_space<vmem>>, vector<1x16xf32>,
        %get3A_406 = vector.shape_cast %get3A_405 : vector<1x16xf32> to vector<16xf32>
        %add3A_407 = arith.addf %get3A_402, %get3A_406 : vector<16xf32>
        %swap3A_408 = arith.index_cast %scan3A_105 : i32 to index
        %swap3A_409 = arith.constant 336 : index
        %swap3A_410 = tpu.vector_load %arg6[%swap3A_408, %swap3A_409] {strides = array<i32>} : memref<8x1024xf32, #tpu.memory_space<vmem>>, vector<1x16xf32>,
        %swap3A_411 = vector.shape_cast %swap3A_410 : vector<1x16xf32> to vector<16xf32>
        %swap3A_412 = vector.shape_cast %add3A_407 : vector<16xf32> to vector<1x16xf32>
        tpu.vector_store %arg6[%swap3A_408, %swap3A_409], %swap3A_412 {strides = array<i32>} : memref<8x1024xf32, #tpu.memory_space<vmem>>, vector<1x16xf32>,
        %get3A_413 = arith.index_cast %scan3A_105 : i32 to index
        %get3A_414 = arith.constant 352 : index
        %get3A_415 = tpu.vector_load %arg6[%get3A_413, %get3A_414] {strides = array<i32>} : memref<8x1024xf32, #tpu.memory_space<vmem>>, vector<1x16xf32>,
        %get3A_416 = vector.shape_cast %get3A_415 : vector<1x16xf32> to vector<16xf32>
        %get3A_417 = arith.index_cast %scan3A_105 : i32 to index
        %get3A_418 = arith.constant 352 : index
        %get3A_419 = tpu.vector_load %arg8[%get3A_417, %get3A_418] {strides = array<i32>} : memref<8x1024xf32, #tpu.memory_space<vmem>>, vector<1x16xf32>,
        %get3A_420 = vector.shape_cast %get3A_419 : vector<1x16xf32> to vector<16xf32>
        %add3A_421 = arith.addf %get3A_416, %get3A_420 : vector<16xf32>
        %swap3A_422 = arith.index_cast %scan3A_105 : i32 to index
        %swap3A_423 = arith.constant 352 : index
        %swap3A_424 = tpu.vector_load %arg6[%swap3A_422, %swap3A_423] {strides = array<i32>} : memref<8x1024xf32, #tpu.memory_space<vmem>>, vector<1x16xf32>,
        %swap3A_425 = vector.shape_cast %swap3A_424 : vector<1x16xf32> to vector<16xf32>
        %swap3A_426 = vector.shape_cast %add3A_421 : vector<16xf32> to vector<1x16xf32>
        tpu.vector_store %arg6[%swap3A_422, %swap3A_423], %swap3A_426 {strides = array<i32>} : memref<8x1024xf32, #tpu.memory_space<vmem>>, vector<1x16xf32>,
        %get3A_427 = arith.index_cast %scan3A_105 : i32 to index
        %get3A_428 = arith.constant 368 : index
        %get3A_429 = tpu.vector_load %arg6[%get3A_427, %get3A_428] {strides = array<i32>} : memref<8x1024xf32, #tpu.memory_space<vmem>>, vector<1x16xf32>,
        %get3A_430 = vector.shape_cast %get3A_429 : vector<1x16xf32> to vector<16xf32>
        %get3A_431 = arith.index_cast %scan3A_105 : i32 to index
        %get3A_432 = arith.constant 368 : index
        %get3A_433 = tpu.vector_load %arg8[%get3A_431, %get3A_432] {strides = array<i32>} : memref<8x1024xf32, #tpu.memory_space<vmem>>, vector<1x16xf32>,
        %get3A_434 = vector.shape_cast %get3A_433 : vector<1x16xf32> to vector<16xf32>
        %add3A_435 = arith.addf %get3A_430, %get3A_434 : vector<16xf32>
        %swap3A_436 = arith.index_cast %scan3A_105 : i32 to index
        %swap3A_437 = arith.constant 368 : index
        %swap3A_438 = tpu.vector_load %arg6[%swap3A_436, %swap3A_437] {strides = array<i32>} : memref<8x1024xf32, #tpu.memory_space<vmem>>, vector<1x16xf32>,
        %swap3A_439 = vector.shape_cast %swap3A_438 : vector<1x16xf32> to vector<16xf32>
        %swap3A_440 = vector.shape_cast %add3A_435 : vector<16xf32> to vector<1x16xf32>
        tpu.vector_store %arg6[%swap3A_436, %swap3A_437], %swap3A_440 {strides = array<i32>} : memref<8x1024xf32, #tpu.memory_space<vmem>>, vector<1x16xf32>,
        %get3A_441 = arith.index_cast %scan3A_105 : i32 to index
        %get3A_442 = arith.constant 384 : index
        %get3A_443 = tpu.vector_load %arg6[%get3A_441, %get3A_442] {strides = array<i32>} : memref<8x1024xf32, #tpu.memory_space<vmem>>, vector<1x16xf32>,
        %get3A_444 = vector.shape_cast %get3A_443 : vector<1x16xf32> to vector<16xf32>
        %get3A_445 = arith.index_cast %scan3A_105 : i32 to index
        %get3A_446 = arith.constant 384 : index
        %get3A_447 = tpu.vector_load %arg8[%get3A_445, %get3A_446] {strides = array<i32>} : memref<8x1024xf32, #tpu.memory_space<vmem>>, vector<1x16xf32>,
        %get3A_448 = vector.shape_cast %get3A_447 : vector<1x16xf32> to vector<16xf32>
        %add3A_449 = arith.addf %get3A_444, %get3A_448 : vector<16xf32>
        %swap3A_450 = arith.index_cast %scan3A_105 : i32 to index
        %swap3A_451 = arith.constant 384 : index
        %swap3A_452 = tpu.vector_load %arg6[%swap3A_450, %swap3A_451] {strides = array<i32>} : memref<8x1024xf32, #tpu.memory_space<vmem>>, vector<1x16xf32>,
        %swap3A_453 = vector.shape_cast %swap3A_452 : vector<1x16xf32> to vector<16xf32>
        %swap3A_454 = vector.shape_cast %add3A_449 : vector<16xf32> to vector<1x16xf32>
        tpu.vector_store %arg6[%swap3A_450, %swap3A_451], %swap3A_454 {strides = array<i32>} : memref<8x1024xf32, #tpu.memory_space<vmem>>, vector<1x16xf32>,
        %get3A_455 = arith.index_cast %scan3A_105 : i32 to index
        %get3A_456 = arith.constant 400 : index
        %get3A_457 = tpu.vector_load %arg6[%get3A_455, %get3A_456] {strides = array<i32>} : memref<8x1024xf32, #tpu.memory_space<vmem>>, vector<1x16xf32>,
        %get3A_458 = vector.shape_cast %get3A_457 : vector<1x16xf32> to vector<16xf32>
        %get3A_459 = arith.index_cast %scan3A_105 : i32 to index
        %get3A_460 = arith.constant 400 : index
        %get3A_461 = tpu.vector_load %arg8[%get3A_459, %get3A_460] {strides = array<i32>} : memref<8x1024xf32, #tpu.memory_space<vmem>>, vector<1x16xf32>,
        %get3A_462 = vector.shape_cast %get3A_461 : vector<1x16xf32> to vector<16xf32>
        %add3A_463 = arith.addf %get3A_458, %get3A_462 : vector<16xf32>
        %swap3A_464 = arith.index_cast %scan3A_105 : i32 to index
        %swap3A_465 = arith.constant 400 : index
        %swap3A_466 = tpu.vector_load %arg6[%swap3A_464, %swap3A_465] {strides = array<i32>} : memref<8x1024xf32, #tpu.memory_space<vmem>>, vector<1x16xf32>,
        %swap3A_467 = vector.shape_cast %swap3A_466 : vector<1x16xf32> to vector<16xf32>
        %swap3A_468 = vector.shape_cast %add3A_463 : vector<16xf32> to vector<1x16xf32>
        tpu.vector_store %arg6[%swap3A_464, %swap3A_465], %swap3A_468 {strides = array<i32>} : memref<8x1024xf32, #tpu.memory_space<vmem>>, vector<1x16xf32>,
        %get3A_469 = arith.index_cast %scan3A_105 : i32 to index
        %get3A_470 = arith.constant 416 : index
        %get3A_471 = tpu.vector_load %arg6[%get3A_469, %get3A_470] {strides = array<i32>} : memref<8x1024xf32, #tpu.memory_space<vmem>>, vector<1x16xf32>,
        %get3A_472 = vector.shape_cast %get3A_471 : vector<1x16xf32> to vector<16xf32>
        %get3A_473 = arith.index_cast %scan3A_105 : i32 to index
        %get3A_474 = arith.constant 416 : index
        %get3A_475 = tpu.vector_load %arg8[%get3A_473, %get3A_474] {strides = array<i32>} : memref<8x1024xf32, #tpu.memory_space<vmem>>, vector<1x16xf32>,
        %get3A_476 = vector.shape_cast %get3A_475 : vector<1x16xf32> to vector<16xf32>
        %add3A_477 = arith.addf %get3A_472, %get3A_476 : vector<16xf32>
        %swap3A_478 = arith.index_cast %scan3A_105 : i32 to index
        %swap3A_479 = arith.constant 416 : index
        %swap3A_480 = tpu.vector_load %arg6[%swap3A_478, %swap3A_479] {strides = array<i32>} : memref<8x1024xf32, #tpu.memory_space<vmem>>, vector<1x16xf32>,
        %swap3A_481 = vector.shape_cast %swap3A_480 : vector<1x16xf32> to vector<16xf32>
        %swap3A_482 = vector.shape_cast %add3A_477 : vector<16xf32> to vector<1x16xf32>
        tpu.vector_store %arg6[%swap3A_478, %swap3A_479], %swap3A_482 {strides = array<i32>} : memref<8x1024xf32, #tpu.memory_space<vmem>>, vector<1x16xf32>,
        %get3A_483 = arith.index_cast %scan3A_105 : i32 to index
        %get3A_484 = arith.constant 432 : index
        %get3A_485 = tpu.vector_load %arg6[%get3A_483, %get3A_484] {strides = array<i32>} : memref<8x1024xf32, #tpu.memory_space<vmem>>, vector<1x16xf32>,
        %get3A_486 = vector.shape_cast %get3A_485 : vector<1x16xf32> to vector<16xf32>
        %get3A_487 = arith.index_cast %scan3A_105 : i32 to index
        %get3A_488 = arith.constant 432 : index
        %get3A_489 = tpu.vector_load %arg8[%get3A_487, %get3A_488] {strides = array<i32>} : memref<8x1024xf32, #tpu.memory_space<vmem>>, vector<1x16xf32>,
        %get3A_490 = vector.shape_cast %get3A_489 : vector<1x16xf32> to vector<16xf32>
        %add3A_491 = arith.addf %get3A_486, %get3A_490 : vector<16xf32>
        %swap3A_492 = arith.index_cast %scan3A_105 : i32 to index
        %swap3A_493 = arith.constant 432 : index
        %swap3A_494 = tpu.vector_load %arg6[%swap3A_492, %swap3A_493] {strides = array<i32>} : memref<8x1024xf32, #tpu.memory_space<vmem>>, vector<1x16xf32>,
        %swap3A_495 = vector.shape_cast %swap3A_494 : vector<1x16xf32> to vector<16xf32>
        %swap3A_496 = vector.shape_cast %add3A_491 : vector<16xf32> to vector<1x16xf32>
        tpu.vector_store %arg6[%swap3A_492, %swap3A_493], %swap3A_496 {strides = array<i32>} : memref<8x1024xf32, #tpu.memory_space<vmem>>, vector<1x16xf32>,
        %get3A_497 = arith.index_cast %scan3A_105 : i32 to index
        %get3A_498 = arith.constant 448 : index
        %get3A_499 = tpu.vector_load %arg6[%get3A_497, %get3A_498] {strides = array<i32>} : memref<8x1024xf32, #tpu.memory_space<vmem>>, vector<1x16xf32>,
        %get3A_500 = vector.shape_cast %get3A_499 : vector<1x16xf32> to vector<16xf32>
        %get3A_501 = arith.index_cast %scan3A_105 : i32 to index
        %get3A_502 = arith.constant 448 : index
        %get3A_503 = tpu.vector_load %arg8[%get3A_501, %get3A_502] {strides = array<i32>} : memref<8x1024xf32, #tpu.memory_space<vmem>>, vector<1x16xf32>,
        %get3A_504 = vector.shape_cast %get3A_503 : vector<1x16xf32> to vector<16xf32>
        %add3A_505 = arith.addf %get3A_500, %get3A_504 : vector<16xf32>
        %swap3A_506 = arith.index_cast %scan3A_105 : i32 to index
        %swap3A_507 = arith.constant 448 : index
        %swap3A_508 = tpu.vector_load %arg6[%swap3A_506, %swap3A_507] {strides = array<i32>} : memref<8x1024xf32, #tpu.memory_space<vmem>>, vector<1x16xf32>,
        %swap3A_509 = vector.shape_cast %swap3A_508 : vector<1x16xf32> to vector<16xf32>
        %swap3A_510 = vector.shape_cast %add3A_505 : vector<16xf32> to vector<1x16xf32>
        tpu.vector_store %arg6[%swap3A_506, %swap3A_507], %swap3A_510 {strides = array<i32>} : memref<8x1024xf32, #tpu.memory_space<vmem>>, vector<1x16xf32>,
        %get3A_511 = arith.index_cast %scan3A_105 : i32 to index
        %get3A_512 = arith.constant 464 : index
        %get3A_513 = tpu.vector_load %arg6[%get3A_511, %get3A_512] {strides = array<i32>} : memref<8x1024xf32, #tpu.memory_space<vmem>>, vector<1x16xf32>,
        %get3A_514 = vector.shape_cast %get3A_513 : vector<1x16xf32> to vector<16xf32>
        %get3A_515 = arith.index_cast %scan3A_105 : i32 to index
        %get3A_516 = arith.constant 464 : index
        %get3A_517 = tpu.vector_load %arg8[%get3A_515, %get3A_516] {strides = array<i32>} : memref<8x1024xf32, #tpu.memory_space<vmem>>, vector<1x16xf32>,
        %get3A_518 = vector.shape_cast %get3A_517 : vector<1x16xf32> to vector<16xf32>
        %add3A_519 = arith.addf %get3A_514, %get3A_518 : vector<16xf32>
        %swap3A_520 = arith.index_cast %scan3A_105 : i32 to index
        %swap3A_521 = arith.constant 464 : index
        %swap3A_522 = tpu.vector_load %arg6[%swap3A_520, %swap3A_521] {strides = array<i32>} : memref<8x1024xf32, #tpu.memory_space<vmem>>, vector<1x16xf32>,
        %swap3A_523 = vector.shape_cast %swap3A_522 : vector<1x16xf32> to vector<16xf32>
        %swap3A_524 = vector.shape_cast %add3A_519 : vector<16xf32> to vector<1x16xf32>
        tpu.vector_store %arg6[%swap3A_520, %swap3A_521], %swap3A_524 {strides = array<i32>} : memref<8x1024xf32, #tpu.memory_space<vmem>>, vector<1x16xf32>,
        %get3A_525 = arith.index_cast %scan3A_105 : i32 to index
        %get3A_526 = arith.constant 480 : index
        %get3A_527 = tpu.vector_load %arg6[%get3A_525, %get3A_526] {strides = array<i32>} : memref<8x1024xf32, #tpu.memory_space<vmem>>, vector<1x16xf32>,
        %get3A_528 = vector.shape_cast %get3A_527 : vector<1x16xf32> to vector<16xf32>
        %get3A_529 = arith.index_cast %scan3A_105 : i32 to index
        %get3A_530 = arith.constant 480 : index
        %get3A_531 = tpu.vector_load %arg8[%get3A_529, %get3A_530] {strides = array<i32>} : memref<8x1024xf32, #tpu.memory_space<vmem>>, vector<1x16xf32>,
        %get3A_532 = vector.shape_cast %get3A_531 : vector<1x16xf32> to vector<16xf32>
        %add3A_533 = arith.addf %get3A_528, %get3A_532 : vector<16xf32>
        %swap3A_534 = arith.index_cast %scan3A_105 : i32 to index
        %swap3A_535 = arith.constant 480 : index
        %swap3A_536 = tpu.vector_load %arg6[%swap3A_534, %swap3A_535] {strides = array<i32>} : memref<8x1024xf32, #tpu.memory_space<vmem>>, vector<1x16xf32>,
        %swap3A_537 = vector.shape_cast %swap3A_536 : vector<1x16xf32> to vector<16xf32>
        %swap3A_538 = vector.shape_cast %add3A_533 : vector<16xf32> to vector<1x16xf32>
        tpu.vector_store %arg6[%swap3A_534, %swap3A_535], %swap3A_538 {strides = array<i32>} : memref<8x1024xf32, #tpu.memory_space<vmem>>, vector<1x16xf32>,
        %get3A_539 = arith.index_cast %scan3A_105 : i32 to index
        %get3A_540 = arith.constant 496 : index
        %get3A_541 = tpu.vector_load %arg6[%get3A_539, %get3A_540] {strides = array<i32>} : memref<8x1024xf32, #tpu.memory_space<vmem>>, vector<1x16xf32>,
        %get3A_542 = vector.shape_cast %get3A_541 : vector<1x16xf32> to vector<16xf32>
        %get3A_543 = arith.index_cast %scan3A_105 : i32 to index
        %get3A_544 = arith.constant 496 : index
        %get3A_545 = tpu.vector_load %arg8[%get3A_543, %get3A_544] {strides = array<i32>} : memref<8x1024xf32, #tpu.memory_space<vmem>>, vector<1x16xf32>,
        %get3A_546 = vector.shape_cast %get3A_545 : vector<1x16xf32> to vector<16xf32>
        %add3A_547 = arith.addf %get3A_542, %get3A_546 : vector<16xf32>
        %swap3A_548 = arith.index_cast %scan3A_105 : i32 to index
        %swap3A_549 = arith.constant 496 : index
        %swap3A_550 = tpu.vector_load %arg6[%swap3A_548, %swap3A_549] {strides = array<i32>} : memref<8x1024xf32, #tpu.memory_space<vmem>>, vector<1x16xf32>,
        %swap3A_551 = vector.shape_cast %swap3A_550 : vector<1x16xf32> to vector<16xf32>
        %swap3A_552 = vector.shape_cast %add3A_547 : vector<16xf32> to vector<1x16xf32>
        tpu.vector_store %arg6[%swap3A_548, %swap3A_549], %swap3A_552 {strides = array<i32>} : memref<8x1024xf32, #tpu.memory_space<vmem>>, vector<1x16xf32>,
        %get3A_553 = arith.index_cast %scan3A_105 : i32 to index
        %get3A_554 = arith.constant 512 : index
        %get3A_555 = tpu.vector_load %arg6[%get3A_553, %get3A_554] {strides = array<i32>} : memref<8x1024xf32, #tpu.memory_space<vmem>>, vector<1x16xf32>,
        %get3A_556 = vector.shape_cast %get3A_555 : vector<1x16xf32> to vector<16xf32>
        %get3A_557 = arith.index_cast %scan3A_105 : i32 to index
        %get3A_558 = arith.constant 512 : index
        %get3A_559 = tpu.vector_load %arg8[%get3A_557, %get3A_558] {strides = array<i32>} : memref<8x1024xf32, #tpu.memory_space<vmem>>, vector<1x16xf32>,
        %get3A_560 = vector.shape_cast %get3A_559 : vector<1x16xf32> to vector<16xf32>
        %add3A_561 = arith.addf %get3A_556, %get3A_560 : vector<16xf32>
        %swap3A_562 = arith.index_cast %scan3A_105 : i32 to index
        %swap3A_563 = arith.constant 512 : index
        %swap3A_564 = tpu.vector_load %arg6[%swap3A_562, %swap3A_563] {strides = array<i32>} : memref<8x1024xf32, #tpu.memory_space<vmem>>, vector<1x16xf32>,
        %swap3A_565 = vector.shape_cast %swap3A_564 : vector<1x16xf32> to vector<16xf32>
        %swap3A_566 = vector.shape_cast %add3A_561 : vector<16xf32> to vector<1x16xf32>
        tpu.vector_store %arg6[%swap3A_562, %swap3A_563], %swap3A_566 {strides = array<i32>} : memref<8x1024xf32, #tpu.memory_space<vmem>>, vector<1x16xf32>,
        %get3A_567 = arith.index_cast %scan3A_105 : i32 to index
        %get3A_568 = arith.constant 528 : index
        %get3A_569 = tpu.vector_load %arg6[%get3A_567, %get3A_568] {strides = array<i32>} : memref<8x1024xf32, #tpu.memory_space<vmem>>, vector<1x16xf32>,
        %get3A_570 = vector.shape_cast %get3A_569 : vector<1x16xf32> to vector<16xf32>
        %get3A_571 = arith.index_cast %scan3A_105 : i32 to index
        %get3A_572 = arith.constant 528 : index
        %get3A_573 = tpu.vector_load %arg8[%get3A_571, %get3A_572] {strides = array<i32>} : memref<8x1024xf32, #tpu.memory_space<vmem>>, vector<1x16xf32>,
        %get3A_574 = vector.shape_cast %get3A_573 : vector<1x16xf32> to vector<16xf32>
        %add3A_575 = arith.addf %get3A_570, %get3A_574 : vector<16xf32>
        %swap3A_576 = arith.index_cast %scan3A_105 : i32 to index
        %swap3A_577 = arith.constant 528 : index
        %swap3A_578 = tpu.vector_load %arg6[%swap3A_576, %swap3A_577] {strides = array<i32>} : memref<8x1024xf32, #tpu.memory_space<vmem>>, vector<1x16xf32>,
        %swap3A_579 = vector.shape_cast %swap3A_578 : vector<1x16xf32> to vector<16xf32>
        %swap3A_580 = vector.shape_cast %add3A_575 : vector<16xf32> to vector<1x16xf32>
        tpu.vector_store %arg6[%swap3A_576, %swap3A_577], %swap3A_580 {strides = array<i32>} : memref<8x1024xf32, #tpu.memory_space<vmem>>, vector<1x16xf32>,
        %get3A_581 = arith.index_cast %scan3A_105 : i32 to index
        %get3A_582 = arith.constant 544 : index
        %get3A_583 = tpu.vector_load %arg6[%get3A_581, %get3A_582] {strides = array<i32>} : memref<8x1024xf32, #tpu.memory_space<vmem>>, vector<1x16xf32>,
        %get3A_584 = vector.shape_cast %get3A_583 : vector<1x16xf32> to vector<16xf32>
        %get3A_585 = arith.index_cast %scan3A_105 : i32 to index
        %get3A_586 = arith.constant 544 : index
        %get3A_587 = tpu.vector_load %arg8[%get3A_585, %get3A_586] {strides = array<i32>} : memref<8x1024xf32, #tpu.memory_space<vmem>>, vector<1x16xf32>,
        %get3A_588 = vector.shape_cast %get3A_587 : vector<1x16xf32> to vector<16xf32>
        %add3A_589 = arith.addf %get3A_584, %get3A_588 : vector<16xf32>
        %swap3A_590 = arith.index_cast %scan3A_105 : i32 to index
        %swap3A_591 = arith.constant 544 : index
        %swap3A_592 = tpu.vector_load %arg6[%swap3A_590, %swap3A_591] {strides = array<i32>} : memref<8x1024xf32, #tpu.memory_space<vmem>>, vector<1x16xf32>,
        %swap3A_593 = vector.shape_cast %swap3A_592 : vector<1x16xf32> to vector<16xf32>
        %swap3A_594 = vector.shape_cast %add3A_589 : vector<16xf32> to vector<1x16xf32>
        tpu.vector_store %arg6[%swap3A_590, %swap3A_591], %swap3A_594 {strides = array<i32>} : memref<8x1024xf32, #tpu.memory_space<vmem>>, vector<1x16xf32>,
        %get3A_595 = arith.index_cast %scan3A_105 : i32 to index
        %get3A_596 = arith.constant 560 : index
        %get3A_597 = tpu.vector_load %arg6[%get3A_595, %get3A_596] {strides = array<i32>} : memref<8x1024xf32, #tpu.memory_space<vmem>>, vector<1x16xf32>,
        %get3A_598 = vector.shape_cast %get3A_597 : vector<1x16xf32> to vector<16xf32>
        %get3A_599 = arith.index_cast %scan3A_105 : i32 to index
        %get3A_600 = arith.constant 560 : index
        %get3A_601 = tpu.vector_load %arg8[%get3A_599, %get3A_600] {strides = array<i32>} : memref<8x1024xf32, #tpu.memory_space<vmem>>, vector<1x16xf32>,
        %get3A_602 = vector.shape_cast %get3A_601 : vector<1x16xf32> to vector<16xf32>
        %add3A_603 = arith.addf %get3A_598, %get3A_602 : vector<16xf32>
        %swap3A_604 = arith.index_cast %scan3A_105 : i32 to index
        %swap3A_605 = arith.constant 560 : index
        %swap3A_606 = tpu.vector_load %arg6[%swap3A_604, %swap3A_605] {strides = array<i32>} : memref<8x1024xf32, #tpu.memory_space<vmem>>, vector<1x16xf32>,
        %swap3A_607 = vector.shape_cast %swap3A_606 : vector<1x16xf32> to vector<16xf32>
        %swap3A_608 = vector.shape_cast %add3A_603 : vector<16xf32> to vector<1x16xf32>
        tpu.vector_store %arg6[%swap3A_604, %swap3A_605], %swap3A_608 {strides = array<i32>} : memref<8x1024xf32, #tpu.memory_space<vmem>>, vector<1x16xf32>,
        %get3A_609 = arith.index_cast %scan3A_105 : i32 to index
        %get3A_610 = arith.constant 576 : index
        %get3A_611 = tpu.vector_load %arg6[%get3A_609, %get3A_610] {strides = array<i32>} : memref<8x1024xf32, #tpu.memory_space<vmem>>, vector<1x16xf32>,
        %get3A_612 = vector.shape_cast %get3A_611 : vector<1x16xf32> to vector<16xf32>
        %get3A_613 = arith.index_cast %scan3A_105 : i32 to index
        %get3A_614 = arith.constant 576 : index
        %get3A_615 = tpu.vector_load %arg8[%get3A_613, %get3A_614] {strides = array<i32>} : memref<8x1024xf32, #tpu.memory_space<vmem>>, vector<1x16xf32>,
        %get3A_616 = vector.shape_cast %get3A_615 : vector<1x16xf32> to vector<16xf32>
        %add3A_617 = arith.addf %get3A_612, %get3A_616 : vector<16xf32>
        %swap3A_618 = arith.index_cast %scan3A_105 : i32 to index
        %swap3A_619 = arith.constant 576 : index
        %swap3A_620 = tpu.vector_load %arg6[%swap3A_618, %swap3A_619] {strides = array<i32>} : memref<8x1024xf32, #tpu.memory_space<vmem>>, vector<1x16xf32>,
        %swap3A_621 = vector.shape_cast %swap3A_620 : vector<1x16xf32> to vector<16xf32>
        %swap3A_622 = vector.shape_cast %add3A_617 : vector<16xf32> to vector<1x16xf32>
        tpu.vector_store %arg6[%swap3A_618, %swap3A_619], %swap3A_622 {strides = array<i32>} : memref<8x1024xf32, #tpu.memory_space<vmem>>, vector<1x16xf32>,
        %get3A_623 = arith.index_cast %scan3A_105 : i32 to index
        %get3A_624 = arith.constant 592 : index
        %get3A_625 = tpu.vector_load %arg6[%get3A_623, %get3A_624] {strides = array<i32>} : memref<8x1024xf32, #tpu.memory_space<vmem>>, vector<1x16xf32>,
        %get3A_626 = vector.shape_cast %get3A_625 : vector<1x16xf32> to vector<16xf32>
        %get3A_627 = arith.index_cast %scan3A_105 : i32 to index
        %get3A_628 = arith.constant 592 : index
        %get3A_629 = tpu.vector_load %arg8[%get3A_627, %get3A_628] {strides = array<i32>} : memref<8x1024xf32, #tpu.memory_space<vmem>>, vector<1x16xf32>,
        %get3A_630 = vector.shape_cast %get3A_629 : vector<1x16xf32> to vector<16xf32>
        %add3A_631 = arith.addf %get3A_626, %get3A_630 : vector<16xf32>
        %swap3A_632 = arith.index_cast %scan3A_105 : i32 to index
        %swap3A_633 = arith.constant 592 : index
        %swap3A_634 = tpu.vector_load %arg6[%swap3A_632, %swap3A_633] {strides = array<i32>} : memref<8x1024xf32, #tpu.memory_space<vmem>>, vector<1x16xf32>,
        %swap3A_635 = vector.shape_cast %swap3A_634 : vector<1x16xf32> to vector<16xf32>
        %swap3A_636 = vector.shape_cast %add3A_631 : vector<16xf32> to vector<1x16xf32>
        tpu.vector_store %arg6[%swap3A_632, %swap3A_633], %swap3A_636 {strides = array<i32>} : memref<8x1024xf32, #tpu.memory_space<vmem>>, vector<1x16xf32>,
        %get3A_637 = arith.index_cast %scan3A_105 : i32 to index
        %get3A_638 = arith.constant 608 : index
        %get3A_639 = tpu.vector_load %arg6[%get3A_637, %get3A_638] {strides = array<i32>} : memref<8x1024xf32, #tpu.memory_space<vmem>>, vector<1x16xf32>,
        %get3A_640 = vector.shape_cast %get3A_639 : vector<1x16xf32> to vector<16xf32>
        %get3A_641 = arith.index_cast %scan3A_105 : i32 to index
        %get3A_642 = arith.constant 608 : index
        %get3A_643 = tpu.vector_load %arg8[%get3A_641, %get3A_642] {strides = array<i32>} : memref<8x1024xf32, #tpu.memory_space<vmem>>, vector<1x16xf32>,
        %get3A_644 = vector.shape_cast %get3A_643 : vector<1x16xf32> to vector<16xf32>
        %add3A_645 = arith.addf %get3A_640, %get3A_644 : vector<16xf32>
        %swap3A_646 = arith.index_cast %scan3A_105 : i32 to index
        %swap3A_647 = arith.constant 608 : index
        %swap3A_648 = tpu.vector_load %arg6[%swap3A_646, %swap3A_647] {strides = array<i32>} : memref<8x1024xf32, #tpu.memory_space<vmem>>, vector<1x16xf32>,
        %swap3A_649 = vector.shape_cast %swap3A_648 : vector<1x16xf32> to vector<16xf32>
        %swap3A_650 = vector.shape_cast %add3A_645 : vector<16xf32> to vector<1x16xf32>
        tpu.vector_store %arg6[%swap3A_646, %swap3A_647], %swap3A_650 {strides = array<i32>} : memref<8x1024xf32, #tpu.memory_space<vmem>>, vector<1x16xf32>,
        %get3A_651 = arith.index_cast %scan3A_105 : i32 to index
        %get3A_652 = arith.constant 624 : index
        %get3A_653 = tpu.vector_load %arg6[%get3A_651, %get3A_652] {strides = array<i32>} : memref<8x1024xf32, #tpu.memory_space<vmem>>, vector<1x16xf32>,
        %get3A_654 = vector.shape_cast %get3A_653 : vector<1x16xf32> to vector<16xf32>
        %get3A_655 = arith.index_cast %scan3A_105 : i32 to index
        %get3A_656 = arith.constant 624 : index
        %get3A_657 = tpu.vector_load %arg8[%get3A_655, %get3A_656] {strides = array<i32>} : memref<8x1024xf32, #tpu.memory_space<vmem>>, vector<1x16xf32>,
        %get3A_658 = vector.shape_cast %get3A_657 : vector<1x16xf32> to vector<16xf32>
        %add3A_659 = arith.addf %get3A_654, %get3A_658 : vector<16xf32>
        %swap3A_660 = arith.index_cast %scan3A_105 : i32 to index
        %swap3A_661 = arith.constant 624 : index
        %swap3A_662 = tpu.vector_load %arg6[%swap3A_660, %swap3A_661] {strides = array<i32>} : memref<8x1024xf32, #tpu.memory_space<vmem>>, vector<1x16xf32>,
        %swap3A_663 = vector.shape_cast %swap3A_662 : vector<1x16xf32> to vector<16xf32>
        %swap3A_664 = vector.shape_cast %add3A_659 : vector<16xf32> to vector<1x16xf32>
        tpu.vector_store %arg6[%swap3A_660, %swap3A_661], %swap3A_664 {strides = array<i32>} : memref<8x1024xf32, #tpu.memory_space<vmem>>, vector<1x16xf32>,
        %get3A_665 = arith.index_cast %scan3A_105 : i32 to index
        %get3A_666 = arith.constant 640 : index
        %get3A_667 = tpu.vector_load %arg6[%get3A_665, %get3A_666] {strides = array<i32>} : memref<8x1024xf32, #tpu.memory_space<vmem>>, vector<1x16xf32>,
        %get3A_668 = vector.shape_cast %get3A_667 : vector<1x16xf32> to vector<16xf32>
        %get3A_669 = arith.index_cast %scan3A_105 : i32 to index
        %get3A_670 = arith.constant 640 : index
        %get3A_671 = tpu.vector_load %arg8[%get3A_669, %get3A_670] {strides = array<i32>} : memref<8x1024xf32, #tpu.memory_space<vmem>>, vector<1x16xf32>,
        %get3A_672 = vector.shape_cast %get3A_671 : vector<1x16xf32> to vector<16xf32>
        %add3A_673 = arith.addf %get3A_668, %get3A_672 : vector<16xf32>
        %swap3A_674 = arith.index_cast %scan3A_105 : i32 to index
        %swap3A_675 = arith.constant 640 : index
        %swap3A_676 = tpu.vector_load %arg6[%swap3A_674, %swap3A_675] {strides = array<i32>} : memref<8x1024xf32, #tpu.memory_space<vmem>>, vector<1x16xf32>,
        %swap3A_677 = vector.shape_cast %swap3A_676 : vector<1x16xf32> to vector<16xf32>
        %swap3A_678 = vector.shape_cast %add3A_673 : vector<16xf32> to vector<1x16xf32>
        tpu.vector_store %arg6[%swap3A_674, %swap3A_675], %swap3A_678 {strides = array<i32>} : memref<8x1024xf32, #tpu.memory_space<vmem>>, vector<1x16xf32>,
        %get3A_679 = arith.index_cast %scan3A_105 : i32 to index
        %get3A_680 = arith.constant 656 : index
        %get3A_681 = tpu.vector_load %arg6[%get3A_679, %get3A_680] {strides = array<i32>} : memref<8x1024xf32, #tpu.memory_space<vmem>>, vector<1x16xf32>,
        %get3A_682 = vector.shape_cast %get3A_681 : vector<1x16xf32> to vector<16xf32>
        %get3A_683 = arith.index_cast %scan3A_105 : i32 to index
        %get3A_684 = arith.constant 656 : index
        %get3A_685 = tpu.vector_load %arg8[%get3A_683, %get3A_684] {strides = array<i32>} : memref<8x1024xf32, #tpu.memory_space<vmem>>, vector<1x16xf32>,
        %get3A_686 = vector.shape_cast %get3A_685 : vector<1x16xf32> to vector<16xf32>
        %add3A_687 = arith.addf %get3A_682, %get3A_686 : vector<16xf32>
        %swap3A_688 = arith.index_cast %scan3A_105 : i32 to index
        %swap3A_689 = arith.constant 656 : index
        %swap3A_690 = tpu.vector_load %arg6[%swap3A_688, %swap3A_689] {strides = array<i32>} : memref<8x1024xf32, #tpu.memory_space<vmem>>, vector<1x16xf32>,
        %swap3A_691 = vector.shape_cast %swap3A_690 : vector<1x16xf32> to vector<16xf32>
        %swap3A_692 = vector.shape_cast %add3A_687 : vector<16xf32> to vector<1x16xf32>
        tpu.vector_store %arg6[%swap3A_688, %swap3A_689], %swap3A_692 {strides = array<i32>} : memref<8x1024xf32, #tpu.memory_space<vmem>>, vector<1x16xf32>,
        %get3A_693 = arith.index_cast %scan3A_105 : i32 to index
        %get3A_694 = arith.constant 672 : index
        %get3A_695 = tpu.vector_load %arg6[%get3A_693, %get3A_694] {strides = array<i32>} : memref<8x1024xf32, #tpu.memory_space<vmem>>, vector<1x16xf32>,
        %get3A_696 = vector.shape_cast %get3A_695 : vector<1x16xf32> to vector<16xf32>
        %get3A_697 = arith.index_cast %scan3A_105 : i32 to index
        %get3A_698 = arith.constant 672 : index
        %get3A_699 = tpu.vector_load %arg8[%get3A_697, %get3A_698] {strides = array<i32>} : memref<8x1024xf32, #tpu.memory_space<vmem>>, vector<1x16xf32>,
        %get3A_700 = vector.shape_cast %get3A_699 : vector<1x16xf32> to vector<16xf32>
        %add3A_701 = arith.addf %get3A_696, %get3A_700 : vector<16xf32>
        %swap3A_702 = arith.index_cast %scan3A_105 : i32 to index
        %swap3A_703 = arith.constant 672 : index
        %swap3A_704 = tpu.vector_load %arg6[%swap3A_702, %swap3A_703] {strides = array<i32>} : memref<8x1024xf32, #tpu.memory_space<vmem>>, vector<1x16xf32>,
        %swap3A_705 = vector.shape_cast %swap3A_704 : vector<1x16xf32> to vector<16xf32>
        %swap3A_706 = vector.shape_cast %add3A_701 : vector<16xf32> to vector<1x16xf32>
        tpu.vector_store %arg6[%swap3A_702, %swap3A_703], %swap3A_706 {strides = array<i32>} : memref<8x1024xf32, #tpu.memory_space<vmem>>, vector<1x16xf32>,
        %get3A_707 = arith.index_cast %scan3A_105 : i32 to index
        %get3A_708 = arith.constant 688 : index
        %get3A_709 = tpu.vector_load %arg6[%get3A_707, %get3A_708] {strides = array<i32>} : memref<8x1024xf32, #tpu.memory_space<vmem>>, vector<1x16xf32>,
        %get3A_710 = vector.shape_cast %get3A_709 : vector<1x16xf32> to vector<16xf32>
        %get3A_711 = arith.index_cast %scan3A_105 : i32 to index
        %get3A_712 = arith.constant 688 : index
        %get3A_713 = tpu.vector_load %arg8[%get3A_711, %get3A_712] {strides = array<i32>} : memref<8x1024xf32, #tpu.memory_space<vmem>>, vector<1x16xf32>,
        %get3A_714 = vector.shape_cast %get3A_713 : vector<1x16xf32> to vector<16xf32>
        %add3A_715 = arith.addf %get3A_710, %get3A_714 : vector<16xf32>
        %swap3A_716 = arith.index_cast %scan3A_105 : i32 to index
        %swap3A_717 = arith.constant 688 : index
        %swap3A_718 = tpu.vector_load %arg6[%swap3A_716, %swap3A_717] {strides = array<i32>} : memref<8x1024xf32, #tpu.memory_space<vmem>>, vector<1x16xf32>,
        %swap3A_719 = vector.shape_cast %swap3A_718 : vector<1x16xf32> to vector<16xf32>
        %swap3A_720 = vector.shape_cast %add3A_715 : vector<16xf32> to vector<1x16xf32>
        tpu.vector_store %arg6[%swap3A_716, %swap3A_717], %swap3A_720 {strides = array<i32>} : memref<8x1024xf32, #tpu.memory_space<vmem>>, vector<1x16xf32>,
        %get3A_721 = arith.index_cast %scan3A_105 : i32 to index
        %get3A_722 = arith.constant 704 : index
        %get3A_723 = tpu.vector_load %arg6[%get3A_721, %get3A_722] {strides = array<i32>} : memref<8x1024xf32, #tpu.memory_space<vmem>>, vector<1x16xf32>,
        %get3A_724 = vector.shape_cast %get3A_723 : vector<1x16xf32> to vector<16xf32>
        %get3A_725 = arith.index_cast %scan3A_105 : i32 to index
        %get3A_726 = arith.constant 704 : index
        %get3A_727 = tpu.vector_load %arg8[%get3A_725, %get3A_726] {strides = array<i32>} : memref<8x1024xf32, #tpu.memory_space<vmem>>, vector<1x16xf32>,
        %get3A_728 = vector.shape_cast %get3A_727 : vector<1x16xf32> to vector<16xf32>
        %add3A_729 = arith.addf %get3A_724, %get3A_728 : vector<16xf32>
        %swap3A_730 = arith.index_cast %scan3A_105 : i32 to index
        %swap3A_731 = arith.constant 704 : index
        %swap3A_732 = tpu.vector_load %arg6[%swap3A_730, %swap3A_731] {strides = array<i32>} : memref<8x1024xf32, #tpu.memory_space<vmem>>, vector<1x16xf32>,
        %swap3A_733 = vector.shape_cast %swap3A_732 : vector<1x16xf32> to vector<16xf32>
        %swap3A_734 = vector.shape_cast %add3A_729 : vector<16xf32> to vector<1x16xf32>
        tpu.vector_store %arg6[%swap3A_730, %swap3A_731], %swap3A_734 {strides = array<i32>} : memref<8x1024xf32, #tpu.memory_space<vmem>>, vector<1x16xf32>,
        %get3A_735 = arith.index_cast %scan3A_105 : i32 to index
        %get3A_736 = arith.constant 720 : index
        %get3A_737 = tpu.vector_load %arg6[%get3A_735, %get3A_736] {strides = array<i32>} : memref<8x1024xf32, #tpu.memory_space<vmem>>, vector<1x16xf32>,
        %get3A_738 = vector.shape_cast %get3A_737 : vector<1x16xf32> to vector<16xf32>
        %get3A_739 = arith.index_cast %scan3A_105 : i32 to index
        %get3A_740 = arith.constant 720 : index
        %get3A_741 = tpu.vector_load %arg8[%get3A_739, %get3A_740] {strides = array<i32>} : memref<8x1024xf32, #tpu.memory_space<vmem>>, vector<1x16xf32>,
        %get3A_742 = vector.shape_cast %get3A_741 : vector<1x16xf32> to vector<16xf32>
        %add3A_743 = arith.addf %get3A_738, %get3A_742 : vector<16xf32>
        %swap3A_744 = arith.index_cast %scan3A_105 : i32 to index
        %swap3A_745 = arith.constant 720 : index
        %swap3A_746 = tpu.vector_load %arg6[%swap3A_744, %swap3A_745] {strides = array<i32>} : memref<8x1024xf32, #tpu.memory_space<vmem>>, vector<1x16xf32>,
        %swap3A_747 = vector.shape_cast %swap3A_746 : vector<1x16xf32> to vector<16xf32>
        %swap3A_748 = vector.shape_cast %add3A_743 : vector<16xf32> to vector<1x16xf32>
        tpu.vector_store %arg6[%swap3A_744, %swap3A_745], %swap3A_748 {strides = array<i32>} : memref<8x1024xf32, #tpu.memory_space<vmem>>, vector<1x16xf32>,
        %get3A_749 = arith.index_cast %scan3A_105 : i32 to index
        %get3A_750 = arith.constant 736 : index
        %get3A_751 = tpu.vector_load %arg6[%get3A_749, %get3A_750] {strides = array<i32>} : memref<8x1024xf32, #tpu.memory_space<vmem>>, vector<1x16xf32>,
        %get3A_752 = vector.shape_cast %get3A_751 : vector<1x16xf32> to vector<16xf32>
        %get3A_753 = arith.index_cast %scan3A_105 : i32 to index
        %get3A_754 = arith.constant 736 : index
        %get3A_755 = tpu.vector_load %arg8[%get3A_753, %get3A_754] {strides = array<i32>} : memref<8x1024xf32, #tpu.memory_space<vmem>>, vector<1x16xf32>,
        %get3A_756 = vector.shape_cast %get3A_755 : vector<1x16xf32> to vector<16xf32>
        %add3A_757 = arith.addf %get3A_752, %get3A_756 : vector<16xf32>
        %swap3A_758 = arith.index_cast %scan3A_105 : i32 to index
        %swap3A_759 = arith.constant 736 : index
        %swap3A_760 = tpu.vector_load %arg6[%swap3A_758, %swap3A_759] {strides = array<i32>} : memref<8x1024xf32, #tpu.memory_space<vmem>>, vector<1x16xf32>,
        %swap3A_761 = vector.shape_cast %swap3A_760 : vector<1x16xf32> to vector<16xf32>
        %swap3A_762 = vector.shape_cast %add3A_757 : vector<16xf32> to vector<1x16xf32>
        tpu.vector_store %arg6[%swap3A_758, %swap3A_759], %swap3A_762 {strides = array<i32>} : memref<8x1024xf32, #tpu.memory_space<vmem>>, vector<1x16xf32>,
        %get3A_763 = arith.index_cast %scan3A_105 : i32 to index
        %get3A_764 = arith.constant 752 : index
        %get3A_765 = tpu.vector_load %arg6[%get3A_763, %get3A_764] {strides = array<i32>} : memref<8x1024xf32, #tpu.memory_space<vmem>>, vector<1x16xf32>,
        %get3A_766 = vector.shape_cast %get3A_765 : vector<1x16xf32> to vector<16xf32>
        %get3A_767 = arith.index_cast %scan3A_105 : i32 to index
        %get3A_768 = arith.constant 752 : index
        %get3A_769 = tpu.vector_load %arg8[%get3A_767, %get3A_768] {strides = array<i32>} : memref<8x1024xf32, #tpu.memory_space<vmem>>, vector<1x16xf32>,
        %get3A_770 = vector.shape_cast %get3A_769 : vector<1x16xf32> to vector<16xf32>
        %add3A_771 = arith.addf %get3A_766, %get3A_770 : vector<16xf32>
        %swap3A_772 = arith.index_cast %scan3A_105 : i32 to index
        %swap3A_773 = arith.constant 752 : index
        %swap3A_774 = tpu.vector_load %arg6[%swap3A_772, %swap3A_773] {strides = array<i32>} : memref<8x1024xf32, #tpu.memory_space<vmem>>, vector<1x16xf32>,
        %swap3A_775 = vector.shape_cast %swap3A_774 : vector<1x16xf32> to vector<16xf32>
        %swap3A_776 = vector.shape_cast %add3A_771 : vector<16xf32> to vector<1x16xf32>
        tpu.vector_store %arg6[%swap3A_772, %swap3A_773], %swap3A_776 {strides = array<i32>} : memref<8x1024xf32, #tpu.memory_space<vmem>>, vector<1x16xf32>,
        %get3A_777 = arith.index_cast %scan3A_105 : i32 to index
        %get3A_778 = arith.constant 768 : index
        %get3A_779 = tpu.vector_load %arg6[%get3A_777, %get3A_778] {strides = array<i32>} : memref<8x1024xf32, #tpu.memory_space<vmem>>, vector<1x16xf32>,
        %get3A_780 = vector.shape_cast %get3A_779 : vector<1x16xf32> to vector<16xf32>
        %get3A_781 = arith.index_cast %scan3A_105 : i32 to index
        %get3A_782 = arith.constant 768 : index
        %get3A_783 = tpu.vector_load %arg8[%get3A_781, %get3A_782] {strides = array<i32>} : memref<8x1024xf32, #tpu.memory_space<vmem>>, vector<1x16xf32>,
        %get3A_784 = vector.shape_cast %get3A_783 : vector<1x16xf32> to vector<16xf32>
        %add3A_785 = arith.addf %get3A_780, %get3A_784 : vector<16xf32>
        %swap3A_786 = arith.index_cast %scan3A_105 : i32 to index
        %swap3A_787 = arith.constant 768 : index
        %swap3A_788 = tpu.vector_load %arg6[%swap3A_786, %swap3A_787] {strides = array<i32>} : memref<8x1024xf32, #tpu.memory_space<vmem>>, vector<1x16xf32>,
        %swap3A_789 = vector.shape_cast %swap3A_788 : vector<1x16xf32> to vector<16xf32>
        %swap3A_790 = vector.shape_cast %add3A_785 : vector<16xf32> to vector<1x16xf32>
        tpu.vector_store %arg6[%swap3A_786, %swap3A_787], %swap3A_790 {strides = array<i32>} : memref<8x1024xf32, #tpu.memory_space<vmem>>, vector<1x16xf32>,
        %get3A_791 = arith.index_cast %scan3A_105 : i32 to index
        %get3A_792 = arith.constant 784 : index
        %get3A_793 = tpu.vector_load %arg6[%get3A_791, %get3A_792] {strides = array<i32>} : memref<8x1024xf32, #tpu.memory_space<vmem>>, vector<1x16xf32>,
        %get3A_794 = vector.shape_cast %get3A_793 : vector<1x16xf32> to vector<16xf32>
        %get3A_795 = arith.index_cast %scan3A_105 : i32 to index
        %get3A_796 = arith.constant 784 : index
        %get3A_797 = tpu.vector_load %arg8[%get3A_795, %get3A_796] {strides = array<i32>} : memref<8x1024xf32, #tpu.memory_space<vmem>>, vector<1x16xf32>,
        %get3A_798 = vector.shape_cast %get3A_797 : vector<1x16xf32> to vector<16xf32>
        %add3A_799 = arith.addf %get3A_794, %get3A_798 : vector<16xf32>
        %swap3A_800 = arith.index_cast %scan3A_105 : i32 to index
        %swap3A_801 = arith.constant 784 : index
        %swap3A_802 = tpu.vector_load %arg6[%swap3A_800, %swap3A_801] {strides = array<i32>} : memref<8x1024xf32, #tpu.memory_space<vmem>>, vector<1x16xf32>,
        %swap3A_803 = vector.shape_cast %swap3A_802 : vector<1x16xf32> to vector<16xf32>
        %swap3A_804 = vector.shape_cast %add3A_799 : vector<16xf32> to vector<1x16xf32>
        tpu.vector_store %arg6[%swap3A_800, %swap3A_801], %swap3A_804 {strides = array<i32>} : memref<8x1024xf32, #tpu.memory_space<vmem>>, vector<1x16xf32>,
        %get3A_805 = arith.index_cast %scan3A_105 : i32 to index
        %get3A_806 = arith.constant 800 : index
        %get3A_807 = tpu.vector_load %arg6[%get3A_805, %get3A_806] {strides = array<i32>} : memref<8x1024xf32, #tpu.memory_space<vmem>>, vector<1x16xf32>,
        %get3A_808 = vector.shape_cast %get3A_807 : vector<1x16xf32> to vector<16xf32>
        %get3A_809 = arith.index_cast %scan3A_105 : i32 to index
        %get3A_810 = arith.constant 800 : index
        %get3A_811 = tpu.vector_load %arg8[%get3A_809, %get3A_810] {strides = array<i32>} : memref<8x1024xf32, #tpu.memory_space<vmem>>, vector<1x16xf32>,
        %get3A_812 = vector.shape_cast %get3A_811 : vector<1x16xf32> to vector<16xf32>
        %add3A_813 = arith.addf %get3A_808, %get3A_812 : vector<16xf32>
        %swap3A_814 = arith.index_cast %scan3A_105 : i32 to index
        %swap3A_815 = arith.constant 800 : index
        %swap3A_816 = tpu.vector_load %arg6[%swap3A_814, %swap3A_815] {strides = array<i32>} : memref<8x1024xf32, #tpu.memory_space<vmem>>, vector<1x16xf32>,
        %swap3A_817 = vector.shape_cast %swap3A_816 : vector<1x16xf32> to vector<16xf32>
        %swap3A_818 = vector.shape_cast %add3A_813 : vector<16xf32> to vector<1x16xf32>
        tpu.vector_store %arg6[%swap3A_814, %swap3A_815], %swap3A_818 {strides = array<i32>} : memref<8x1024xf32, #tpu.memory_space<vmem>>, vector<1x16xf32>,
        %get3A_819 = arith.index_cast %scan3A_105 : i32 to index
        %get3A_820 = arith.constant 816 : index
        %get3A_821 = tpu.vector_load %arg6[%get3A_819, %get3A_820] {strides = array<i32>} : memref<8x1024xf32, #tpu.memory_space<vmem>>, vector<1x16xf32>,
        %get3A_822 = vector.shape_cast %get3A_821 : vector<1x16xf32> to vector<16xf32>
        %get3A_823 = arith.index_cast %scan3A_105 : i32 to index
        %get3A_824 = arith.constant 816 : index
        %get3A_825 = tpu.vector_load %arg8[%get3A_823, %get3A_824] {strides = array<i32>} : memref<8x1024xf32, #tpu.memory_space<vmem>>, vector<1x16xf32>,
        %get3A_826 = vector.shape_cast %get3A_825 : vector<1x16xf32> to vector<16xf32>
        %add3A_827 = arith.addf %get3A_822, %get3A_826 : vector<16xf32>
        %swap3A_828 = arith.index_cast %scan3A_105 : i32 to index
        %swap3A_829 = arith.constant 816 : index
        %swap3A_830 = tpu.vector_load %arg6[%swap3A_828, %swap3A_829] {strides = array<i32>} : memref<8x1024xf32, #tpu.memory_space<vmem>>, vector<1x16xf32>,
        %swap3A_831 = vector.shape_cast %swap3A_830 : vector<1x16xf32> to vector<16xf32>
        %swap3A_832 = vector.shape_cast %add3A_827 : vector<16xf32> to vector<1x16xf32>
        tpu.vector_store %arg6[%swap3A_828, %swap3A_829], %swap3A_832 {strides = array<i32>} : memref<8x1024xf32, #tpu.memory_space<vmem>>, vector<1x16xf32>,
        %get3A_833 = arith.index_cast %scan3A_105 : i32 to index
        %get3A_834 = arith.constant 832 : index
        %get3A_835 = tpu.vector_load %arg6[%get3A_833, %get3A_834] {strides = array<i32>} : memref<8x1024xf32, #tpu.memory_space<vmem>>, vector<1x16xf32>,
        %get3A_836 = vector.shape_cast %get3A_835 : vector<1x16xf32> to vector<16xf32>
        %get3A_837 = arith.index_cast %scan3A_105 : i32 to index
        %get3A_838 = arith.constant 832 : index
        %get3A_839 = tpu.vector_load %arg8[%get3A_837, %get3A_838] {strides = array<i32>} : memref<8x1024xf32, #tpu.memory_space<vmem>>, vector<1x16xf32>,
        %get3A_840 = vector.shape_cast %get3A_839 : vector<1x16xf32> to vector<16xf32>
        %add3A_841 = arith.addf %get3A_836, %get3A_840 : vector<16xf32>
        %swap3A_842 = arith.index_cast %scan3A_105 : i32 to index
        %swap3A_843 = arith.constant 832 : index
        %swap3A_844 = tpu.vector_load %arg6[%swap3A_842, %swap3A_843] {strides = array<i32>} : memref<8x1024xf32, #tpu.memory_space<vmem>>, vector<1x16xf32>,
        %swap3A_845 = vector.shape_cast %swap3A_844 : vector<1x16xf32> to vector<16xf32>
        %swap3A_846 = vector.shape_cast %add3A_841 : vector<16xf32> to vector<1x16xf32>
        tpu.vector_store %arg6[%swap3A_842, %swap3A_843], %swap3A_846 {strides = array<i32>} : memref<8x1024xf32, #tpu.memory_space<vmem>>, vector<1x16xf32>,
        %get3A_847 = arith.index_cast %scan3A_105 : i32 to index
        %get3A_848 = arith.constant 848 : index
        %get3A_849 = tpu.vector_load %arg6[%get3A_847, %get3A_848] {strides = array<i32>} : memref<8x1024xf32, #tpu.memory_space<vmem>>, vector<1x16xf32>,
        %get3A_850 = vector.shape_cast %get3A_849 : vector<1x16xf32> to vector<16xf32>
        %get3A_851 = arith.index_cast %scan3A_105 : i32 to index
        %get3A_852 = arith.constant 848 : index
        %get3A_853 = tpu.vector_load %arg8[%get3A_851, %get3A_852] {strides = array<i32>} : memref<8x1024xf32, #tpu.memory_space<vmem>>, vector<1x16xf32>,
        %get3A_854 = vector.shape_cast %get3A_853 : vector<1x16xf32> to vector<16xf32>
        %add3A_855 = arith.addf %get3A_850, %get3A_854 : vector<16xf32>
        %swap3A_856 = arith.index_cast %scan3A_105 : i32 to index
        %swap3A_857 = arith.constant 848 : index
        %swap3A_858 = tpu.vector_load %arg6[%swap3A_856, %swap3A_857] {strides = array<i32>} : memref<8x1024xf32, #tpu.memory_space<vmem>>, vector<1x16xf32>,
        %swap3A_859 = vector.shape_cast %swap3A_858 : vector<1x16xf32> to vector<16xf32>
        %swap3A_860 = vector.shape_cast %add3A_855 : vector<16xf32> to vector<1x16xf32>
        tpu.vector_store %arg6[%swap3A_856, %swap3A_857], %swap3A_860 {strides = array<i32>} : memref<8x1024xf32, #tpu.memory_space<vmem>>, vector<1x16xf32>,
        %get3A_861 = arith.index_cast %scan3A_105 : i32 to index
        %get3A_862 = arith.constant 864 : index
        %get3A_863 = tpu.vector_load %arg6[%get3A_861, %get3A_862] {strides = array<i32>} : memref<8x1024xf32, #tpu.memory_space<vmem>>, vector<1x16xf32>,
        %get3A_864 = vector.shape_cast %get3A_863 : vector<1x16xf32> to vector<16xf32>
        %get3A_865 = arith.index_cast %scan3A_105 : i32 to index
        %get3A_866 = arith.constant 864 : index
        %get3A_867 = tpu.vector_load %arg8[%get3A_865, %get3A_866] {strides = array<i32>} : memref<8x1024xf32, #tpu.memory_space<vmem>>, vector<1x16xf32>,
        %get3A_868 = vector.shape_cast %get3A_867 : vector<1x16xf32> to vector<16xf32>
        %add3A_869 = arith.addf %get3A_864, %get3A_868 : vector<16xf32>
        %swap3A_870 = arith.index_cast %scan3A_105 : i32 to index
        %swap3A_871 = arith.constant 864 : index
        %swap3A_872 = tpu.vector_load %arg6[%swap3A_870, %swap3A_871] {strides = array<i32>} : memref<8x1024xf32, #tpu.memory_space<vmem>>, vector<1x16xf32>,
        %swap3A_873 = vector.shape_cast %swap3A_872 : vector<1x16xf32> to vector<16xf32>
        %swap3A_874 = vector.shape_cast %add3A_869 : vector<16xf32> to vector<1x16xf32>
        tpu.vector_store %arg6[%swap3A_870, %swap3A_871], %swap3A_874 {strides = array<i32>} : memref<8x1024xf32, #tpu.memory_space<vmem>>, vector<1x16xf32>,
        %get3A_875 = arith.index_cast %scan3A_105 : i32 to index
        %get3A_876 = arith.constant 880 : index
        %get3A_877 = tpu.vector_load %arg6[%get3A_875, %get3A_876] {strides = array<i32>} : memref<8x1024xf32, #tpu.memory_space<vmem>>, vector<1x16xf32>,
        %get3A_878 = vector.shape_cast %get3A_877 : vector<1x16xf32> to vector<16xf32>
        %get3A_879 = arith.index_cast %scan3A_105 : i32 to index
        %get3A_880 = arith.constant 880 : index
        %get3A_881 = tpu.vector_load %arg8[%get3A_879, %get3A_880] {strides = array<i32>} : memref<8x1024xf32, #tpu.memory_space<vmem>>, vector<1x16xf32>,
        %get3A_882 = vector.shape_cast %get3A_881 : vector<1x16xf32> to vector<16xf32>
        %add3A_883 = arith.addf %get3A_878, %get3A_882 : vector<16xf32>
        %swap3A_884 = arith.index_cast %scan3A_105 : i32 to index
        %swap3A_885 = arith.constant 880 : index
        %swap3A_886 = tpu.vector_load %arg6[%swap3A_884, %swap3A_885] {strides = array<i32>} : memref<8x1024xf32, #tpu.memory_space<vmem>>, vector<1x16xf32>,
        %swap3A_887 = vector.shape_cast %swap3A_886 : vector<1x16xf32> to vector<16xf32>
        %swap3A_888 = vector.shape_cast %add3A_883 : vector<16xf32> to vector<1x16xf32>
        tpu.vector_store %arg6[%swap3A_884, %swap3A_885], %swap3A_888 {strides = array<i32>} : memref<8x1024xf32, #tpu.memory_space<vmem>>, vector<1x16xf32>,
        %get3A_889 = arith.index_cast %scan3A_105 : i32 to index
        %get3A_890 = arith.constant 896 : index
        %get3A_891 = tpu.vector_load %arg6[%get3A_889, %get3A_890] {strides = array<i32>} : memref<8x1024xf32, #tpu.memory_space<vmem>>, vector<1x16xf32>,
        %get3A_892 = vector.shape_cast %get3A_891 : vector<1x16xf32> to vector<16xf32>
        %get3A_893 = arith.index_cast %scan3A_105 : i32 to index
        %get3A_894 = arith.constant 896 : index
        %get3A_895 = tpu.vector_load %arg8[%get3A_893, %get3A_894] {strides = array<i32>} : memref<8x1024xf32, #tpu.memory_space<vmem>>, vector<1x16xf32>,
        %get3A_896 = vector.shape_cast %get3A_895 : vector<1x16xf32> to vector<16xf32>
        %add3A_897 = arith.addf %get3A_892, %get3A_896 : vector<16xf32>
        %swap3A_898 = arith.index_cast %scan3A_105 : i32 to index
        %swap3A_899 = arith.constant 896 : index
        %swap3A_900 = tpu.vector_load %arg6[%swap3A_898, %swap3A_899] {strides = array<i32>} : memref<8x1024xf32, #tpu.memory_space<vmem>>, vector<1x16xf32>,
        %swap3A_901 = vector.shape_cast %swap3A_900 : vector<1x16xf32> to vector<16xf32>
        %swap3A_902 = vector.shape_cast %add3A_897 : vector<16xf32> to vector<1x16xf32>
        tpu.vector_store %arg6[%swap3A_898, %swap3A_899], %swap3A_902 {strides = array<i32>} : memref<8x1024xf32, #tpu.memory_space<vmem>>, vector<1x16xf32>,
        %get3A_903 = arith.index_cast %scan3A_105 : i32 to index
        %get3A_904 = arith.constant 912 : index
        %get3A_905 = tpu.vector_load %arg6[%get3A_903, %get3A_904] {strides = array<i32>} : memref<8x1024xf32, #tpu.memory_space<vmem>>, vector<1x16xf32>,
        %get3A_906 = vector.shape_cast %get3A_905 : vector<1x16xf32> to vector<16xf32>
        %get3A_907 = arith.index_cast %scan3A_105 : i32 to index
        %get3A_908 = arith.constant 912 : index
        %get3A_909 = tpu.vector_load %arg8[%get3A_907, %get3A_908] {strides = array<i32>} : memref<8x1024xf32, #tpu.memory_space<vmem>>, vector<1x16xf32>,
        %get3A_910 = vector.shape_cast %get3A_909 : vector<1x16xf32> to vector<16xf32>
        %add3A_911 = arith.addf %get3A_906, %get3A_910 : vector<16xf32>
        %swap3A_912 = arith.index_cast %scan3A_105 : i32 to index
        %swap3A_913 = arith.constant 912 : index
        %swap3A_914 = tpu.vector_load %arg6[%swap3A_912, %swap3A_913] {strides = array<i32>} : memref<8x1024xf32, #tpu.memory_space<vmem>>, vector<1x16xf32>,
        %swap3A_915 = vector.shape_cast %swap3A_914 : vector<1x16xf32> to vector<16xf32>
        %swap3A_916 = vector.shape_cast %add3A_911 : vector<16xf32> to vector<1x16xf32>
        tpu.vector_store %arg6[%swap3A_912, %swap3A_913], %swap3A_916 {strides = array<i32>} : memref<8x1024xf32, #tpu.memory_space<vmem>>, vector<1x16xf32>,
        %get3A_917 = arith.index_cast %scan3A_105 : i32 to index
        %get3A_918 = arith.constant 928 : index
        %get3A_919 = tpu.vector_load %arg6[%get3A_917, %get3A_918] {strides = array<i32>} : memref<8x1024xf32, #tpu.memory_space<vmem>>, vector<1x16xf32>,
        %get3A_920 = vector.shape_cast %get3A_919 : vector<1x16xf32> to vector<16xf32>
        %get3A_921 = arith.index_cast %scan3A_105 : i32 to index
        %get3A_922 = arith.constant 928 : index
        %get3A_923 = tpu.vector_load %arg8[%get3A_921, %get3A_922] {strides = array<i32>} : memref<8x1024xf32, #tpu.memory_space<vmem>>, vector<1x16xf32>,
        %get3A_924 = vector.shape_cast %get3A_923 : vector<1x16xf32> to vector<16xf32>
        %add3A_925 = arith.addf %get3A_920, %get3A_924 : vector<16xf32>
        %swap3A_926 = arith.index_cast %scan3A_105 : i32 to index
        %swap3A_927 = arith.constant 928 : index
        %swap3A_928 = tpu.vector_load %arg6[%swap3A_926, %swap3A_927] {strides = array<i32>} : memref<8x1024xf32, #tpu.memory_space<vmem>>, vector<1x16xf32>,
        %swap3A_929 = vector.shape_cast %swap3A_928 : vector<1x16xf32> to vector<16xf32>
        %swap3A_930 = vector.shape_cast %add3A_925 : vector<16xf32> to vector<1x16xf32>
        tpu.vector_store %arg6[%swap3A_926, %swap3A_927], %swap3A_930 {strides = array<i32>} : memref<8x1024xf32, #tpu.memory_space<vmem>>, vector<1x16xf32>,
        %get3A_931 = arith.index_cast %scan3A_105 : i32 to index
        %get3A_932 = arith.constant 944 : index
        %get3A_933 = tpu.vector_load %arg6[%get3A_931, %get3A_932] {strides = array<i32>} : memref<8x1024xf32, #tpu.memory_space<vmem>>, vector<1x16xf32>,
        %get3A_934 = vector.shape_cast %get3A_933 : vector<1x16xf32> to vector<16xf32>
        %get3A_935 = arith.index_cast %scan3A_105 : i32 to index
        %get3A_936 = arith.constant 944 : index
        %get3A_937 = tpu.vector_load %arg8[%get3A_935, %get3A_936] {strides = array<i32>} : memref<8x1024xf32, #tpu.memory_space<vmem>>, vector<1x16xf32>,
        %get3A_938 = vector.shape_cast %get3A_937 : vector<1x16xf32> to vector<16xf32>
        %add3A_939 = arith.addf %get3A_934, %get3A_938 : vector<16xf32>
        %swap3A_940 = arith.index_cast %scan3A_105 : i32 to index
        %swap3A_941 = arith.constant 944 : index
        %swap3A_942 = tpu.vector_load %arg6[%swap3A_940, %swap3A_941] {strides = array<i32>} : memref<8x1024xf32, #tpu.memory_space<vmem>>, vector<1x16xf32>,
        %swap3A_943 = vector.shape_cast %swap3A_942 : vector<1x16xf32> to vector<16xf32>
        %swap3A_944 = vector.shape_cast %add3A_939 : vector<16xf32> to vector<1x16xf32>
        tpu.vector_store %arg6[%swap3A_940, %swap3A_941], %swap3A_944 {strides = array<i32>} : memref<8x1024xf32, #tpu.memory_space<vmem>>, vector<1x16xf32>,
        %get3A_945 = arith.index_cast %scan3A_105 : i32 to index
        %get3A_946 = arith.constant 960 : index
        %get3A_947 = tpu.vector_load %arg6[%get3A_945, %get3A_946] {strides = array<i32>} : memref<8x1024xf32, #tpu.memory_space<vmem>>, vector<1x16xf32>,
        %get3A_948 = vector.shape_cast %get3A_947 : vector<1x16xf32> to vector<16xf32>
        %get3A_949 = arith.index_cast %scan3A_105 : i32 to index
        %get3A_950 = arith.constant 960 : index
        %get3A_951 = tpu.vector_load %arg8[%get3A_949, %get3A_950] {strides = array<i32>} : memref<8x1024xf32, #tpu.memory_space<vmem>>, vector<1x16xf32>,
        %get3A_952 = vector.shape_cast %get3A_951 : vector<1x16xf32> to vector<16xf32>
        %add3A_953 = arith.addf %get3A_948, %get3A_952 : vector<16xf32>
        %swap3A_954 = arith.index_cast %scan3A_105 : i32 to index
        %swap3A_955 = arith.constant 960 : index
        %swap3A_956 = tpu.vector_load %arg6[%swap3A_954, %swap3A_955] {strides = array<i32>} : memref<8x1024xf32, #tpu.memory_space<vmem>>, vector<1x16xf32>,
        %swap3A_957 = vector.shape_cast %swap3A_956 : vector<1x16xf32> to vector<16xf32>
        %swap3A_958 = vector.shape_cast %add3A_953 : vector<16xf32> to vector<1x16xf32>
        tpu.vector_store %arg6[%swap3A_954, %swap3A_955], %swap3A_958 {strides = array<i32>} : memref<8x1024xf32, #tpu.memory_space<vmem>>, vector<1x16xf32>,
        %get3A_959 = arith.index_cast %scan3A_105 : i32 to index
        %get3A_960 = arith.constant 976 : index
        %get3A_961 = tpu.vector_load %arg6[%get3A_959, %get3A_960] {strides = array<i32>} : memref<8x1024xf32, #tpu.memory_space<vmem>>, vector<1x16xf32>,
        %get3A_962 = vector.shape_cast %get3A_961 : vector<1x16xf32> to vector<16xf32>
        %get3A_963 = arith.index_cast %scan3A_105 : i32 to index
        %get3A_964 = arith.constant 976 : index
        %get3A_965 = tpu.vector_load %arg8[%get3A_963, %get3A_964] {strides = array<i32>} : memref<8x1024xf32, #tpu.memory_space<vmem>>, vector<1x16xf32>,
        %get3A_966 = vector.shape_cast %get3A_965 : vector<1x16xf32> to vector<16xf32>
        %add3A_967 = arith.addf %get3A_962, %get3A_966 : vector<16xf32>
        %swap3A_968 = arith.index_cast %scan3A_105 : i32 to index
        %swap3A_969 = arith.constant 976 : index
        %swap3A_970 = tpu.vector_load %arg6[%swap3A_968, %swap3A_969] {strides = array<i32>} : memref<8x1024xf32, #tpu.memory_space<vmem>>, vector<1x16xf32>,
        %swap3A_971 = vector.shape_cast %swap3A_970 : vector<1x16xf32> to vector<16xf32>
        %swap3A_972 = vector.shape_cast %add3A_967 : vector<16xf32> to vector<1x16xf32>
        tpu.vector_store %arg6[%swap3A_968, %swap3A_969], %swap3A_972 {strides = array<i32>} : memref<8x1024xf32, #tpu.memory_space<vmem>>, vector<1x16xf32>,
        %get3A_973 = arith.index_cast %scan3A_105 : i32 to index
        %get3A_974 = arith.constant 992 : index
        %get3A_975 = tpu.vector_load %arg6[%get3A_973, %get3A_974] {strides = array<i32>} : memref<8x1024xf32, #tpu.memory_space<vmem>>, vector<1x16xf32>,
        %get3A_976 = vector.shape_cast %get3A_975 : vector<1x16xf32> to vector<16xf32>
        %get3A_977 = arith.index_cast %scan3A_105 : i32 to index
        %get3A_978 = arith.constant 992 : index
        %get3A_979 = tpu.vector_load %arg8[%get3A_977, %get3A_978] {strides = array<i32>} : memref<8x1024xf32, #tpu.memory_space<vmem>>, vector<1x16xf32>,
        %get3A_980 = vector.shape_cast %get3A_979 : vector<1x16xf32> to vector<16xf32>
        %add3A_981 = arith.addf %get3A_976, %get3A_980 : vector<16xf32>
        %swap3A_982 = arith.index_cast %scan3A_105 : i32 to index
        %swap3A_983 = arith.constant 992 : index
        %swap3A_984 = tpu.vector_load %arg6[%swap3A_982, %swap3A_983] {strides = array<i32>} : memref<8x1024xf32, #tpu.memory_space<vmem>>, vector<1x16xf32>,
        %swap3A_985 = vector.shape_cast %swap3A_984 : vector<1x16xf32> to vector<16xf32>
        %swap3A_986 = vector.shape_cast %add3A_981 : vector<16xf32> to vector<1x16xf32>
        tpu.vector_store %arg6[%swap3A_982, %swap3A_983], %swap3A_986 {strides = array<i32>} : memref<8x1024xf32, #tpu.memory_space<vmem>>, vector<1x16xf32>,
        %get3A_987 = arith.index_cast %scan3A_105 : i32 to index
        %get3A_988 = arith.constant 1008 : index
        %get3A_989 = tpu.vector_load %arg6[%get3A_987, %get3A_988] {strides = array<i32>} : memref<8x1024xf32, #tpu.memory_space<vmem>>, vector<1x16xf32>,
        %get3A_990 = vector.shape_cast %get3A_989 : vector<1x16xf32> to vector<16xf32>
        %get3A_991 = arith.index_cast %scan3A_105 : i32 to index
        %get3A_992 = arith.constant 1008 : index
        %get3A_993 = tpu.vector_load %arg8[%get3A_991, %get3A_992] {strides = array<i32>} : memref<8x1024xf32, #tpu.memory_space<vmem>>, vector<1x16xf32>,
        %get3A_994 = vector.shape_cast %get3A_993 : vector<1x16xf32> to vector<16xf32>
        %add3A_995 = arith.addf %get3A_990, %get3A_994 : vector<16xf32>
        %swap3A_996 = arith.index_cast %scan3A_105 : i32 to index
        %swap3A_997 = arith.constant 1008 : index
        %swap3A_998 = tpu.vector_load %arg6[%swap3A_996, %swap3A_997] {strides = array<i32>} : memref<8x1024xf32, #tpu.memory_space<vmem>>, vector<1x16xf32>,
        %swap3A_999 = vector.shape_cast %swap3A_998 : vector<1x16xf32> to vector<16xf32>
        %swap3A_1000 = vector.shape_cast %add3A_995 : vector<16xf32> to vector<1x16xf32>
        tpu.vector_store %arg6[%swap3A_996, %swap3A_997], %swap3A_1000 {strides = array<i32>} : memref<8x1024xf32, #tpu.memory_space<vmem>>, vector<1x16xf32>,
        %scan3A_1001 = arith.constant 0 : i32
        scf.yield %scan3A_1001 : i32
      }
      %scan3A_96 = arith.constant 8 : i32
      %mul3A_97 = arith.constant 8 : i32
      %mul3A_98 = arith.muli %add3A_70, %mul3A_97 : i32
      %add3A_99 = arith.addi %mul3A_2, %mul3A_98 : i32
      %dma_start3A_100 = arith.constant 0 : i32
      %dma_start3A_101 = tpu.memref_slice %arg4[%add3A_99, %dma_start3A_100] : memref<4096x1024xf32, #tpu.memory_space<hbm>> -> memref<8x1024xf32, #tpu.memory_space<hbm>>
      %dma_start3A_102 = arith.constant 0 : i32
      %dma_start3A_103 = tpu.memref_slice %arg4[%add3A_99, %dma_start3A_102] : memref<4096x1024xf32, #tpu.memory_space<hbm>> -> memref<8x1024xf32, #tpu.memory_space<hbm>>
      tpu.enqueue_dma source(%arg6 : memref<8x1024xf32, #tpu.memory_space<vmem>>) target(%dma_start3A_103 : memref<8x1024xf32, #tpu.memory_space<hbm>>) target_semaphore(%arg14 : memref<!tpu.dma_semaphore, #tpu.memory_space<semaphore_mem>>)
      %scan3A_104 = arith.constant 0 : i32
      scf.yield %scan3A_104 : i32
    }
    %scan3A_19 = arith.constant 8 : i32
    %dma_wait3A = arith.constant 0 : i32
    %dma_wait3A_20 = arith.constant 0 : i32
    %dma_wait3A_21 = tpu.memref_slice %arg4[%dma_wait3A, %dma_wait3A_20] : memref<4096x1024xf32, #tpu.memory_space<hbm>> -> memref<8x1024xf32, #tpu.memory_space<hbm>>
    %dma_wait3A_22 = arith.constant 0 : i32
    %dma_wait3A_23 = arith.constant 0 : i32
    %dma_wait3A_24 = tpu.memref_slice %arg4[%dma_wait3A_22, %dma_wait3A_23] : memref<4096x1024xf32, #tpu.memory_space<hbm>> -> memref<8x1024xf32, #tpu.memory_space<hbm>>
    tpu.wait_dma2 semaphore(%arg13 : memref<!tpu.dma_semaphore, #tpu.memory_space<semaphore_mem>>) src(%arg5 : memref<8x1024xf32, #tpu.memory_space<vmem>>) dst(%dma_wait3A_24 : memref<8x1024xf32, #tpu.memory_space<hbm>>)
    %dma_wait3A_25 = arith.constant 0 : i32
    %dma_wait3A_26 = arith.constant 0 : i32
    %dma_wait3A_27 = tpu.memref_slice %arg4[%dma_wait3A_25, %dma_wait3A_26] : memref<4096x1024xf32, #tpu.memory_space<hbm>> -> memref<8x1024xf32, #tpu.memory_space<hbm>>
    %dma_wait3A_28 = arith.constant 0 : i32
    %dma_wait3A_29 = arith.constant 0 : i32
    %dma_wait3A_30 = tpu.memref_slice %arg4[%dma_wait3A_28, %dma_wait3A_29] : memref<4096x1024xf32, #tpu.memory_space<hbm>> -> memref<8x1024xf32, #tpu.memory_space<hbm>>
    tpu.wait_dma2 semaphore(%arg14 : memref<!tpu.dma_semaphore, #tpu.memory_space<semaphore_mem>>) src(%arg6 : memref<8x1024xf32, #tpu.memory_space<vmem>>) dst(%dma_wait3A_30 : memref<8x1024xf32, #tpu.memory_space<hbm>>)
    return
  }
}

module attributes {stable_mosaic.version = 14 : i64} {
  func.func @_tc_add_kernel(%arg0: i32, %arg1: i32, %arg2: memref<1x512x1024xf32, #tpu.memory_space<vmem>>, %arg3: memref<512x1024xf32, #tpu.memory_space<vmem>>, %arg4: memref<1x512x1024xf32, #tpu.memory_space<vmem>>) attributes {dimension_semantics = [#tpu.dimension_semantics<arbitrary>, #tpu.dimension_semantics<arbitrary>], iteration_bounds = array<i64: 8, 3>, scalar_prefetch = 0 : i64, scratch_operands = 0 : i64, tpu.core_type = #tpu.core_type<tc>, window_params = [{transform_indices = @transform_0, window_bounds = array<i64: 1, 512, 1024>}, {transform_indices = @transform_1, window_bounds = array<i64: 512, 1024>}, {transform_indices = @transform_2, window_bounds = array<i64: 1, 512, 1024>}]} {
    %get3A = arith.constant 0 : index
    %get3A_0 = arith.constant 0 : index
    %get3A_1 = arith.constant 0 : index
    %get3A_2 = vector.load %arg2[%get3A, %get3A_0, %get3A_1] : memref<1x512x1024xf32, #tpu.memory_space<vmem>>, vector<1x512x1024xf32>
    %get3A_3 = arith.constant 0 : index
    %get3A_4 = arith.constant 0 : index
    %get3A_5 = vector.load %arg3[%get3A_3, %get3A_4] : memref<512x1024xf32, #tpu.memory_space<vmem>>, vector<512x1024xf32>
    %broadcast_in_dim3A = vector.shape_cast %get3A_5 : vector<512x1024xf32> to vector<1x512x1024xf32>
    %add3A = arith.addf %get3A_2, %broadcast_in_dim3A : vector<1x512x1024xf32>
    %swap3A = arith.constant 0 : index
    %swap3A_6 = arith.constant 0 : index
    %swap3A_7 = arith.constant 0 : index
    %swap3A_8 = vector.load %arg4[%swap3A, %swap3A_6, %swap3A_7] : memref<1x512x1024xf32, #tpu.memory_space<vmem>>, vector<1x512x1024xf32>
    tpu.vector_store %arg4[%swap3A, %swap3A_6, %swap3A_7], %add3A {strides = array<i32>} : memref<1x512x1024xf32, #tpu.memory_space<vmem>>, vector<1x512x1024xf32>,
    return
  }
  func.func @transform_0(%arg0: i32, %arg1: i32) -> (i32, i32, i32) {
    %c0_i32 = arith.constant 0 : i32
    %c0_i32_0 = arith.constant 0 : i32
    return %arg1, %arg0, %c0_i32 : i32, i32, i32
  }
  func.func @transform_1(%arg0: i32, %arg1: i32) -> (i32, i32) {
    %c0_i32 = arith.constant 0 : i32
    %c0_i32_0 = arith.constant 0 : i32
    return %arg0, %c0_i32 : i32, i32
  }
  func.func @transform_2(%arg0: i32, %arg1: i32) -> (i32, i32, i32) {
    %c0_i32 = arith.constant 0 : i32
    %c0_i32_0 = arith.constant 0 : i32
    return %arg1, %arg0, %c0_i32 : i32, i32, i32
  }
}

</mosaic_0001>

<sc_bundles>
// kernel: kernel.4.cloned.1.call-start
scs
__scs_entry_jumppad:
0x0: {  	(pc) =	sbr.rel $0x88, $3  }
0x1: {  	(tag) =	ssettag $0x0;
	lr =	simm.s32 $0x1  }
0x2: {  	[smem:$0x3F9F] =	sst lr;
	_ =	strace $0xD0000000  }
0x3: {  	_ = 	snop  }
0x4: {  	_ = 	snop  }
0x5: {  	_ = 	snop  }
0x6: {  	_ = 	snop  }
0x7: {  	_ = 	snop  }
__scs_overlays_trampoline_lowered:
0x8: {  	[smem:$0x3FAE] =	sst s0  }
0x9: {  	[smem:$0x3FAF] =	sst s1  }
0xa: {  	[smem:$0x3FB0] =	sst s2  }
0xb: {  	[smem:$0x3FB1] =	sst s3  }
0xc: {  	[smem:$0x3FB2] =	sst s4  }
0xd: {  	[smem:$0x3FB3] =	sst s5  }
0xe: {  	[smem:$0x3FB4] =	sst s6  }
0xf: {  	[smem:$0x3FB5] =	sst s7  }
0x10: {  	[smem:$0x3FB6] =	sst s8  }
0x11: {  	[smem:$0x3FB7] =	sst s9;
	s0 =	simm.s32 @!p0 $0x0  }
0x12: {  	s1 =	sld [smem:$0x3F9D];
	s0 =	simm.s32 @p0 $0x1  }
0x13: {  	[smem:$0x3FB8] =	sst s0;
	s0 =	simm.s32 @!p1 $0x0  }
0x14: {  	s2 =	sld [smem:$0x3F9C];
	s0 =	simm.s32 @p1 $0x1  }
0x15: {  	[smem:$0x3FB9] =	sst s0;
	s0 =	simm.s32 @!p2 $0x0  }
0x16: {  	s3 =	sld [smem:$0x3FDB];
	s0 =	simm.s32 @p2 $0x1  }
0x17: {  	s4 =	simm.s32 $0x1BF5;
	[smem:$0x3FBB] =	sst s0  }
0x18: {  	s0 =	sld [smem:$0x3F9E];
	_ =	swait.ge [sflag:s4], $0x0  }
0x19: {  	s7 =	sld [smem:$0x3F9F]  }
0x1a: {  	s8 =	sadd.s32 $0xFFFFE003, lr  }
0x1b: {  	s9 =	sadd.s32 $0xFFFFFEF7, lr;
	s5 =	simm.s32 $0xFFFFFFFF;
	p2 =	slt.u32 s8, $0xFFFFF086  }
0x1c: {  	p1 =	slt.u32 s9, $0xF7A;
	s5 =	simm.s32 @!p2 $0x0  }
0x1d: {  	s5 =	simm.s32 @p1 $0x1;
	p0 =	seq.s32 s7, s2  }
0x1e: {  	s7 =	smul.u32 @!p0 $0xF7A, s2;
	p2 =	seq.s32 @!p0 s5, $0x0  }
0x1f: {  	s9 =	smul.u32 $0xF7A, s1;
	s8 =	simm.s32 @!p0 $0x1BF5;
	p2 =	por !p2, p0  }
0x20: {  	[sflag:s8] =	ssyncset.s32 @!p0 $0xFFFFF086;
	s6 =	sadd.s32 @!p0 s3, s7;
	s7 =	simm.s32 @!p0 $0x108  }
0x21: {  	s3 =	sadd.s32 s3, s9;
	s6 =	sadd.s32 @!p0 $0x88, s6;
	s7 =	simm.s32 @p2 $0x1082  }
0x22: {  	[simem:s7], [sflag:s8] =	dma.local @!p0 [hbm:s6], $0xF7A  }
0x23: {  	s9 =	sor.u32 $0xD0000000, s2;
	s6 =	simm.s32 $0x108;
	_ =	swait.ge @!p0 [sflag:s8], $0x0  }
0x24: {  	s3 =	sadd.s32 $0x88, s3;
	s6 =	simm.s32 @!p1 $0x1082;
	[sflag:s4] =	ssyncset.s32 $0xFFFFF086  }
0x25: {  	[simem:s6], [sflag:s4] =	dma.local [hbm:s3], $0xF7A  }
0x26: {  	[smem:$0x3F9F] =	sst s1;
	(tag) =	ssettag s2;
	_ =	strace s9  }
0x27: {  	s1 =	sld [smem:$0x3FAF]  }
0x28: {  	s2 =	sld [smem:$0x3FB0]  }
0x29: {  	s4 =	sld [smem:$0x3FB2]  }
0x2a: {  	p0 =	seq.s32 s5, $0x0;
	s5 =	sld [smem:$0x3FB3]  }
0x2b: {  	s6 =	sld [smem:$0x3FB4]  }
0x2c: {  	s7 =	sld [smem:$0x3FB5]  }
0x2d: {  	s3 =	simm.s32 $0x108;
	s8 =	sld [smem:$0x3FB6]  }
0x2e: {  	s3 =	simm.s32 @!p0 $0x1082;
	s9 =	sld [smem:$0x3FB7]  }
0x2f: {  	lr =	sadd.s32 s0, s3;
	s0 =	sld [smem:$0x3FAE]  }
0x30: {  	s3 =	sld [smem:$0x3FB1]  }
0x31: {  	[smem:$0x3FBA] =	sst s10  }
0x32: {  	s10 =	sld [smem:$0x3FB8];
	_ =	sdelay $0x3  }
0x33: {  	p0 =	seq.s32 s10, $0x1;
	s10 =	sld [smem:$0x3FBA];
	_ =	sdelay $0x3  }
0x34: {  	[smem:$0x3FBA] =	sst s10  }
0x35: {  	s10 =	sld [smem:$0x3FB9];
	_ =	sdelay $0x3  }
0x36: {  	p1 =	seq.s32 s10, $0x1;
	s10 =	sld [smem:$0x3FBA];
	_ =	sdelay $0x3  }
0x37: {  	[smem:$0x3FBA] =	sst s10  }
0x38: {  	s10 =	sld [smem:$0x3FBB]  }
0x39: {  	_ = 	snop;
	(pc) =	sbr.ind lr, $3  }
0x3a: {  	_ = 	snop  }
0x3b: {  	_ = 	snop  }
0x3c: {  	p2 =	seq.s32 s10, $0x1;
	s10 =	sld [smem:$0x3FBA]  }
0x3d: {  	_ =	shalt  }
0x3e: {  	_ =	shalt  }
0x3f: {  	_ =	shalt  }
0x40: {  	_ =	shalt  }
0x41: {  	_ =	shalt  }
0x42: {  	_ =	shalt  }
0x43: {  	_ =	shalt  }
0x44: {  	_ =	shalt  }
0x45: {  	_ =	shalt  }
0x46: {  	_ =	shalt  }
0x47: {  	_ =	shalt  }
0x48: {  	_ =	shalt  }
0x49: {  	_ =	shalt  }
0x4a: {  	_ =	shalt  }
0x4b: {  	_ =	shalt  }
0x4c: {  	_ =	shalt  }
0x4d: {  	_ =	shalt  }
0x4e: {  	_ =	shalt  }
0x4f: {  	_ =	shalt  }
0x50: {  	_ =	shalt  }
0x51: {  	_ =	shalt  }
0x52: {  	_ =	shalt  }
0x53: {  	_ =	shalt  }
0x54: {  	_ =	shalt  }
0x55: {  	_ =	shalt  }
0x56: {  	_ =	shalt  }
0x57: {  	_ =	shalt  }
0x58: {  	_ =	shalt  }
0x59: {  	_ =	shalt  }
0x5a: {  	_ =	shalt  }
0x5b: {  	_ =	shalt  }
0x5c: {  	_ =	shalt  }
0x5d: {  	_ =	shalt  }
0x5e: {  	_ =	shalt  }
0x5f: {  	_ =	shalt  }
0x60: {  	_ =	shalt  }
0x61: {  	_ =	shalt  }
0x62: {  	_ =	shalt  }
0x63: {  	_ =	shalt  }
0x64: {  	_ =	shalt  }
0x65: {  	_ =	shalt  }
0x66: {  	_ =	shalt  }
0x67: {  	_ =	shalt  }
0x68: {  	_ =	shalt  }
0x69: {  	_ =	shalt  }
0x6a: {  	_ =	shalt  }
0x6b: {  	_ =	shalt  }
0x6c: {  	_ =	shalt  }
0x6d: {  	_ =	shalt  }
0x6e: {  	_ =	shalt  }
0x6f: {  	_ =	shalt  }
0x70: {  	_ =	shalt  }
0x71: {  	_ =	shalt  }
0x72: {  	_ =	shalt  }
0x73: {  	_ =	shalt  }
0x74: {  	_ =	shalt  }
0x75: {  	_ =	shalt  }
0x76: {  	_ =	shalt  }
0x77: {  	_ =	shalt  }
0x78: {  	_ =	shalt  }
0x79: {  	_ =	shalt  }
0x7a: {  	_ =	shalt  }
0x7b: {  	_ =	shalt  }
0x7c: {  	_ =	shalt  }
0x7d: {  	_ =	shalt  }
0x7e: {  	_ =	shalt  }
0x7f: {  	_ =	shalt  }
0x80: {  	_ =	shalt  }
0x81: {  	_ =	shalt  }
0x82: {  	_ =	shalt  }
0x83: {  	_ =	shalt  }
0x84: {  	_ =	shalt  }
0x85: {  	_ =	shalt  }
0x86: {  	_ =	shalt  }
0x87: {  	_ =	shalt  }
.Lfunc_end0:
.L_simem_size_0:
called_computation_lowered:
.L_overlay_start_0:
0x88: {  	s2 =	sld [smem:$0x3FD9]  }
0x89: {  	s3 =	sld [smem:$0x3FFE];
	_ =	sdelay $0x1  }
0x8a: {  	s1 =	srdreg.scid  }
0x8b: {  	s0 =	sand.u32 $0x1, s1  }
0x8c: {  	s17 =	sshll.u32 s0, $0xA;
	s2 =	sadd.s32 s3, s2  }
0x8d: {  	s2 =	sadd.s32 s2, s17  }
0x8e: {  	[smem:$0x3FC6] =	sst s2  }
0x8f: {  	_ = 	snop  }
0x90: {  	s2 =	sld [smem:$0x3FC9]  }
0x91: {  	s18 =	sld [smem:$0x3FC8];
	(tm) =	ssettm $0x1  }
0x92: {  	s4 =	sld [smem:$0x3FFB];
	_ =	sdelay $0x3  }
0x93: {  	_ =	strace s4  }
0x94: {  	s4 =	sld [smem:$0x3FFC];
	_ =	sdelay $0x3  }
0x95: {  	_ =	strace s4  }
0x96: {  	s4 =	sld [smem:$0x3FFD];
	_ =	sdelay $0x3  }
0x97: {  	_ =	strace s4  }
0x98: {  	_ =	strace $0x8FFFFFFF  }
0x99: {  	s19 =	sld [smem:$0x3FDB];
	_ =	sdelay $0x1  }
0x9a: {  	s5 =	simm.s32 $_scs_section_size  }
0x9b: {  	s6 =	simm.s32 $_size__tile_overlayer_lowered;
	s7 =	simm.s32 $_tile_overlayer_lowered  }
0x9c: {  	s22 =	simm.s32 $0x1BFF;
	s21 =	sshll.u32 s7, $0x1;
	s4 =	sadd.s32 s5, s19  }
0x9d: {  	s8 =	simm.s32 $0x0;
	s20 =	sshll.u32 s6, $0x1;
	s6 =	sadd.s32 s21, s4  }
0x9e: {  	[timem:s8], [sflag:s22] =	dma.local [hbm:s6], s20  }
0x9f: {  	_ =	swait.ge [sflag:s22], s20  }
0xa0: {  	s5 =	ssub.s32 $0x0, s20;
	[sflag:s22] =	ssyncset.done $0x0  }
0xa1: {  	[sflag:s22] =	ssyncadd.s32 s5;
	_ =	sdelay $0x1  }
0xa2: {  	s23 =	simm.s32 $0x1B8B  }
0xa3: {  	_ =	swait.ge [sflag:s23], $0x1  }
0xa4: {  	[sflag:s23] =	ssyncset.done $0x0  }
0xa5: {  	s25 =	simm.s32 $0x1B8E;
	s24 =	sld [smem:$0x3FFE];
	[sflag:s23] =	ssyncadd.s32 $0xFFFFFFFF  }
0xa6: {  	s26 =	simm.s32 $execute0_lowered;
	[smem:$0x3FD2] =	sst s25  }
0xa7: {  	s6 =	sshll.u32 s26, $0x1;
	_ =	strace $0x80000046;
	[dreg:$0x1] =	wrdreg $0xFFFFFFFF  }
0xa8: {  	s28 =	simm.s32 $_size_execute0_lowered;
	s4 =	sadd.s32 s4, s6;
	[dreg:$0x0] =	wrdreg $0x0  }
0xa9: {  	s6 =	sshll.u32 s28, $0x1;
	[dreg:$0x2] =	wrdreg s4  }
0xaa: {  	[dreg:$0x3] =	wrdreg s6  }
0xab: {  	[dreg:$0x4] =	wrdreg $0xC0  }
0xac: {  	_ =	task [dreg:s8], $0x5FFFF  }
0xad: {  	[dreg:$0x1] =	wrdreg $0xFFFFFFFF  }
0xae: {  	[dreg:$0x0] =	wrdreg $0x60  }
0xaf: {  	[dreg:$0x2] =	wrdreg s2  }
0xb0: {  	[dreg:$0x3] =	wrdreg s18  }
0xb1: {  	[dreg:$0x4] =	wrdreg s24  }
0xb2: {  	[dreg:$0x5] =	wrdreg $0x9  }
0xb3: {  	_ =	task.clear_ibuf [dreg:s8], $0x6FFFF;
	_ =	strace $0x90000046  }
0xb4: {  	s29 =	simm.s32 $0x9;
	_ =	strace $0x80000048  }
0xb5: {  	_ =	swait.ge [sflag:s29], $0x1  }
0xb6: {  	[sflag:s29] =	ssyncadd.s32 $0xFFFFFFFF  }
0xb7: {  	_ =	strace $0x90000048  }
0xb8: {  	_ =	sfence  }
0xb9: {  	s30 =	sld [smem:$0x0];
	_ =	sdelay $0x2  }
0xba: {  	s31 =	sshll.u32 s1, $0xD;
	s1 =	sshrl.u32 s1, $0x2  }
0xbb: {  	s3 =	sand.u32 $0x4000, s31;
	s1 =	sadd.s32 s1, s30  }
0xbc: {  	s0 =	sor.u32 s3, s0;
	s1 =	sshll.u32 s1, $0x11  }
0xbd: {  	s0 =	sor.u32 s1, s0  }
0xbe: {  	s0 =	sadd.s32 $0x8F2B, s0  }
0xbf: {  	[sflag:s0] =	ssyncadd.remote.s32 $0x1  }
0xc0: {  	_ =	sfence.sel $0xFFFF  }
0xc1: {  	[dreg:$0x0] =	wrdreg $0xFFFFFFFF;
	(pc) =	sbr.abs _section_cstart, $3  }
0xc2: {  	[dreg:$0x1] =	wrdreg $0xFFFFFFFF  }
0xc3: {  	_ =	task.clear_ibuf [dreg:s8], $0x2FFFF;
	_ =	strace $0x9FFFFFFF  }
0xc4: {  	(tm) =	ssettm $0x7FFFFFFF  }
0xc5: {  	_ =	shalt  }
tec
execute0_lowered:
.L_overlay_start_1:
0x0: {  	(tag) =	ssettag $0x1  }
0x1: {  	s7 =	rddreg [dreg:$0x0]  }
0x2: {  	s1 =	rddreg [dreg:$0x1]  }
0x3: {  	s4 =	rddreg [dreg:$0x2]  }
0x4: {  	s0 =	rddreg [dreg:$0x3];
	s5 =	srdreg.scid  }
0x5: {  	s3 =	simm.s32 $0x0;
	s2 =	stileid.u32;
	s13 =	simm.s32 $0x4000  }
0x6: {  	s14 =	simm.s32 $0x6000;
	s15 =	simm.s32 $0x2000;
	s16 =	simm.s32 $0x3  }
0x7: {  	s17 =	simm.s32 $0x1;
	s18 =	simm.s32 $0x4;
	s19 =	simm.s32 $0x2  }
0x8: {  	s20 =	simm.s32 $0x5;
	s21 =	simm.s32 $0x6;
	s22 =	simm.s32 $0x0  }
0x9: {  	s5 =	sand.u32 $0x1, s5;
	[smem:$0x7FF] =	sst s3;
	s6 =	sshll.u32 s2, $0x8  }
0xa: {  	s4 =	sadd.s32 $0x600, s4;
	s8 =	sshll.u32 s5, $0x7;
	s9 =	ssub.s32 $0x2, s5  }
0xb: {  	s7 =	sadd.s32 $0x180000, s7;
	s10 =	sor.u32 s8, s6;
	s31 =	sshrl.u32 s9, $0x1  }
0xc: {  	_ =	strace $0x80000047;
	s5 =	sshll.u32 s10, $0x7;
	s11 =	ssub.s32 s9, s31  }
0xd: {  	s10 =	sshrl.u32 s10, $0x3;
	s6 =	sadd.s32 s1, s5;
	s8 =	sadd.s32 s5, s7  }
0xe: {  	s9 =	sadd.s32 s4, s5;
	s11 =	smax.u32 s11, $0x1;
	s12 =	sor.u32 $0x800, s5  }
.LBB2_1:
0xf: {  	[tilespmem:s13], [sflag:$0x3] =	stream.linear.gather [hbm4b:s6+s3], $0x2000, $0x38;
	[tilespmem:$0x8000] =	vst v63  }
0x10: {  	s23 =	simm.s32 $0x0  }
0x11: {  	[tilespmem:s3], [sflag:$0x1] =	stream.linear.gather [hbm4b:s8+s3], $0x2000, $0x38;
	[tilespmem:$0x8000] =	vst v63  }
.LBB2_2:
0x12: {  	p0 =	seq.s32 s23, $0x0  }
0x13: {  	s24 =	sshllo.u32 s23, $0x1;
	s25 =	simm.s32 @!p0 $0x6  }
0x14: {  	s26 =	sshll.u32 s24, $0xA;
	_ =	swait.ge @!p0 [sflag:s25], $0x2000  }
0x15: {  	s26 =	sadd.s32 s5, s26;
	[sflag:s25] =	ssyncset.done @!p0 $0x0  }
0x16: {  	s28 =	simm.s32 $0x0;
	s30 =	sadd.s32 s1, s26;
	[sflag:s25] =	ssyncadd.s32 @!p0 $0xFFFFE000  }
0x17: {  	[tilespmem:s14], [sflag:$0x4] =	stream.linear.gather [hbm4b:s30+s28], $0x2000, $0x38;
	[tilespmem:$0x8000] =	vst v63  }
0x18: {  	s31 =	sadd.s32 s26, s7  }
0x19: {  	[tilespmem:s15], [sflag:$0x2] =	stream.linear.gather [hbm4b:s31+s28], $0x2000, $0x38;
	[tilespmem:$0x8000] =	vst v63  }
0x1a: {  	_ =	swait.ge [sflag:s16], $0x2000  }
0x1b: {  	[sflag:s16] =	ssyncset.done $0x0  }
0x1c: {  	[sflag:s16] =	ssyncadd.s32 $0xFFFFE000  }
0x1d: {  	_ =	swait.ge [sflag:s17], $0x2000  }
0x1e: {  	[sflag:s17] =	ssyncset.done $0x0  }
0x1f: {  	s25 =	simm.s32 $0x0;
	[sflag:s17] =	ssyncadd.s32 $0xFFFFE000  }
0x20: {  	v34 =	vld [tilespmem:s25+$0x4000]  }
0x21: {  	v35 =	vld [tilespmem:s25+$0x4010]  }
0x22: {  	v36 =	vld [tilespmem:s25+$0x4020]  }
0x23: {  	v37 =	vld [tilespmem:s25+$0x4030]  }
0x24: {  	v38 =	vld [tilespmem:s25+$0x4040]  }
0x25: {  	v39 =	vld [tilespmem:s25+$0x4050]  }
0x26: {  	v40 =	vld [tilespmem:s25+$0x4060]  }
0x27: {  	v41 =	vld [tilespmem:s25+$0x4070]  }
0x28: {  	v42 =	vld [tilespmem:s25+$0x4400]  }
0x29: {  	v43 =	vld [tilespmem:s25+$0x4410]  }
0x2a: {  	v44 =	vld [tilespmem:s25+$0x4420]  }
0x2b: {  	v45 =	vld [tilespmem:s25+$0x4430]  }
0x2c: {  	v46 =	vld [tilespmem:s25+$0x4440]  }
0x2d: {  	v47 =	vld [tilespmem:s25+$0x4450]  }
0x2e: {  	v48 =	vld [tilespmem:s25+$0x4460]  }
0x2f: {  	v49 =	vld [tilespmem:s25+$0x4470]  }
0x30: {  	v50 =	vld [tilespmem:s25+$0x4800]  }
0x31: {  	v51 =	vld [tilespmem:s25+$0x4810]  }
0x32: {  	v52 =	vld [tilespmem:s25+$0x4820]  }
0x33: {  	v53 =	vld [tilespmem:s25+$0x4830]  }
0x34: {  	v54 =	vld [tilespmem:s25+$0x4840]  }
0x35: {  	v55 =	vld [tilespmem:s25+$0x4850]  }
0x36: {  	v56 =	vld [tilespmem:s25+$0x4860]  }
0x37: {  	v57 =	vld [tilespmem:s25+$0x4870]  }
0x38: {  	v58 =	vld [tilespmem:s25+$0x4C00]  }
0x39: {  	v59 =	vld [tilespmem:s25+$0x4C10]  }
0x3a: {  	v60 =	vld [tilespmem:s25+$0x4C20]  }
0x3b: {  	v61 =	vld [tilespmem:s25+$0x4C30]  }
0x3c: {  	v62 =	vld [tilespmem:s25+$0x4C40]  }
0x3d: {  	v63 =	vld [tilespmem:s25+$0x4C50]  }
0x3e: {  	v33 =	vld [tilespmem:s25+$0x4C60]  }
0x3f: {  	v32 =	vld [tilespmem:s25+$0x4C70]  }
0x40: {  	v31 =	vld [tilespmem:s25+$0x5000]  }
0x41: {  	v30 =	vld [tilespmem:s25+$0x5010]  }
0x42: {  	v29 =	vld [tilespmem:s25+$0x5020]  }
0x43: {  	v28 =	vld [tilespmem:s25+$0x5030]  }
0x44: {  	v27 =	vld [tilespmem:s25+$0x5040]  }
0x45: {  	v26 =	vld [tilespmem:s25+$0x5050]  }
0x46: {  	v25 =	vld [tilespmem:s25+$0x5060]  }
0x47: {  	v24 =	vld [tilespmem:s25+$0x5070]  }
0x48: {  	v23 =	vld [tilespmem:s25+$0x5400]  }
0x49: {  	v22 =	vld [tilespmem:s25+$0x5410]  }
0x4a: {  	v21 =	vld [tilespmem:s25+$0x5420]  }
0x4b: {  	v20 =	vld [tilespmem:s25+$0x5430]  }
0x4c: {  	v19 =	vld [tilespmem:s25+$0x5440]  }
0x4d: {  	v18 =	vld [tilespmem:s25+$0x5450]  }
0x4e: {  	v7 =	vld [tilespmem:s25+$0x10]  }
0x4f: {  	v16 =	vld [tilespmem:s25+$0x5460]  }
0x50: {  	v15 =	vld [tilespmem:s25+$0x5470]  }
0x51: {  	v14 =	vld [tilespmem:s25+$0x5800]  }
0x52: {  	v9 =	vld [tilespmem:s25+$0x30]  }
0x53: {  	v13 =	vld [tilespmem:s25+$0x5810];
	v7 =	vadd.f32 v35, v7  }
0x54: {  	v0 =	vld [tilespmem:s25+$0x5820]  }
0x55: {  	[tilespmem:s25+$0x10] =	vst v7;
	v7 =	vld [tilespmem:s25+$0x400]  }
0x56: {  	v8 =	vld [tilespmem:s25+$0x20]  }
0x57: {  	v10 =	vld [tilespmem:s25+$0x40];
	v9 =	vadd.f32 v37, v9  }
0x58: {  	v12 =	vld [tilespmem:s25+$0x5830]  }
0x59: {  	[tilespmem:s25+$0x30] =	vst v9;
	v9 =	vld [tilespmem:s25+$0x420]  }
0x5a: {  	v6 =	vld [tilespmem:s25+$0x0];
	v7 =	vadd.f32 v42, v7  }
0x5b: {  	v11 =	vld [tilespmem:s25+$0x60];
	v8 =	vadd.f32 v36, v8  }
0x5c: {  	v10 =	vadd.f32 v38, v10;
	[tilespmem:s25+$0x400] =	vst v7;
	v7 =	vld [tilespmem:s25+$0x470]  }
0x5d: {  	[tilespmem:s25+$0x20] =	vst v8;
	v8 =	vld [tilespmem:s25+$0x410]  }
0x5e: {  	[tilespmem:s25+$0x40] =	vst v10;
	v10 =	vld [tilespmem:s25+$0x430];
	v9 =	vadd.f32 v44, v9  }
0x5f: {  	v1 =	vld [tilespmem:s25+$0x5840];
	v6 =	vadd.f32 v34, v6  }
0x60: {  	v11 =	vadd.f32 v40, v11;
	[tilespmem:s25+$0x420] =	vst v9;
	v9 =	vld [tilespmem:s25+$0x810]  }
0x61: {  	[tilespmem:s25+$0x0] =	vst v6;
	v6 =	vld [tilespmem:s25+$0x70];
	v7 =	vadd.f32 v49, v7  }
0x62: {  	[tilespmem:s25+$0x60] =	vst v11;
	v11 =	vld [tilespmem:s25+$0x450];
	v8 =	vadd.f32 v43, v8  }
0x63: {  	v10 =	vadd.f32 v45, v10;
	[tilespmem:s25+$0x470] =	vst v7;
	v7 =	vld [tilespmem:s25+$0x860]  }
0x64: {  	[tilespmem:s25+$0x410] =	vst v8;
	v8 =	vld [tilespmem:s25+$0x800]  }
0x65: {  	[tilespmem:s25+$0x430] =	vst v10;
	v10 =	vld [tilespmem:s25+$0x820];
	v9 =	vadd.f32 v51, v9  }
0x66: {  	v5 =	vld [tilespmem:s25+$0x5C20];
	v6 =	vadd.f32 v41, v6  }
0x67: {  	v11 =	vadd.f32 v47, v11;
	[tilespmem:s25+$0x810] =	vst v9;
	v9 =	vld [tilespmem:s25+$0xC00]  }
0x68: {  	[tilespmem:s25+$0x70] =	vst v6;
	v6 =	vld [tilespmem:s25+$0x460];
	v7 =	vadd.f32 v56, v7  }
0x69: {  	[tilespmem:s25+$0x450] =	vst v11;
	v11 =	vld [tilespmem:s25+$0x840];
	v8 =	vadd.f32 v50, v8  }
0x6a: {  	v10 =	vadd.f32 v52, v10;
	[tilespmem:s25+$0x860] =	vst v7;
	v7 =	vld [tilespmem:s25+$0xC50]  }
0x6b: {  	[tilespmem:s25+$0x800] =	vst v8;
	v8 =	vld [tilespmem:s25+$0x870]  }
0x6c: {  	[tilespmem:s25+$0x820] =	vst v10;
	v10 =	vld [tilespmem:s25+$0xC10];
	v9 =	vadd.f32 v58, v9  }
0x6d: {  	v4 =	vld [tilespmem:s25+$0x5C30];
	v6 =	vadd.f32 v48, v6  }
0x6e: {  	v11 =	vadd.f32 v54, v11;
	[tilespmem:s25+$0xC00] =	vst v9;
	v9 =	vld [tilespmem:s25+$0xC70]  }
0x6f: {  	[tilespmem:s25+$0x460] =	vst v6;
	v6 =	vld [tilespmem:s25+$0x850];
	v7 =	vadd.f32 v63, v7  }
0x70: {  	[tilespmem:s25+$0x840] =	vst v11;
	v11 =	vld [tilespmem:s25+$0xC30];
	v8 =	vadd.f32 v57, v8  }
0x71: {  	v10 =	vadd.f32 v59, v10;
	[tilespmem:s25+$0xC50] =	vst v7;
	v7 =	vld [tilespmem:s25+$0x1040]  }
0x72: {  	[tilespmem:s25+$0x870] =	vst v8;
	v8 =	vld [tilespmem:s25+$0xC60]  }
0x73: {  	[tilespmem:s25+$0xC10] =	vst v10;
	v10 =	vld [tilespmem:s25+$0x1000];
	v9 =	vadd.f32 v32, v9  }
0x74: {  	v3 =	vld [tilespmem:s25+$0x5C40];
	v6 =	vadd.f32 v55, v6  }
0x75: {  	v11 =	vadd.f32 v61, v11;
	[tilespmem:s25+$0xC70] =	vst v9;
	v9 =	vld [tilespmem:s25+$0x1060]  }
0x76: {  	[tilespmem:s25+$0x850] =	vst v6;
	v6 =	vld [tilespmem:s25+$0xC40];
	v7 =	vadd.f32 v27, v7  }
0x77: {  	[tilespmem:s25+$0xC30] =	vst v11;
	v11 =	vld [tilespmem:s25+$0x1020];
	v8 =	vadd.f32 v33, v8  }
0x78: {  	v10 =	vadd.f32 v31, v10;
	[tilespmem:s25+$0x1040] =	vst v7;
	v7 =	vld [tilespmem:s25+$0x1430]  }
0x79: {  	[tilespmem:s25+$0xC60] =	vst v8;
	v8 =	vld [tilespmem:s25+$0x1050]  }
0x7a: {  	[tilespmem:s25+$0x1000] =	vst v10;
	v10 =	vld [tilespmem:s25+$0x1070];
	v9 =	vadd.f32 v25, v9  }
0x7b: {  	[tilespmem:$0x1FFA0] =	vst v1;
	v1 =	vld [tilespmem:s25+$0x5850];
	v6 =	vadd.f32 v62, v6  }
0x7c: {  	v11 =	vadd.f32 v29, v11;
	[tilespmem:s25+$0x1060] =	vst v9;
	v9 =	vld [tilespmem:s25+$0x1450]  }
0x7d: {  	[tilespmem:s25+$0xC40] =	vst v6;
	v6 =	vld [tilespmem:s25+$0x1030];
	v7 =	vadd.f32 v20, v7  }
0x7e: {  	[tilespmem:s25+$0x1020] =	vst v11;
	v11 =	vld [tilespmem:s25+$0x1410];
	v8 =	vadd.f32 v26, v8  }
0x7f: {  	v10 =	vadd.f32 v24, v10;
	[tilespmem:s25+$0x1430] =	vst v7;
	v7 =	vld [tilespmem:s25+$0x1820]  }
0x80: {  	[tilespmem:s25+$0x1050] =	vst v8;
	v8 =	vld [tilespmem:s25+$0x1440]  }
0x81: {  	[tilespmem:s25+$0x1070] =	vst v10;
	v10 =	vld [tilespmem:s25+$0x1460];
	v9 =	vadd.f32 v18, v9  }
0x82: {  	[tilespmem:$0x1FFB0] =	vst v1;
	v1 =	vld [tilespmem:s25+$0x5860]  }
0x83: {  	v6 =	vadd.f32 v28, v6;
	[tilespmem:s25+$0x1450] =	vst v9;
	v9 =	vld [tilespmem:s25+$0x1840]  }
0x84: {  	v11 =	vadd.f32 v22, v11;
	v7 =	vadd.f32 v0, v7;
	v0 =	vld [tilespmem:$0x1FFA0]  }
0x85: {  	[tilespmem:s25+$0x1030] =	vst v6;
	v6 =	vld [tilespmem:s25+$0x1420];
	v8 =	vadd.f32 v19, v8  }
0x86: {  	[tilespmem:s25+$0x1410] =	vst v11;
	v11 =	vld [tilespmem:s25+$0x1800];
	v10 =	vadd.f32 v16, v10  }
0x87: {  	[tilespmem:s25+$0x1440] =	vst v8;
	v8 =	vld [tilespmem:s25+$0x1830]  }
0x88: {  	[tilespmem:s25+$0x1460] =	vst v10;
	v10 =	vld [tilespmem:s25+$0x1850]  }
0x89: {  	v9 =	vadd.f32 v0, v9;
	v0 =	vld [tilespmem:$0x1FFB0]  }
0x8a: {  	v34 =	vld [tilespmem:s25+$0x50]  }
0x8b: {  	[tilespmem:$0x1FFC0] =	vst v1;
	v1 =	vld [tilespmem:s25+$0x5870];
	v6 =	vadd.f32 v21, v6  }
0x8c: {  	v11 =	vadd.f32 v14, v11;
	v14 =	vld [tilespmem:s25+$0x1860];
	v8 =	vadd.f32 v12, v8  }
0x8d: {  	[tilespmem:s25+$0x1420] =	vst v6;
	v6 =	vld [tilespmem:s25+$0x1810]  }
0x8e: {  	[tilespmem:s25+$0x1830] =	vst v8;
	v8 =	vadd.f32 v0, v10;
	v0 =	vld [tilespmem:$0x1FFC0]  }
0x8f: {  	v40 =	vld [tilespmem:s25+$0x440]  }
0x90: {  	v47 =	vld [tilespmem:s25+$0x830]  }
0x91: {  	[tilespmem:$0x1FFD0] =	vst v1;
	v1 =	vld [tilespmem:s25+$0x5C00]  }
0x92: {  	v34 =	vadd.f32 v39, v34;
	v6 =	vadd.f32 v13, v6;
	v13 =	vld [tilespmem:s25+$0x1870]  }
0x93: {  	v12 =	vadd.f32 v0, v14;
	v0 =	vld [tilespmem:$0x1FFD0]  }
0x94: {  	[tilespmem:s25+$0x50] =	vst v34;
	v34 =	vadd.f32 v46, v40;
	v54 =	vld [tilespmem:s25+$0xC20]  }
0x95: {  	v2 =	vld [tilespmem:s25+$0x5C50]  }
0x96: {  	[tilespmem:s25+$0x440] =	vst v34;
	v34 =	vadd.f32 v53, v47;
	v61 =	vld [tilespmem:s25+$0x1010]  }
0x97: {  	[tilespmem:$0x1FFE0] =	vst v1;
	v1 =	vld [tilespmem:s25+$0x5C10]  }
0x98: {  	v17 =	vld [tilespmem:s25+$0x5C70];
	[tilespmem:s25+$0x830] =	vst v34;
	v0 =	vadd.f32 v0, v13  }
0x99: {  	v34 =	vadd.f32 v60, v54;
	[tilespmem:s25+$0x1810] =	vst v6;
	v6 =	vld [tilespmem:s25+$0x1C00]  }
0x9a: {  	[tilespmem:s25+$0x1870] =	vst v0;
	v0 =	vld [tilespmem:$0x1FFE0]  }
0x9b: {  	[tilespmem:s25+$0xC20] =	vst v34;
	v30 =	vadd.f32 v30, v61;
	v62 =	vld [tilespmem:s25+$0x1400]  }
0x9c: {  	[tilespmem:$0x1FFF0] =	vst v1;
	v1 =	vld [tilespmem:s25+$0x5C60]  }
0x9d: {  	[tilespmem:s25+$0x1010] =	vst v30;
	v63 =	vld [tilespmem:s25+$0x1470]  }
0x9e: {  	[tilespmem:s25+$0x1820] =	vst v7;
	v7 =	vld [tilespmem:s25+$0x1C10]  }
0x9f: {  	[tilespmem:s25+$0x1860] =	vst v12;
	v12 =	vadd.f32 v0, v6;
	v0 =	vld [tilespmem:$0x1FFF0]  }
0xa0: {  	v23 =	vadd.f32 v23, v62;
	[tilespmem:s25+$0x1800] =	vst v11;
	v11 =	vld [tilespmem:s25+$0x1C20]  }
0xa1: {  	[tilespmem:s25+$0x1840] =	vst v9;
	v9 =	vld [tilespmem:s25+$0x1C40]  }
0xa2: {  	v15 =	vadd.f32 v15, v63;
	[tilespmem:s25+$0x1400] =	vst v23;
	v10 =	vld [tilespmem:s25+$0x1C30]  }
0xa3: {  	[tilespmem:s25+$0x1850] =	vst v8;
	v8 =	vld [tilespmem:s25+$0x1C50]  }
0xa4: {  	s26 =	simm.s32 $0x200;
	[tilespmem:s25+$0x1470] =	vst v15;
	v6 =	vld [tilespmem:s25+$0x1C60];
	v7 =	vadd.f32 v0, v7  }
.LBB2_3:
0xa5: {  	_ = 	snop  }
0xa6: {  	s28 =	sshra.s32 s26, $0x2;
	[tilespmem:s25+$0x1C00] =	vst v12;
	v5 =	vadd.f32 v5, v11;
	v11 =	vld [tilespmem:s25+$0x1C70]  }
0xa7: {  	v56 =	vld [tilespmem:s28+$0x4000];
	[tilespmem:s25+$0x1C10] =	vst v7;
	v4 =	vadd.f32 v4, v10  }
0xa8: {  	v59 =	vld [tilespmem:s28+$0x4010];
	v3 =	vadd.f32 v3, v9;
	[tilespmem:s25+$0x1C20] =	vst v5  }
0xa9: {  	v2 =	vadd.f32 v2, v8;
	v60 =	vld [tilespmem:s28+$0x4020];
	[tilespmem:s25+$0x1C30] =	vst v4  }
0xaa: {  	v1 =	vadd.f32 v1, v6;
	v61 =	vld [tilespmem:s28+$0x4030];
	[tilespmem:s25+$0x1C40] =	vst v3  }
0xab: {  	v62 =	vld [tilespmem:s28+$0x4040];
	[tilespmem:s25+$0x1C50] =	vst v2;
	v0 =	vadd.f32 v17, v11  }
0xac: {  	v63 =	vld [tilespmem:s28+$0x4050];
	[tilespmem:s25+$0x1C60] =	vst v1  }
0xad: {  	v57 =	vld [tilespmem:s28+$0x4060];
	[tilespmem:s25+$0x1C70] =	vst v0;
	s25 =	smov.u32 s28  }
0xae: {  	v58 =	vld [tilespmem:s25+$0x4070]  }
0xaf: {  	v55 =	vld [tilespmem:s25+$0x4400]  }
0xb0: {  	v54 =	vld [tilespmem:s25+$0x4410]  }
0xb1: {  	v53 =	vld [tilespmem:s25+$0x4420]  }
0xb2: {  	v52 =	vld [tilespmem:s25+$0x4430]  }
0xb3: {  	v51 =	vld [tilespmem:s25+$0x4440]  }
0xb4: {  	v50 =	vld [tilespmem:s25+$0x4450]  }
0xb5: {  	v49 =	vld [tilespmem:s25+$0x4460]  }
0xb6: {  	v48 =	vld [tilespmem:s25+$0x4470]  }
0xb7: {  	v47 =	vld [tilespmem:s25+$0x4800]  }
0xb8: {  	v46 =	vld [tilespmem:s25+$0x4810]  }
0xb9: {  	v45 =	vld [tilespmem:s25+$0x4820]  }
0xba: {  	v44 =	vld [tilespmem:s25+$0x4830]  }
0xbb: {  	v43 =	vld [tilespmem:s25+$0x4840]  }
0xbc: {  	v42 =	vld [tilespmem:s25+$0x4850]  }
0xbd: {  	v41 =	vld [tilespmem:s25+$0x4860]  }
0xbe: {  	v40 =	vld [tilespmem:s25+$0x4870]  }
0xbf: {  	v39 =	vld [tilespmem:s25+$0x4C00]  }
0xc0: {  	v38 =	vld [tilespmem:s25+$0x4C10]  }
0xc1: {  	v37 =	vld [tilespmem:s25+$0x4C20]  }
0xc2: {  	v36 =	vld [tilespmem:s25+$0x4C30]  }
0xc3: {  	v35 =	vld [tilespmem:s25+$0x4C40]  }
0xc4: {  	v34 =	vld [tilespmem:s25+$0x4C50]  }
0xc5: {  	v0 =	vld [tilespmem:s25+$0x5850]  }
0xc6: {  	v33 =	vld [tilespmem:s25+$0x4C60]  }
0xc7: {  	v32 =	vld [tilespmem:s25+$0x4C70]  }
0xc8: {  	v31 =	vld [tilespmem:s25+$0x5000]  }
0xc9: {  	v30 =	vld [tilespmem:s25+$0x5010]  }
0xca: {  	[tilespmem:$0x1FF50] =	vst v0;
	v0 =	vld [tilespmem:s25+$0x5860]  }
0xcb: {  	v29 =	vld [tilespmem:s25+$0x5020]  }
0xcc: {  	v28 =	vld [tilespmem:s25+$0x5030]  }
0xcd: {  	v27 =	vld [tilespmem:s25+$0x5040]  }
0xce: {  	v26 =	vld [tilespmem:s25+$0x5050]  }
0xcf: {  	[tilespmem:$0x1FF60] =	vst v0;
	v0 =	vld [tilespmem:s25+$0x5870]  }
0xd0: {  	v25 =	vld [tilespmem:s25+$0x5060]  }
0xd1: {  	v24 =	vld [tilespmem:s25+$0x5070]  }
0xd2: {  	v23 =	vld [tilespmem:s25+$0x5400]  }
0xd3: {  	v22 =	vld [tilespmem:s25+$0x5410]  }
0xd4: {  	[tilespmem:$0x1FF70] =	vst v0;
	v0 =	vld [tilespmem:s25+$0x5C00]  }
0xd5: {  	v21 =	vld [tilespmem:s25+$0x5420]  }
0xd6: {  	v20 =	vld [tilespmem:s25+$0x5430]  }
0xd7: {  	v19 =	vld [tilespmem:s25+$0x5440]  }
0xd8: {  	v18 =	vld [tilespmem:s25+$0x5450]  }
0xd9: {  	[tilespmem:$0x1FF80] =	vst v0;
	v0 =	vld [tilespmem:s25+$0x5C10]  }
0xda: {  	v6 =	vld [tilespmem:s25+$0x5460]  }
0xdb: {  	v7 =	vld [tilespmem:s25+$0x5470]  }
0xdc: {  	v8 =	vld [tilespmem:s25+$0x5800]  }
0xdd: {  	v9 =	vld [tilespmem:s25+$0x5810]  }
0xde: {  	[tilespmem:$0x1FF90] =	vst v0;
	v0 =	vld [tilespmem:s25+$0x0]  }
0xdf: {  	v13 =	vld [tilespmem:s25+$0x10]  }
0xe0: {  	v14 =	vld [tilespmem:s25+$0x20]  }
0xe1: {  	v15 =	vld [tilespmem:s25+$0x30]  }
0xe2: {  	v16 =	vld [tilespmem:s25+$0x40]  }
0xe3: {  	v0 =	vadd.f32 v56, v0;
	v56 =	vld [tilespmem:s25+$0x50]  }
0xe4: {  	v13 =	vadd.f32 v59, v13;
	v59 =	vld [tilespmem:s25+$0x60]  }
0xe5: {  	[tilespmem:s25+$0x0] =	vst v0;
	v0 =	vadd.f32 v60, v14;
	v14 =	vld [tilespmem:s25+$0x70]  }
0xe6: {  	[tilespmem:s25+$0x10] =	vst v13;
	v13 =	vadd.f32 v61, v15;
	v15 =	vld [tilespmem:s25+$0x400]  }
0xe7: {  	[tilespmem:s25+$0x20] =	vst v0;
	v0 =	vadd.f32 v62, v16;
	v16 =	vld [tilespmem:s25+$0x410]  }
0xe8: {  	[tilespmem:s25+$0x30] =	vst v13;
	v13 =	vadd.f32 v63, v56;
	v63 =	vld [tilespmem:s25+$0x420]  }
0xe9: {  	v60 =	vld [tilespmem:s25+$0x430];
	[tilespmem:s25+$0x40] =	vst v0;
	v0 =	vadd.f32 v57, v59  }
0xea: {  	[tilespmem:s25+$0x50] =	vst v13;
	v13 =	vadd.f32 v58, v14;
	v14 =	vld [tilespmem:s25+$0x440]  }
0xeb: {  	[tilespmem:s25+$0x60] =	vst v0;
	v0 =	vadd.f32 v55, v15;
	v15 =	vld [tilespmem:s25+$0x450]  }
0xec: {  	[tilespmem:s25+$0x70] =	vst v13;
	v13 =	vadd.f32 v54, v16;
	v16 =	vld [tilespmem:s25+$0x460]  }
0xed: {  	v61 =	vld [tilespmem:s25+$0x470];
	[tilespmem:s25+$0x400] =	vst v0;
	v0 =	vadd.f32 v53, v63  }
0xee: {  	v62 =	vld [tilespmem:s25+$0x800];
	[tilespmem:s25+$0x410] =	vst v13;
	v13 =	vadd.f32 v52, v60  }
0xef: {  	[tilespmem:s25+$0x420] =	vst v0;
	v0 =	vadd.f32 v51, v14;
	v14 =	vld [tilespmem:s25+$0x810]  }
0xf0: {  	[tilespmem:s25+$0x430] =	vst v13;
	v13 =	vadd.f32 v50, v15;
	v15 =	vld [tilespmem:s25+$0x820]  }
0xf1: {  	[tilespmem:s25+$0x440] =	vst v0;
	v0 =	vadd.f32 v49, v16;
	v16 =	vld [tilespmem:s25+$0x830]  }
0xf2: {  	v63 =	vld [tilespmem:s25+$0x840];
	[tilespmem:s25+$0x450] =	vst v13;
	v13 =	vadd.f32 v48, v61  }
0xf3: {  	v53 =	vld [tilespmem:s25+$0x850];
	[tilespmem:s25+$0x460] =	vst v0;
	v0 =	vadd.f32 v47, v62  }
0xf4: {  	[tilespmem:s25+$0x470] =	vst v13;
	v13 =	vadd.f32 v46, v14;
	v14 =	vld [tilespmem:s25+$0x860]  }
0xf5: {  	[tilespmem:s25+$0x800] =	vst v0;
	v0 =	vadd.f32 v45, v15;
	v15 =	vld [tilespmem:s25+$0x870]  }
0xf6: {  	[tilespmem:s25+$0x810] =	vst v13;
	v13 =	vadd.f32 v44, v16;
	v16 =	vld [tilespmem:s25+$0xC00]  }
0xf7: {  	v54 =	vld [tilespmem:s25+$0xC10];
	[tilespmem:s25+$0x820] =	vst v0;
	v0 =	vadd.f32 v43, v63  }
0xf8: {  	v55 =	vld [tilespmem:s25+$0xC20];
	[tilespmem:s25+$0x830] =	vst v13;
	v13 =	vadd.f32 v42, v53  }
0xf9: {  	[tilespmem:s25+$0x840] =	vst v0;
	v0 =	vadd.f32 v41, v14;
	v14 =	vld [tilespmem:s25+$0xC30]  }
0xfa: {  	[tilespmem:s25+$0x850] =	vst v13;
	v13 =	vadd.f32 v40, v15;
	v15 =	vld [tilespmem:s25+$0xC40]  }
0xfb: {  	[tilespmem:s25+$0x860] =	vst v0;
	v0 =	vadd.f32 v39, v16;
	v16 =	vld [tilespmem:s25+$0xC50]  }
0xfc: {  	v56 =	vld [tilespmem:s25+$0xC60];
	[tilespmem:s25+$0x870] =	vst v13;
	v13 =	vadd.f32 v38, v54  }
0xfd: {  	v57 =	vld [tilespmem:s25+$0xC70];
	[tilespmem:s25+$0xC00] =	vst v0;
	v0 =	vadd.f32 v37, v55  }
0xfe: {  	[tilespmem:s25+$0xC10] =	vst v13;
	v13 =	vadd.f32 v36, v14;
	v14 =	vld [tilespmem:s25+$0x1000]  }
0xff: {  	[tilespmem:s25+$0xC20] =	vst v0;
	v0 =	vadd.f32 v35, v15;
	v15 =	vld [tilespmem:s25+$0x1010]  }
0x100: {  	[tilespmem:s25+$0xC30] =	vst v13;
	v13 =	vadd.f32 v34, v16;
	v16 =	vld [tilespmem:s25+$0x1020]  }
0x101: {  	v58 =	vld [tilespmem:s25+$0x1030];
	[tilespmem:s25+$0xC40] =	vst v0;
	v0 =	vadd.f32 v33, v56  }
0x102: {  	v59 =	vld [tilespmem:s25+$0x1040];
	[tilespmem:s25+$0xC50] =	vst v13;
	v13 =	vadd.f32 v32, v57  }
0x103: {  	[tilespmem:s25+$0xC60] =	vst v0;
	v0 =	vadd.f32 v31, v14;
	v14 =	vld [tilespmem:s25+$0x1050]  }
0x104: {  	[tilespmem:s25+$0xC70] =	vst v13;
	v13 =	vadd.f32 v30, v15;
	v15 =	vld [tilespmem:s25+$0x1060]  }
0x105: {  	[tilespmem:s25+$0x1000] =	vst v0;
	v0 =	vadd.f32 v29, v16;
	v16 =	vld [tilespmem:s25+$0x1070]  }
0x106: {  	v60 =	vld [tilespmem:s25+$0x1400];
	[tilespmem:s25+$0x1010] =	vst v13;
	v13 =	vadd.f32 v28, v58  }
0x107: {  	v61 =	vld [tilespmem:s25+$0x1410];
	[tilespmem:s25+$0x1020] =	vst v0;
	v0 =	vadd.f32 v27, v59  }
0x108: {  	[tilespmem:s25+$0x1030] =	vst v13;
	v13 =	vadd.f32 v26, v14;
	v14 =	vld [tilespmem:s25+$0x1420]  }
0x109: {  	[tilespmem:s25+$0x1040] =	vst v0;
	v0 =	vadd.f32 v25, v15;
	v15 =	vld [tilespmem:s25+$0x1430]  }
0x10a: {  	[tilespmem:s25+$0x1050] =	vst v13;
	v13 =	vadd.f32 v24, v16;
	v16 =	vld [tilespmem:s25+$0x1440]  }
0x10b: {  	v62 =	vld [tilespmem:s25+$0x1450];
	[tilespmem:s25+$0x1060] =	vst v0;
	v0 =	vadd.f32 v23, v60  }
0x10c: {  	v63 =	vld [tilespmem:s25+$0x1460];
	[tilespmem:s25+$0x1070] =	vst v13;
	v13 =	vadd.f32 v22, v61  }
0x10d: {  	v10 =	vld [tilespmem:s25+$0x5820];
	[tilespmem:s25+$0x1400] =	vst v0;
	v0 =	vadd.f32 v21, v14  }
0x10e: {  	[tilespmem:s25+$0x1410] =	vst v13;
	v13 =	vadd.f32 v20, v15;
	v15 =	vld [tilespmem:s25+$0x1800]  }
0x10f: {  	v11 =	vld [tilespmem:s25+$0x5840];
	[tilespmem:s25+$0x1420] =	vst v0;
	v0 =	vadd.f32 v19, v16  }
0x110: {  	[tilespmem:s25+$0x1430] =	vst v13;
	v13 =	vadd.f32 v18, v62;
	v18 =	vld [tilespmem:s25+$0x1820]  }
0x111: {  	v14 =	vld [tilespmem:s25+$0x1470];
	[tilespmem:s25+$0x1440] =	vst v0;
	v0 =	vadd.f32 v6, v63  }
0x112: {  	[tilespmem:s25+$0x1450] =	vst v13;
	v13 =	vld [tilespmem:s25+$0x1840]  }
0x113: {  	v16 =	vld [tilespmem:s25+$0x1810];
	[tilespmem:s25+$0x1460] =	vst v0;
	v0 =	vadd.f32 v8, v15  }
0x114: {  	v12 =	vld [tilespmem:s25+$0x5830]  }
0x115: {  	v6 =	vld [tilespmem:s25+$0x1830];
	[tilespmem:s25+$0x1800] =	vst v0;
	v0 =	vadd.f32 v10, v18  }
0x116: {  	v5 =	vld [tilespmem:s25+$0x5C20];
	v7 =	vadd.f32 v7, v14  }
0x117: {  	v4 =	vld [tilespmem:s25+$0x5C30];
	[tilespmem:s25+$0x1820] =	vst v0;
	v0 =	vadd.f32 v11, v13  }
0x118: {  	[tilespmem:s25+$0x1470] =	vst v7;
	v7 =	vadd.f32 v9, v16;
	v9 =	vld [tilespmem:s25+$0x1860]  }
0x119: {  	[tilespmem:s25+$0x1840] =	vst v0;
	v0 =	vld [tilespmem:$0x1FF60]  }
0x11a: {  	v3 =	vld [tilespmem:s25+$0x5C40];
	v6 =	vadd.f32 v12, v6  }
0x11b: {  	v8 =	vld [tilespmem:s25+$0x1850]  }
0x11c: {  	[tilespmem:s25+$0x1830] =	vst v6;
	v6 =	vld [tilespmem:$0x1FF50]  }
0x11d: {  	v2 =	vld [tilespmem:s25+$0x5C50]  }
0x11e: {  	v1 =	vld [tilespmem:s25+$0x5C60];
	v0 =	vadd.f32 v0, v9  }
0x11f: {  	[tilespmem:s25+$0x1810] =	vst v7;
	v7 =	vld [tilespmem:s25+$0x1C00]  }
0x120: {  	[tilespmem:s25+$0x1860] =	vst v0;
	v0 =	vld [tilespmem:$0x1FF80]  }
0x121: {  	v17 =	vld [tilespmem:s25+$0x5C70];
	v6 =	vadd.f32 v6, v8  }
0x122: {  	v14 =	vld [tilespmem:s25+$0x1870]  }
0x123: {  	[tilespmem:s25+$0x1850] =	vst v6;
	v6 =	vld [tilespmem:$0x1FF70]  }
0x124: {  	v13 =	vld [tilespmem:s25+$0x1C10]  }
0x125: {  	p0 =	sne.s32 s26, $0xE00;
	v12 =	vadd.f32 v0, v7;
	v0 =	vld [tilespmem:$0x1FF90]  }
.Ltmp0:
0x126: {  	v10 =	vld [tilespmem:s25+$0x1C30];
	(pc) =	sbr.rel @p0 .LBB2_3-.Ltmp0, $4  }
0x127: {  	v11 =	vld [tilespmem:s25+$0x1C20]  }
0x128: {  	v8 =	vld [tilespmem:s25+$0x1C50];
	v6 =	vadd.f32 v6, v14  }
0x129: {  	v9 =	vld [tilespmem:s25+$0x1C40]  }
0x12a: {  	s26 =	sadd.s32 $0x200, s26;
	[tilespmem:s25+$0x1870] =	vst v6;
	v6 =	vld [tilespmem:s25+$0x1C60];
	v7 =	vadd.f32 v0, v13  }
0x12b: {  	_ = 	snop  }
0x12c: {  	[tilespmem:s25+$0x1C00] =	vst v12;
	v0 =	vadd.f32 v5, v11;
	v5 =	vld [tilespmem:s25+$0x1C70]  }
0x12d: {  	v4 =	vadd.f32 v4, v10;
	[tilespmem:s25+$0x1C10] =	vst v7  }
0x12e: {  	[tilespmem:s25+$0x1C20] =	vst v0;
	v0 =	vadd.f32 v3, v9  }
0x12f: {  	[tilespmem:s25+$0x1C30] =	vst v4;
	v2 =	vadd.f32 v2, v8  }
0x130: {  	[tilespmem:s25+$0x1C40] =	vst v0;
	v0 =	vadd.f32 v1, v6  }
0x131: {  	[tilespmem:s25+$0x1C50] =	vst v2;
	v1 =	vadd.f32 v17, v5  }
0x132: {  	s26 =	sshll.u32 s23, $0xB;
	p0 =	seq.s32 s23, $0x7;
	[tilespmem:s25+$0x1C60] =	vst v0  }
0x133: {  	s31 =	sadd.s32 s26, s9;
	[tilespmem:s25+$0x1C70] =	vst v1;
	s25 =	simm.s32 @!p0 $0x5  }
0x134: {  	[hbm4b:s31+s3] =	stream.linear.scatter [tilespmem:s3], [sflag:$0x5], $0x2000, $0x38;
	[tilespmem:$0x8000] =	vst v63  }
0x135: {  	_ =	swait.ge @!p0 [sflag:s25], $0x2000  }
0x136: {  	[sflag:s25] =	ssyncset.done @!p0 $0x0  }
0x137: {  	[sflag:s25] =	ssyncadd.s32 @!p0 $0xFFFFE000;
	s25 =	sadd.s32 @!p0 s12, s26  }
0x138: {  	s28 =	simm.s32 @!p0 $0x0;
	s29 =	simm.s32 @!p0 $0x4000;
	s26 =	sadd.s32 @!p0 s1, s25  }
0x139: {  	[tilespmem:s29], [sflag:$0x3] =	stream.linear.gather @!p0 [hbm4b:s26+s28], $0x2000, $0x38;
	[tilespmem:$0x8000] =	vst v63  }
0x13a: {  	s25 =	sadd.s32 @!p0 s25, s7  }
0x13b: {  	[tilespmem:s28], [sflag:$0x1] =	stream.linear.gather @!p0 [hbm4b:s25+s28], $0x2000, $0x38;
	[tilespmem:$0x8000] =	vst v63  }
0x13c: {  	_ =	swait.ge [sflag:s18], $0x2000  }
0x13d: {  	[sflag:s18] =	ssyncset.done $0x0  }
0x13e: {  	[sflag:s18] =	ssyncadd.s32 $0xFFFFE000  }
0x13f: {  	_ =	swait.ge [sflag:s19], $0x2000  }
0x140: {  	[sflag:s19] =	ssyncset.done $0x0  }
0x141: {  	s25 =	simm.s32 $0x0;
	[sflag:s19] =	ssyncadd.s32 $0xFFFFE000  }
0x142: {  	v34 =	vld [tilespmem:s25+$0x6000]  }
0x143: {  	v35 =	vld [tilespmem:s25+$0x6010]  }
0x144: {  	v36 =	vld [tilespmem:s25+$0x6020]  }
0x145: {  	v37 =	vld [tilespmem:s25+$0x6030]  }
0x146: {  	v38 =	vld [tilespmem:s25+$0x6040]  }
0x147: {  	v39 =	vld [tilespmem:s25+$0x6050]  }
0x148: {  	v40 =	vld [tilespmem:s25+$0x6060]  }
0x149: {  	v41 =	vld [tilespmem:s25+$0x6070]  }
0x14a: {  	v42 =	vld [tilespmem:s25+$0x6400]  }
0x14b: {  	v43 =	vld [tilespmem:s25+$0x6410]  }
0x14c: {  	v44 =	vld [tilespmem:s25+$0x6420]  }
0x14d: {  	v45 =	vld [tilespmem:s25+$0x6430]  }
0x14e: {  	v46 =	vld [tilespmem:s25+$0x6440]  }
0x14f: {  	v47 =	vld [tilespmem:s25+$0x6450]  }
0x150: {  	v48 =	vld [tilespmem:s25+$0x6460]  }
0x151: {  	v49 =	vld [tilespmem:s25+$0x6470]  }
0x152: {  	v50 =	vld [tilespmem:s25+$0x6800]  }
0x153: {  	v51 =	vld [tilespmem:s25+$0x6810]  }
0x154: {  	v52 =	vld [tilespmem:s25+$0x6820]  }
0x155: {  	v53 =	vld [tilespmem:s25+$0x6830]  }
0x156: {  	v54 =	vld [tilespmem:s25+$0x6840]  }
0x157: {  	v55 =	vld [tilespmem:s25+$0x6850]  }
0x158: {  	v56 =	vld [tilespmem:s25+$0x6860]  }
0x159: {  	v57 =	vld [tilespmem:s25+$0x6870]  }
0x15a: {  	v58 =	vld [tilespmem:s25+$0x6C00]  }
0x15b: {  	v59 =	vld [tilespmem:s25+$0x6C10]  }
0x15c: {  	v60 =	vld [tilespmem:s25+$0x6C20]  }
0x15d: {  	v61 =	vld [tilespmem:s25+$0x6C30]  }
0x15e: {  	v62 =	vld [tilespmem:s25+$0x6C40]  }
0x15f: {  	v63 =	vld [tilespmem:s25+$0x6C50]  }
0x160: {  	v33 =	vld [tilespmem:s25+$0x6C60]  }
0x161: {  	v32 =	vld [tilespmem:s25+$0x6C70]  }
0x162: {  	v31 =	vld [tilespmem:s25+$0x7000]  }
0x163: {  	v30 =	vld [tilespmem:s25+$0x7010]  }
0x164: {  	v29 =	vld [tilespmem:s25+$0x7020]  }
0x165: {  	v28 =	vld [tilespmem:s25+$0x7030]  }
0x166: {  	v27 =	vld [tilespmem:s25+$0x7040]  }
0x167: {  	v26 =	vld [tilespmem:s25+$0x7050]  }
0x168: {  	v25 =	vld [tilespmem:s25+$0x7060]  }
0x169: {  	v24 =	vld [tilespmem:s25+$0x7070]  }
0x16a: {  	v23 =	vld [tilespmem:s25+$0x7400]  }
0x16b: {  	v22 =	vld [tilespmem:s25+$0x7410]  }
0x16c: {  	v21 =	vld [tilespmem:s25+$0x7420]  }
0x16d: {  	v20 =	vld [tilespmem:s25+$0x7430]  }
0x16e: {  	v19 =	vld [tilespmem:s25+$0x7440]  }
0x16f: {  	v18 =	vld [tilespmem:s25+$0x7450]  }
0x170: {  	v7 =	vld [tilespmem:s25+$0x2010]  }
0x171: {  	v16 =	vld [tilespmem:s25+$0x7460]  }
0x172: {  	v15 =	vld [tilespmem:s25+$0x7470]  }
0x173: {  	v14 =	vld [tilespmem:s25+$0x7800]  }
0x174: {  	v9 =	vld [tilespmem:s25+$0x2030]  }
0x175: {  	v13 =	vld [tilespmem:s25+$0x7810];
	v7 =	vadd.f32 v35, v7  }
0x176: {  	v0 =	vld [tilespmem:s25+$0x7820]  }
0x177: {  	[tilespmem:s25+$0x2010] =	vst v7;
	v7 =	vld [tilespmem:s25+$0x2400]  }
0x178: {  	v8 =	vld [tilespmem:s25+$0x2020]  }
0x179: {  	v10 =	vld [tilespmem:s25+$0x2040];
	v9 =	vadd.f32 v37, v9  }
0x17a: {  	v12 =	vld [tilespmem:s25+$0x7830]  }
0x17b: {  	[tilespmem:s25+$0x2030] =	vst v9;
	v9 =	vld [tilespmem:s25+$0x2420]  }
0x17c: {  	v6 =	vld [tilespmem:s25+$0x2000];
	v7 =	vadd.f32 v42, v7  }
0x17d: {  	v11 =	vld [tilespmem:s25+$0x2060];
	v8 =	vadd.f32 v36, v8  }
0x17e: {  	v10 =	vadd.f32 v38, v10;
	[tilespmem:s25+$0x2400] =	vst v7;
	v7 =	vld [tilespmem:s25+$0x2470]  }
0x17f: {  	[tilespmem:s25+$0x2020] =	vst v8;
	v8 =	vld [tilespmem:s25+$0x2410]  }
0x180: {  	[tilespmem:s25+$0x2040] =	vst v10;
	v10 =	vld [tilespmem:s25+$0x2430];
	v9 =	vadd.f32 v44, v9  }
0x181: {  	v1 =	vld [tilespmem:s25+$0x7840];
	v6 =	vadd.f32 v34, v6  }
0x182: {  	v11 =	vadd.f32 v40, v11;
	[tilespmem:s25+$0x2420] =	vst v9;
	v9 =	vld [tilespmem:s25+$0x2810]  }
0x183: {  	[tilespmem:s25+$0x2000] =	vst v6;
	v6 =	vld [tilespmem:s25+$0x2070];
	v7 =	vadd.f32 v49, v7  }
0x184: {  	[tilespmem:s25+$0x2060] =	vst v11;
	v11 =	vld [tilespmem:s25+$0x2450];
	v8 =	vadd.f32 v43, v8  }
0x185: {  	v10 =	vadd.f32 v45, v10;
	[tilespmem:s25+$0x2470] =	vst v7;
	v7 =	vld [tilespmem:s25+$0x2860]  }
0x186: {  	[tilespmem:s25+$0x2410] =	vst v8;
	v8 =	vld [tilespmem:s25+$0x2800]  }
0x187: {  	[tilespmem:s25+$0x2430] =	vst v10;
	v10 =	vld [tilespmem:s25+$0x2820];
	v9 =	vadd.f32 v51, v9  }
0x188: {  	v5 =	vld [tilespmem:s25+$0x7C20];
	v6 =	vadd.f32 v41, v6  }
0x189: {  	v11 =	vadd.f32 v47, v11;
	[tilespmem:s25+$0x2810] =	vst v9;
	v9 =	vld [tilespmem:s25+$0x2C00]  }
0x18a: {  	[tilespmem:s25+$0x2070] =	vst v6;
	v6 =	vld [tilespmem:s25+$0x2460];
	v7 =	vadd.f32 v56, v7  }
0x18b: {  	[tilespmem:s25+$0x2450] =	vst v11;
	v11 =	vld [tilespmem:s25+$0x2840];
	v8 =	vadd.f32 v50, v8  }
0x18c: {  	v10 =	vadd.f32 v52, v10;
	[tilespmem:s25+$0x2860] =	vst v7;
	v7 =	vld [tilespmem:s25+$0x2C50]  }
0x18d: {  	[tilespmem:s25+$0x2800] =	vst v8;
	v8 =	vld [tilespmem:s25+$0x2870]  }
0x18e: {  	[tilespmem:s25+$0x2820] =	vst v10;
	v10 =	vld [tilespmem:s25+$0x2C10];
	v9 =	vadd.f32 v58, v9  }
0x18f: {  	v4 =	vld [tilespmem:s25+$0x7C30];
	v6 =	vadd.f32 v48, v6  }
0x190: {  	v11 =	vadd.f32 v54, v11;
	[tilespmem:s25+$0x2C00] =	vst v9;
	v9 =	vld [tilespmem:s25+$0x2C70]  }
0x191: {  	[tilespmem:s25+$0x2460] =	vst v6;
	v6 =	vld [tilespmem:s25+$0x2850];
	v7 =	vadd.f32 v63, v7  }
0x192: {  	[tilespmem:s25+$0x2840] =	vst v11;
	v11 =	vld [tilespmem:s25+$0x2C30];
	v8 =	vadd.f32 v57, v8  }
0x193: {  	v10 =	vadd.f32 v59, v10;
	[tilespmem:s25+$0x2C50] =	vst v7;
	v7 =	vld [tilespmem:s25+$0x3040]  }
0x194: {  	[tilespmem:s25+$0x2870] =	vst v8;
	v8 =	vld [tilespmem:s25+$0x2C60]  }
0x195: {  	[tilespmem:s25+$0x2C10] =	vst v10;
	v10 =	vld [tilespmem:s25+$0x3000];
	v9 =	vadd.f32 v32, v9  }
0x196: {  	v3 =	vld [tilespmem:s25+$0x7C40];
	v6 =	vadd.f32 v55, v6  }
0x197: {  	v11 =	vadd.f32 v61, v11;
	[tilespmem:s25+$0x2C70] =	vst v9;
	v9 =	vld [tilespmem:s25+$0x3060]  }
0x198: {  	[tilespmem:s25+$0x2850] =	vst v6;
	v6 =	vld [tilespmem:s25+$0x2C40];
	v7 =	vadd.f32 v27, v7  }
0x199: {  	[tilespmem:s25+$0x2C30] =	vst v11;
	v11 =	vld [tilespmem:s25+$0x3020];
	v8 =	vadd.f32 v33, v8  }
0x19a: {  	v10 =	vadd.f32 v31, v10;
	[tilespmem:s25+$0x3040] =	vst v7;
	v7 =	vld [tilespmem:s25+$0x3430]  }
0x19b: {  	[tilespmem:s25+$0x2C60] =	vst v8;
	v8 =	vld [tilespmem:s25+$0x3050]  }
0x19c: {  	[tilespmem:s25+$0x3000] =	vst v10;
	v10 =	vld [tilespmem:s25+$0x3070];
	v9 =	vadd.f32 v25, v9  }
0x19d: {  	[tilespmem:$0x1FEF0] =	vst v1;
	v1 =	vld [tilespmem:s25+$0x7850];
	v6 =	vadd.f32 v62, v6  }
0x19e: {  	v11 =	vadd.f32 v29, v11;
	[tilespmem:s25+$0x3060] =	vst v9;
	v9 =	vld [tilespmem:s25+$0x3450]  }
0x19f: {  	[tilespmem:s25+$0x2C40] =	vst v6;
	v6 =	vld [tilespmem:s25+$0x3030];
	v7 =	vadd.f32 v20, v7  }
0x1a0: {  	[tilespmem:s25+$0x3020] =	vst v11;
	v11 =	vld [tilespmem:s25+$0x3410];
	v8 =	vadd.f32 v26, v8  }
0x1a1: {  	v10 =	vadd.f32 v24, v10;
	[tilespmem:s25+$0x3430] =	vst v7;
	v7 =	vld [tilespmem:s25+$0x3820]  }
0x1a2: {  	[tilespmem:s25+$0x3050] =	vst v8;
	v8 =	vld [tilespmem:s25+$0x3440]  }
0x1a3: {  	[tilespmem:s25+$0x3070] =	vst v10;
	v10 =	vld [tilespmem:s25+$0x3460];
	v9 =	vadd.f32 v18, v9  }
0x1a4: {  	[tilespmem:$0x1FF00] =	vst v1;
	v1 =	vld [tilespmem:s25+$0x7860]  }
0x1a5: {  	v6 =	vadd.f32 v28, v6;
	[tilespmem:s25+$0x3450] =	vst v9;
	v9 =	vld [tilespmem:s25+$0x3840]  }
0x1a6: {  	v11 =	vadd.f32 v22, v11;
	v7 =	vadd.f32 v0, v7;
	v0 =	vld [tilespmem:$0x1FEF0]  }
0x1a7: {  	[tilespmem:s25+$0x3030] =	vst v6;
	v6 =	vld [tilespmem:s25+$0x3420];
	v8 =	vadd.f32 v19, v8  }
0x1a8: {  	[tilespmem:s25+$0x3410] =	vst v11;
	v11 =	vld [tilespmem:s25+$0x3800];
	v10 =	vadd.f32 v16, v10  }
0x1a9: {  	[tilespmem:s25+$0x3440] =	vst v8;
	v8 =	vld [tilespmem:s25+$0x3830]  }
0x1aa: {  	[tilespmem:s25+$0x3460] =	vst v10;
	v10 =	vld [tilespmem:s25+$0x3850]  }
0x1ab: {  	v9 =	vadd.f32 v0, v9;
	v0 =	vld [tilespmem:$0x1FF00]  }
0x1ac: {  	v34 =	vld [tilespmem:s25+$0x2050]  }
0x1ad: {  	[tilespmem:$0x1FF10] =	vst v1;
	v1 =	vld [tilespmem:s25+$0x7870];
	v6 =	vadd.f32 v21, v6  }
0x1ae: {  	v11 =	vadd.f32 v14, v11;
	v14 =	vld [tilespmem:s25+$0x3860];
	v8 =	vadd.f32 v12, v8  }
0x1af: {  	[tilespmem:s25+$0x3420] =	vst v6;
	v6 =	vld [tilespmem:s25+$0x3810]  }
0x1b0: {  	[tilespmem:s25+$0x3830] =	vst v8;
	v8 =	vadd.f32 v0, v10;
	v0 =	vld [tilespmem:$0x1FF10]  }
0x1b1: {  	v40 =	vld [tilespmem:s25+$0x2440]  }
0x1b2: {  	v47 =	vld [tilespmem:s25+$0x2830]  }
0x1b3: {  	[tilespmem:$0x1FF20] =	vst v1;
	v1 =	vld [tilespmem:s25+$0x7C00]  }
0x1b4: {  	v34 =	vadd.f32 v39, v34;
	v6 =	vadd.f32 v13, v6;
	v13 =	vld [tilespmem:s25+$0x3870]  }
0x1b5: {  	v12 =	vadd.f32 v0, v14;
	v0 =	vld [tilespmem:$0x1FF20]  }
0x1b6: {  	[tilespmem:s25+$0x2050] =	vst v34;
	v34 =	vadd.f32 v46, v40;
	v54 =	vld [tilespmem:s25+$0x2C20]  }
0x1b7: {  	v2 =	vld [tilespmem:s25+$0x7C50]  }
0x1b8: {  	[tilespmem:s25+$0x2440] =	vst v34;
	v34 =	vadd.f32 v53, v47;
	v61 =	vld [tilespmem:s25+$0x3010]  }
0x1b9: {  	[tilespmem:$0x1FF30] =	vst v1;
	v1 =	vld [tilespmem:s25+$0x7C10]  }
0x1ba: {  	v17 =	vld [tilespmem:s25+$0x7C70];
	[tilespmem:s25+$0x2830] =	vst v34;
	v0 =	vadd.f32 v0, v13  }
0x1bb: {  	v34 =	vadd.f32 v60, v54;
	[tilespmem:s25+$0x3810] =	vst v6;
	v6 =	vld [tilespmem:s25+$0x3C00]  }
0x1bc: {  	[tilespmem:s25+$0x3870] =	vst v0;
	v0 =	vld [tilespmem:$0x1FF30]  }
0x1bd: {  	[tilespmem:s25+$0x2C20] =	vst v34;
	v30 =	vadd.f32 v30, v61;
	v62 =	vld [tilespmem:s25+$0x3400]  }
0x1be: {  	[tilespmem:$0x1FF40] =	vst v1;
	v1 =	vld [tilespmem:s25+$0x7C60]  }
0x1bf: {  	[tilespmem:s25+$0x3010] =	vst v30;
	v63 =	vld [tilespmem:s25+$0x3470]  }
0x1c0: {  	[tilespmem:s25+$0x3820] =	vst v7;
	v7 =	vld [tilespmem:s25+$0x3C10]  }
0x1c1: {  	[tilespmem:s25+$0x3860] =	vst v12;
	v12 =	vadd.f32 v0, v6;
	v0 =	vld [tilespmem:$0x1FF40]  }
0x1c2: {  	v23 =	vadd.f32 v23, v62;
	[tilespmem:s25+$0x3800] =	vst v11;
	v11 =	vld [tilespmem:s25+$0x3C20]  }
0x1c3: {  	[tilespmem:s25+$0x3840] =	vst v9;
	v9 =	vld [tilespmem:s25+$0x3C40]  }
0x1c4: {  	v15 =	vadd.f32 v15, v63;
	[tilespmem:s25+$0x3400] =	vst v23;
	v10 =	vld [tilespmem:s25+$0x3C30]  }
0x1c5: {  	[tilespmem:s25+$0x3850] =	vst v8;
	v8 =	vld [tilespmem:s25+$0x3C50]  }
0x1c6: {  	s26 =	simm.s32 $0x200;
	[tilespmem:s25+$0x3470] =	vst v15;
	v6 =	vld [tilespmem:s25+$0x3C60];
	v7 =	vadd.f32 v0, v7  }
.LBB2_5:
0x1c7: {  	_ = 	snop  }
0x1c8: {  	s28 =	sshra.s32 s26, $0x2;
	[tilespmem:s25+$0x3C00] =	vst v12;
	v5 =	vadd.f32 v5, v11;
	v11 =	vld [tilespmem:s25+$0x3C70]  }
0x1c9: {  	v56 =	vld [tilespmem:s28+$0x6000];
	[tilespmem:s25+$0x3C10] =	vst v7;
	v4 =	vadd.f32 v4, v10  }
0x1ca: {  	v59 =	vld [tilespmem:s28+$0x6010];
	v3 =	vadd.f32 v3, v9;
	[tilespmem:s25+$0x3C20] =	vst v5  }
0x1cb: {  	v2 =	vadd.f32 v2, v8;
	v60 =	vld [tilespmem:s28+$0x6020];
	[tilespmem:s25+$0x3C30] =	vst v4  }
0x1cc: {  	v1 =	vadd.f32 v1, v6;
	v61 =	vld [tilespmem:s28+$0x6030];
	[tilespmem:s25+$0x3C40] =	vst v3  }
0x1cd: {  	v62 =	vld [tilespmem:s28+$0x6040];
	[tilespmem:s25+$0x3C50] =	vst v2;
	v0 =	vadd.f32 v17, v11  }
0x1ce: {  	v63 =	vld [tilespmem:s28+$0x6050];
	[tilespmem:s25+$0x3C60] =	vst v1  }
0x1cf: {  	v57 =	vld [tilespmem:s28+$0x6060];
	[tilespmem:s25+$0x3C70] =	vst v0;
	s25 =	smov.u32 s28  }
0x1d0: {  	v58 =	vld [tilespmem:s25+$0x6070]  }
0x1d1: {  	v55 =	vld [tilespmem:s25+$0x6400]  }
0x1d2: {  	v54 =	vld [tilespmem:s25+$0x6410]  }
0x1d3: {  	v53 =	vld [tilespmem:s25+$0x6420]  }
0x1d4: {  	v52 =	vld [tilespmem:s25+$0x6430]  }
0x1d5: {  	v51 =	vld [tilespmem:s25+$0x6440]  }
0x1d6: {  	v50 =	vld [tilespmem:s25+$0x6450]  }
0x1d7: {  	v49 =	vld [tilespmem:s25+$0x6460]  }
0x1d8: {  	v48 =	vld [tilespmem:s25+$0x6470]  }
0x1d9: {  	v47 =	vld [tilespmem:s25+$0x6800]  }
0x1da: {  	v46 =	vld [tilespmem:s25+$0x6810]  }
0x1db: {  	v45 =	vld [tilespmem:s25+$0x6820]  }
0x1dc: {  	v44 =	vld [tilespmem:s25+$0x6830]  }
0x1dd: {  	v43 =	vld [tilespmem:s25+$0x6840]  }
0x1de: {  	v42 =	vld [tilespmem:s25+$0x6850]  }
0x1df: {  	v41 =	vld [tilespmem:s25+$0x6860]  }
0x1e0: {  	v40 =	vld [tilespmem:s25+$0x6870]  }
0x1e1: {  	v39 =	vld [tilespmem:s25+$0x6C00]  }
0x1e2: {  	v38 =	vld [tilespmem:s25+$0x6C10]  }
0x1e3: {  	v37 =	vld [tilespmem:s25+$0x6C20]  }
0x1e4: {  	v36 =	vld [tilespmem:s25+$0x6C30]  }
0x1e5: {  	v35 =	vld [tilespmem:s25+$0x6C40]  }
0x1e6: {  	v34 =	vld [tilespmem:s25+$0x6C50]  }
0x1e7: {  	v0 =	vld [tilespmem:s25+$0x7850]  }
0x1e8: {  	v33 =	vld [tilespmem:s25+$0x6C60]  }
0x1e9: {  	v32 =	vld [tilespmem:s25+$0x6C70]  }
0x1ea: {  	v31 =	vld [tilespmem:s25+$0x7000]  }
0x1eb: {  	v30 =	vld [tilespmem:s25+$0x7010]  }
0x1ec: {  	[tilespmem:$0x1FEA0] =	vst v0;
	v0 =	vld [tilespmem:s25+$0x7860]  }
0x1ed: {  	v29 =	vld [tilespmem:s25+$0x7020]  }
0x1ee: {  	v28 =	vld [tilespmem:s25+$0x7030]  }
0x1ef: {  	v27 =	vld [tilespmem:s25+$0x7040]  }
0x1f0: {  	v26 =	vld [tilespmem:s25+$0x7050]  }
0x1f1: {  	[tilespmem:$0x1FEB0] =	vst v0;
	v0 =	vld [tilespmem:s25+$0x7870]  }
0x1f2: {  	v25 =	vld [tilespmem:s25+$0x7060]  }
0x1f3: {  	v24 =	vld [tilespmem:s25+$0x7070]  }
0x1f4: {  	v23 =	vld [tilespmem:s25+$0x7400]  }
0x1f5: {  	v22 =	vld [tilespmem:s25+$0x7410]  }
0x1f6: {  	[tilespmem:$0x1FEC0] =	vst v0;
	v0 =	vld [tilespmem:s25+$0x7C00]  }
0x1f7: {  	v21 =	vld [tilespmem:s25+$0x7420]  }
0x1f8: {  	v20 =	vld [tilespmem:s25+$0x7430]  }
0x1f9: {  	v19 =	vld [tilespmem:s25+$0x7440]  }
0x1fa: {  	v18 =	vld [tilespmem:s25+$0x7450]  }
0x1fb: {  	[tilespmem:$0x1FED0] =	vst v0;
	v0 =	vld [tilespmem:s25+$0x7C10]  }
0x1fc: {  	v6 =	vld [tilespmem:s25+$0x7460]  }
0x1fd: {  	v7 =	vld [tilespmem:s25+$0x7470]  }
0x1fe: {  	v8 =	vld [tilespmem:s25+$0x7800]  }
0x1ff: {  	v9 =	vld [tilespmem:s25+$0x7810]  }
0x200: {  	[tilespmem:$0x1FEE0] =	vst v0;
	v0 =	vld [tilespmem:s25+$0x2000]  }
0x201: {  	v13 =	vld [tilespmem:s25+$0x2010]  }
0x202: {  	v14 =	vld [tilespmem:s25+$0x2020]  }
0x203: {  	v15 =	vld [tilespmem:s25+$0x2030]  }
0x204: {  	v16 =	vld [tilespmem:s25+$0x2040]  }
0x205: {  	v0 =	vadd.f32 v56, v0;
	v56 =	vld [tilespmem:s25+$0x2050]  }
0x206: {  	v13 =	vadd.f32 v59, v13;
	v59 =	vld [tilespmem:s25+$0x2060]  }
0x207: {  	[tilespmem:s25+$0x2000] =	vst v0;
	v0 =	vadd.f32 v60, v14;
	v14 =	vld [tilespmem:s25+$0x2070]  }
0x208: {  	[tilespmem:s25+$0x2010] =	vst v13;
	v13 =	vadd.f32 v61, v15;
	v15 =	vld [tilespmem:s25+$0x2400]  }
0x209: {  	[tilespmem:s25+$0x2020] =	vst v0;
	v0 =	vadd.f32 v62, v16;
	v16 =	vld [tilespmem:s25+$0x2410]  }
0x20a: {  	[tilespmem:s25+$0x2030] =	vst v13;
	v13 =	vadd.f32 v63, v56;
	v63 =	vld [tilespmem:s25+$0x2420]  }
0x20b: {  	v60 =	vld [tilespmem:s25+$0x2430];
	[tilespmem:s25+$0x2040] =	vst v0;
	v0 =	vadd.f32 v57, v59  }
0x20c: {  	[tilespmem:s25+$0x2050] =	vst v13;
	v13 =	vadd.f32 v58, v14;
	v14 =	vld [tilespmem:s25+$0x2440]  }
0x20d: {  	[tilespmem:s25+$0x2060] =	vst v0;
	v0 =	vadd.f32 v55, v15;
	v15 =	vld [tilespmem:s25+$0x2450]  }
0x20e: {  	[tilespmem:s25+$0x2070] =	vst v13;
	v13 =	vadd.f32 v54, v16;
	v16 =	vld [tilespmem:s25+$0x2460]  }
0x20f: {  	v61 =	vld [tilespmem:s25+$0x2470];
	[tilespmem:s25+$0x2400] =	vst v0;
	v0 =	vadd.f32 v53, v63  }
0x210: {  	v62 =	vld [tilespmem:s25+$0x2800];
	[tilespmem:s25+$0x2410] =	vst v13;
	v13 =	vadd.f32 v52, v60  }
0x211: {  	[tilespmem:s25+$0x2420] =	vst v0;
	v0 =	vadd.f32 v51, v14;
	v14 =	vld [tilespmem:s25+$0x2810]  }
0x212: {  	[tilespmem:s25+$0x2430] =	vst v13;
	v13 =	vadd.f32 v50, v15;
	v15 =	vld [tilespmem:s25+$0x2820]  }
0x213: {  	[tilespmem:s25+$0x2440] =	vst v0;
	v0 =	vadd.f32 v49, v16;
	v16 =	vld [tilespmem:s25+$0x2830]  }
0x214: {  	v63 =	vld [tilespmem:s25+$0x2840];
	[tilespmem:s25+$0x2450] =	vst v13;
	v13 =	vadd.f32 v48, v61  }
0x215: {  	v53 =	vld [tilespmem:s25+$0x2850];
	[tilespmem:s25+$0x2460] =	vst v0;
	v0 =	vadd.f32 v47, v62  }
0x216: {  	[tilespmem:s25+$0x2470] =	vst v13;
	v13 =	vadd.f32 v46, v14;
	v14 =	vld [tilespmem:s25+$0x2860]  }
0x217: {  	[tilespmem:s25+$0x2800] =	vst v0;
	v0 =	vadd.f32 v45, v15;
	v15 =	vld [tilespmem:s25+$0x2870]  }
0x218: {  	[tilespmem:s25+$0x2810] =	vst v13;
	v13 =	vadd.f32 v44, v16;
	v16 =	vld [tilespmem:s25+$0x2C00]  }
0x219: {  	v54 =	vld [tilespmem:s25+$0x2C10];
	[tilespmem:s25+$0x2820] =	vst v0;
	v0 =	vadd.f32 v43, v63  }
0x21a: {  	v55 =	vld [tilespmem:s25+$0x2C20];
	[tilespmem:s25+$0x2830] =	vst v13;
	v13 =	vadd.f32 v42, v53  }
0x21b: {  	[tilespmem:s25+$0x2840] =	vst v0;
	v0 =	vadd.f32 v41, v14;
	v14 =	vld [tilespmem:s25+$0x2C30]  }
0x21c: {  	[tilespmem:s25+$0x2850] =	vst v13;
	v13 =	vadd.f32 v40, v15;
	v15 =	vld [tilespmem:s25+$0x2C40]  }
0x21d: {  	[tilespmem:s25+$0x2860] =	vst v0;
	v0 =	vadd.f32 v39, v16;
	v16 =	vld [tilespmem:s25+$0x2C50]  }
0x21e: {  	v56 =	vld [tilespmem:s25+$0x2C60];
	[tilespmem:s25+$0x2870] =	vst v13;
	v13 =	vadd.f32 v38, v54  }
0x21f: {  	v57 =	vld [tilespmem:s25+$0x2C70];
	[tilespmem:s25+$0x2C00] =	vst v0;
	v0 =	vadd.f32 v37, v55  }
0x220: {  	[tilespmem:s25+$0x2C10] =	vst v13;
	v13 =	vadd.f32 v36, v14;
	v14 =	vld [tilespmem:s25+$0x3000]  }
0x221: {  	[tilespmem:s25+$0x2C20] =	vst v0;
	v0 =	vadd.f32 v35, v15;
	v15 =	vld [tilespmem:s25+$0x3010]  }
0x222: {  	[tilespmem:s25+$0x2C30] =	vst v13;
	v13 =	vadd.f32 v34, v16;
	v16 =	vld [tilespmem:s25+$0x3020]  }
0x223: {  	v58 =	vld [tilespmem:s25+$0x3030];
	[tilespmem:s25+$0x2C40] =	vst v0;
	v0 =	vadd.f32 v33, v56  }
0x224: {  	v59 =	vld [tilespmem:s25+$0x3040];
	[tilespmem:s25+$0x2C50] =	vst v13;
	v13 =	vadd.f32 v32, v57  }
0x225: {  	[tilespmem:s25+$0x2C60] =	vst v0;
	v0 =	vadd.f32 v31, v14;
	v14 =	vld [tilespmem:s25+$0x3050]  }
0x226: {  	[tilespmem:s25+$0x2C70] =	vst v13;
	v13 =	vadd.f32 v30, v15;
	v15 =	vld [tilespmem:s25+$0x3060]  }
0x227: {  	[tilespmem:s25+$0x3000] =	vst v0;
	v0 =	vadd.f32 v29, v16;
	v16 =	vld [tilespmem:s25+$0x3070]  }
0x228: {  	v60 =	vld [tilespmem:s25+$0x3400];
	[tilespmem:s25+$0x3010] =	vst v13;
	v13 =	vadd.f32 v28, v58  }
0x229: {  	v61 =	vld [tilespmem:s25+$0x3410];
	[tilespmem:s25+$0x3020] =	vst v0;
	v0 =	vadd.f32 v27, v59  }
0x22a: {  	[tilespmem:s25+$0x3030] =	vst v13;
	v13 =	vadd.f32 v26, v14;
	v14 =	vld [tilespmem:s25+$0x3420]  }
0x22b: {  	[tilespmem:s25+$0x3040] =	vst v0;
	v0 =	vadd.f32 v25, v15;
	v15 =	vld [tilespmem:s25+$0x3430]  }
0x22c: {  	[tilespmem:s25+$0x3050] =	vst v13;
	v13 =	vadd.f32 v24, v16;
	v16 =	vld [tilespmem:s25+$0x3440]  }
0x22d: {  	v62 =	vld [tilespmem:s25+$0x3450];
	[tilespmem:s25+$0x3060] =	vst v0;
	v0 =	vadd.f32 v23, v60  }
0x22e: {  	v63 =	vld [tilespmem:s25+$0x3460];
	[tilespmem:s25+$0x3070] =	vst v13;
	v13 =	vadd.f32 v22, v61  }
0x22f: {  	v10 =	vld [tilespmem:s25+$0x7820];
	[tilespmem:s25+$0x3400] =	vst v0;
	v0 =	vadd.f32 v21, v14  }
0x230: {  	[tilespmem:s25+$0x3410] =	vst v13;
	v13 =	vadd.f32 v20, v15;
	v15 =	vld [tilespmem:s25+$0x3800]  }
0x231: {  	v11 =	vld [tilespmem:s25+$0x7840];
	[tilespmem:s25+$0x3420] =	vst v0;
	v0 =	vadd.f32 v19, v16  }
0x232: {  	[tilespmem:s25+$0x3430] =	vst v13;
	v13 =	vadd.f32 v18, v62;
	v18 =	vld [tilespmem:s25+$0x3820]  }
0x233: {  	v14 =	vld [tilespmem:s25+$0x3470];
	[tilespmem:s25+$0x3440] =	vst v0;
	v0 =	vadd.f32 v6, v63  }
0x234: {  	[tilespmem:s25+$0x3450] =	vst v13;
	v13 =	vld [tilespmem:s25+$0x3840]  }
0x235: {  	v16 =	vld [tilespmem:s25+$0x3810];
	[tilespmem:s25+$0x3460] =	vst v0;
	v0 =	vadd.f32 v8, v15  }
0x236: {  	v12 =	vld [tilespmem:s25+$0x7830]  }
0x237: {  	v6 =	vld [tilespmem:s25+$0x3830];
	[tilespmem:s25+$0x3800] =	vst v0;
	v0 =	vadd.f32 v10, v18  }
0x238: {  	v5 =	vld [tilespmem:s25+$0x7C20];
	v7 =	vadd.f32 v7, v14  }
0x239: {  	v4 =	vld [tilespmem:s25+$0x7C30];
	[tilespmem:s25+$0x3820] =	vst v0;
	v0 =	vadd.f32 v11, v13  }
0x23a: {  	[tilespmem:s25+$0x3470] =	vst v7;
	v7 =	vadd.f32 v9, v16;
	v9 =	vld [tilespmem:s25+$0x3860]  }
0x23b: {  	[tilespmem:s25+$0x3840] =	vst v0;
	v0 =	vld [tilespmem:$0x1FEB0]  }
0x23c: {  	v3 =	vld [tilespmem:s25+$0x7C40];
	v6 =	vadd.f32 v12, v6  }
0x23d: {  	v8 =	vld [tilespmem:s25+$0x3850]  }
0x23e: {  	[tilespmem:s25+$0x3830] =	vst v6;
	v6 =	vld [tilespmem:$0x1FEA0]  }
0x23f: {  	v2 =	vld [tilespmem:s25+$0x7C50]  }
0x240: {  	v1 =	vld [tilespmem:s25+$0x7C60];
	v0 =	vadd.f32 v0, v9  }
0x241: {  	[tilespmem:s25+$0x3810] =	vst v7;
	v7 =	vld [tilespmem:s25+$0x3C00]  }
0x242: {  	[tilespmem:s25+$0x3860] =	vst v0;
	v0 =	vld [tilespmem:$0x1FED0]  }
0x243: {  	v17 =	vld [tilespmem:s25+$0x7C70];
	v6 =	vadd.f32 v6, v8  }
0x244: {  	v14 =	vld [tilespmem:s25+$0x3870]  }
0x245: {  	[tilespmem:s25+$0x3850] =	vst v6;
	v6 =	vld [tilespmem:$0x1FEC0]  }
0x246: {  	v13 =	vld [tilespmem:s25+$0x3C10]  }
0x247: {  	p0 =	sne.s32 s26, $0xE00;
	v12 =	vadd.f32 v0, v7;
	v0 =	vld [tilespmem:$0x1FEE0]  }
.Ltmp1:
0x248: {  	v10 =	vld [tilespmem:s25+$0x3C30];
	(pc) =	sbr.rel @p0 .LBB2_5-.Ltmp1, $4  }
0x249: {  	v11 =	vld [tilespmem:s25+$0x3C20]  }
0x24a: {  	v8 =	vld [tilespmem:s25+$0x3C50];
	v6 =	vadd.f32 v6, v14  }
0x24b: {  	v9 =	vld [tilespmem:s25+$0x3C40]  }
0x24c: {  	s26 =	sadd.s32 $0x200, s26;
	[tilespmem:s25+$0x3870] =	vst v6;
	v6 =	vld [tilespmem:s25+$0x3C60];
	v7 =	vadd.f32 v0, v13  }
0x24d: {  	[tilespmem:s25+$0x3C00] =	vst v12;
	v60 =	vld [tilespmem:s25+$0x3C70];
	v4 =	vadd.f32 v4, v10  }
0x24e: {  	v0 =	vadd.f32 v5, v11;
	[tilespmem:s25+$0x3C10] =	vst v7  }
0x24f: {  	s23 =	sadd.s32 $0x1, s23;
	[tilespmem:s25+$0x3C30] =	vst v4;
	v2 =	vadd.f32 v2, v8  }
0x250: {  	p0 =	sne.s32 s23, $0x8;
	[tilespmem:s25+$0x3C20] =	vst v0;
	v61 =	vadd.f32 v3, v9  }
.Ltmp2:
0x251: {  	v62 =	vadd.f32 v1, v6;
	[tilespmem:s25+$0x3C50] =	vst v2;
	(pc) =	sbr.rel @p0 .LBB2_2-.Ltmp2, $4  }
0x252: {  	s24 =	sadd.s32 s10, s24;
	[tilespmem:s25+$0x3C40] =	vst v61;
	v63 =	vadd.f32 v17, v60  }
0x253: {  	s24 =	sshll.u32 s24, $0xA;
	[tilespmem:s25+$0x3C60] =	vst v62  }
0x254: {  	s24 =	sadd.s32 s4, s24;
	[tilespmem:s25+$0x3C70] =	vst v63  }
0x255: {  	[hbm4b:s24+s3] =	stream.linear.scatter [tilespmem:s15], [sflag:$0x6], $0x2000, $0x38;
	[tilespmem:$0x8000] =	vst v63  }
0x256: {  	s22 =	sadd.s32 $0x1, s22  }
0x257: {  	_ =	swait.ge [sflag:s20], $0x2000;
	p0 =	sne.s32 s22, s11  }
.Ltmp3:
0x258: {  	[sflag:s20] =	ssyncset.done $0x0;
	(pc) =	sbr.rel @p0 .LBB2_1-.Ltmp3, $4  }
0x259: {  	[sflag:s20] =	ssyncadd.s32 $0xFFFFE000  }
0x25a: {  	_ =	swait.ge [sflag:s21], $0x2000  }
0x25b: {  	[sflag:s21] =	ssyncset.done $0x0  }
0x25c: {  	[sflag:s21] =	ssyncadd.s32 $0xFFFFE000  }
0x25d: {  	_ =	sfence.sel $0x180000  }
0x25e: {  	[bflag:$0x0] =	sbarrier.arrive $0xFFFF  }
0x25f: {  	p0 =	sne.s32 s2, $0x0;
	_ =	strace $0x90000047  }
0x260: {  	s0 =	sadd.s32 @!p0 $0x100000, s0;
	[bflag:$0x2] =	sbarrier.arrive $0xFFFF  }
0x261: {  	[sflag:s0] =	ssyncadd.tile.s32 @!p0 $0x1;
	_ =	shalt  }
.Lfunc_end2:
_tile_overlayer_lowered:
.L_overlay_start_2:
0x262: {  	(tag) =	ssettag $0x2  }
0x263: {  	s0 =	rddreg [dreg:$0x0];
	s2 =	stileid.u32  }
0x264: {  	s1 =	rddreg [dreg:$0x1];
	p0 =	sne.s32 s2, $0x0  }
0x265: {  	s3 =	rddreg [dreg:$0x2];
	[bflag:$0x3] =	sbarrier.arrive $0xFFFF;
	s2 =	simm.s32 @!p0 $0x1C07  }
0x266: {  	[timem:s3], [sflag:s2] =	dma.local @!p0 [hbm:s0], s1  }
0x267: {  	s0 =	simm.s32 @!p0 $0x7  }
0x268: {  	_ =	swait.ge @!p0 [sflag:s0], s1  }
0x269: {  	s1 =	ssub.s32 @!p0 $0x0, s1;
	[sflag:s0] =	ssyncset.done @!p0 $0x0  }
0x26a: {  	[sflag:s0] =	ssyncadd.s32 @!p0 s1  }
0x26b: {  	[bflag:$0x3] =	sbarrier.arrive $0xFFFF  }
0x26c: {  	_ =	shalt  }

</sc_bundles>
